<compile_context>
chip_gen: v7x
topology: tpu7x:2x2x1
jax: 0.10.2.dev20260603
libtpu: 0.0.44.dev20260713+nightly
codegen_flags: <defaults>
</compile_context>

<pallas_src>
import functools

import jax
import jax.numpy as jnp
from jax import lax
from jax.experimental import pallas as pl
from jax.experimental.pallas import tpu as pltpu
from jax.experimental.pallas import tpu_sc as plsc

N = 10000
D = 128
E = 320000

NPAD = 10240
NC = 2
NS = 16
CB = 128
DUMMY = 10016

TOT_CHUNKS = 2560
EPAD_AGG = TOT_CHUNKS * CB
CH0 = 128
CH1 = (TOT_CHUNKS - NS * CH0) // NS
GROUP = 32

DEG_CHUNKS = 160
EW_DEG = DEG_CHUNKS * CB
EPAD_DEG = NS * EW_DEG

ROWS_PER_TILE = NPAD // NS
DEGW = 128


def _fill_const(ref, nrows, value):
    ncols = ref.shape[1]

    def body(i, _):
        for k in range(ncols // 16):
            ref[i, pl.ds(k * 16, 16)] = jnp.full((16,), value, jnp.float32)
        return 0

    lax.fori_loop(0, nrows, body, 0)


@functools.cache
def _sc_degrees_kernel():
    mesh = plsc.VectorSubcoreMesh(core_axis_name="c", subcore_axis_name="s")

    def body(idx_hbm, out_hbm, idx, ones, counts, sem):
        c = lax.axis_index("c")
        s = lax.axis_index("s")

        _fill_const(ones, CB, 0.0)
        def zcp(t, _):
            pltpu.sync_copy(ones, counts.at[pl.ds(s * ROWS_PER_TILE + t * CB, CB)])
            return 0
        lax.fori_loop(0, ROWS_PER_TILE // CB, zcp, 0)
        _fill_const(ones, CB, 1.0)

        pltpu.sync_copy(
            idx_hbm.at[pl.ds(c * (EPAD_DEG // CB) + s * DEG_CHUNKS, DEG_CHUNKS)], idx)
        plsc.subcore_barrier()

        def chunk(j, _):
            pltpu.sync_copy(ones, counts.at[idx.at[j]], add=True)
            return 0
        lax.fori_loop(0, DEG_CHUNKS, chunk, 0)
        plsc.subcore_barrier()

        def ocp(t, _):
            r = s * ROWS_PER_TILE + t * CB
            pltpu.sync_copy(counts.at[pl.ds(r, CB)], out_hbm.at[c, pl.ds(r, CB)])
            return 0
        lax.fori_loop(0, ROWS_PER_TILE // CB, ocp, 0)

    return pl.kernel(
        body,
        out_type=jax.ShapeDtypeStruct((NC, NPAD, DEGW), jnp.float32),
        mesh=mesh,
        scratch_types=[
            pltpu.VMEM((DEG_CHUNKS, CB), jnp.int32),
            pltpu.VMEM((CB, DEGW), jnp.float32),
            pltpu.VMEM_SHARED((NPAD, DEGW), jnp.float32),
            pltpu.SemaphoreType.DMA,
        ],
    )


@functools.cache
def _sc_aggregate_kernel():
    mesh = plsc.VectorSubcoreMesh(core_axis_name="c", subcore_axis_name="s")

    def body(hs_hbm, src_hbm, dst_hbm, out_hbm, sidx, didx, rows_a, rows_b, acc,
             sem_a, sem_b, sem_sa, sem_sb):
        c = lax.axis_index("c")
        s = lax.axis_index("s")

        _fill_const(rows_a, CB, 0.0)
        def zcp(t, _):
            pltpu.sync_copy(rows_a, acc.at[pl.ds(s * ROWS_PER_TILE + t * CB, CB)])
            return 0
        lax.fori_loop(0, ROWS_PER_TILE // CB, zcp, 0)

        plsc.subcore_barrier()

        n_groups = jnp.where(c == 0, CH0 // GROUP, CH1 // GROUP)
        base = jnp.where(c == 0, s * CH0, NS * CH0 + s * CH1)

        def group_body(g, _):
            gb = base + g * GROUP
            pltpu.sync_copy(src_hbm.at[pl.ds(gb, GROUP)], sidx)
            pltpu.sync_copy(dst_hbm.at[pl.ds(gb, GROUP)], didx)

            pltpu.async_copy(hs_hbm.at[sidx.at[0]], rows_a, sem_a)
            pltpu.async_copy(hs_hbm.at[sidx.at[1]], rows_b, sem_b)

            def step(t, _):
                ja = 2 * t
                jb = ja + 1
                pltpu.make_async_copy(hs_hbm.at[sidx.at[ja]], rows_a, sem_a).wait()
                pltpu.async_copy(rows_a, acc.at[didx.at[ja]], sem_sa, add=True)
                pltpu.make_async_copy(hs_hbm.at[sidx.at[jb]], rows_b, sem_b).wait()
                pltpu.async_copy(rows_b, acc.at[didx.at[jb]], sem_sb, add=True)
                pltpu.make_async_copy(rows_a, acc.at[didx.at[ja]], sem_sa).wait()
                pltpu.async_copy(hs_hbm.at[sidx.at[ja + 2]], rows_a, sem_a)
                pltpu.make_async_copy(rows_b, acc.at[didx.at[jb]], sem_sb).wait()
                pltpu.async_copy(hs_hbm.at[sidx.at[jb + 2]], rows_b, sem_b)
                return 0
            lax.fori_loop(0, GROUP // 2 - 1, step, 0)

            for j in (GROUP - 2, GROUP - 1):
                buf, sem, ssem = ((rows_a, sem_a, sem_sa) if j % 2 == 0
                                  else (rows_b, sem_b, sem_sb))
                pltpu.make_async_copy(hs_hbm.at[sidx.at[j]], buf, sem).wait()
                pltpu.async_copy(buf, acc.at[didx.at[j]], ssem, add=True)
                pltpu.make_async_copy(buf, acc.at[didx.at[j]], ssem).wait()
            return 0

        lax.fori_loop(0, n_groups, group_body, 0)
        plsc.subcore_barrier()

        def ocp(t, _):
            r = s * ROWS_PER_TILE + t * CB
            pltpu.sync_copy(acc.at[pl.ds(r, CB)], out_hbm.at[c, pl.ds(r, CB)])
            return 0
        lax.fori_loop(0, ROWS_PER_TILE // CB, ocp, 0)

    return pl.kernel(
        body,
        out_type=jax.ShapeDtypeStruct((NC, NPAD, D), jnp.float32),
        mesh=mesh,
        scratch_types=[
            pltpu.VMEM((GROUP, CB), jnp.int32),
            pltpu.VMEM((GROUP, CB), jnp.int32),
            pltpu.VMEM((CB, D), jnp.float32),
            pltpu.VMEM((CB, D), jnp.float32),
            pltpu.VMEM_SHARED((NPAD, D), jnp.float32),
            pltpu.SemaphoreType.DMA,
            pltpu.SemaphoreType.DMA,
            pltpu.SemaphoreType.DMA,
            pltpu.SemaphoreType.DMA,
        ],
    )


BLK = 1024


def _norm(deg_blk):
    return lax.rsqrt(jnp.maximum(deg_blk, 1.0))


def _tc_entry(x, w, deg_out):
    def body(x_ref, w_ref, d_ref, o_ref):
        h = jnp.dot(x_ref[...], w_ref[...],
                    preferred_element_type=jnp.float32)
        o_ref[...] = h * _norm(d_ref[...])

    return pl.pallas_call(
        body,
        grid=(NPAD // BLK,),
        in_specs=[
            pl.BlockSpec((BLK, D), lambda i: (i, 0)),
            pl.BlockSpec((D, D), lambda i: (0, 0)),
            pl.BlockSpec((BLK, 1), lambda i: (i, 0)),
        ],
        out_specs=pl.BlockSpec((BLK, D), lambda i: (i, 0)),
        out_shape=jax.ShapeDtypeStruct((NPAD, D), jnp.float32),
    )(x, w, deg_out)


def _tc_mid(agg, deg_in, b, w, deg_out):
    def body(a_ref, di_ref, b_ref, w_ref, do_ref, o_ref):
        total = a_ref[0] + a_ref[1]
        h = jnp.maximum(total * _norm(di_ref[...]) + b_ref[...], 0.0)
        hs = jnp.dot(h, w_ref[...],
                     preferred_element_type=jnp.float32)
        o_ref[...] = hs * _norm(do_ref[...])

    return pl.pallas_call(
        body,
        grid=(NPAD // BLK,),
        in_specs=[
            pl.BlockSpec((NC, BLK, D), lambda i: (0, i, 0)),
            pl.BlockSpec((BLK, 1), lambda i: (i, 0)),
            pl.BlockSpec((1, D), lambda i: (0, 0)),
            pl.BlockSpec((D, D), lambda i: (0, 0)),
            pl.BlockSpec((BLK, 1), lambda i: (i, 0)),
        ],
        out_specs=pl.BlockSpec((BLK, D), lambda i: (i, 0)),
        out_shape=jax.ShapeDtypeStruct((NPAD, D), jnp.float32),
    )(agg, deg_in, b, w, deg_out)


def _tc_final(agg, deg_in, b):
    def body(a_ref, di_ref, b_ref, o_ref):
        total = a_ref[0] + a_ref[1]
        o_ref[...] = total * _norm(di_ref[...]) + b_ref[...]

    return pl.pallas_call(
        body,
        grid=(NPAD // BLK,),
        in_specs=[
            pl.BlockSpec((NC, BLK, D), lambda i: (0, i, 0)),
            pl.BlockSpec((BLK, 1), lambda i: (i, 0)),
            pl.BlockSpec((1, D), lambda i: (0, 0)),
        ],
        out_specs=pl.BlockSpec((BLK, D), lambda i: (i, 0)),
        out_shape=jax.ShapeDtypeStruct((NPAD, D), jnp.float32),
    )(agg, deg_in, b)


def kernel(x, edge_index, W0, b0, W1, b1, W2, b2):
    src = edge_index[0]
    dst = edge_index[1]

    pad_a = EPAD_AGG - E
    src_a = jnp.concatenate([src, jnp.zeros((pad_a,), jnp.int32)]).reshape(-1, CB)
    dst_a = jnp.concatenate([dst, jnp.full((pad_a,), DUMMY, jnp.int32)]).reshape(-1, CB)
    src_d = jnp.concatenate([src, jnp.full((EPAD_DEG - E,), DUMMY, jnp.int32)]).reshape(-1, CB)
    idx_d = jnp.concatenate([src_d, dst_a])

    x_pad = jnp.pad(x, ((0, NPAD - N), (0, 0)))
    b0_2d = b0.reshape(1, D)
    b1_2d = b1.reshape(1, D)
    b2_2d = b2.reshape(1, D)

    deg2 = _sc_degrees_kernel()(idx_d)
    deg_out = deg2[0, :, :1]
    deg_in = deg2[1, :, :1]

    agg_fn = _sc_aggregate_kernel()

    hs = _tc_entry(x_pad, W0, deg_out)
    agg = agg_fn(hs, src_a, dst_a)
    hs = _tc_mid(agg, deg_in, b0_2d, W1, deg_out)
    agg = agg_fn(hs, src_a, dst_a)
    hs = _tc_mid(agg, deg_in, b1_2d, W2, deg_out)
    agg = agg_fn(hs, src_a, dst_a)
    out = _tc_final(agg, deg_in, b2_2d)
    return out[:N]

# --- scband reference (transcript-rebuilt; emitter-appended) ---
"""Pipeline reference for scband-gcn-63513976373416 (READ-ONLY COPY).

The authoritative reference and input builder live on the scoring server;
editing this copy changes nothing except your own understanding.
"""

import jax, jax.numpy as jnp
import numpy as np

N = 10000
E = 320000
D = 128


def setup_inputs(seed: int = 0) -> dict:
    key = jax.random.key(seed)
    ks = jax.random.split(key, 8)
    x = jax.random.normal(ks[0], (N, D), dtype=jnp.float32)
    edge_index = jax.random.randint(ks[1], (2, E), 0, N, dtype=jnp.int32)
    scale = 1.0 / np.sqrt(D)
    W0 = jax.random.normal(ks[2], (D, D), dtype=jnp.float32) * scale
    b0 = jnp.zeros((D,), dtype=jnp.float32)
    W1 = jax.random.normal(ks[3], (D, D), dtype=jnp.float32) * scale
    b1 = jnp.zeros((D,), dtype=jnp.float32)
    W2 = jax.random.normal(ks[4], (D, D), dtype=jnp.float32) * scale
    b2 = jnp.zeros((D,), dtype=jnp.float32)
    return {"x": x, "edge_index": edge_index, "W0": W0, "b0": b0, "W1": W1, "b1": b1, "W2": W2, "b2": b2}


def _gcn_conv(h, W, b, src, dst, n):
    # DGL GraphConv with norm='both': D_dst^{-1/2} A D_src^{-1/2} (H W) + b
    h = h @ W
    ones = jnp.ones((src.shape[0],), dtype=h.dtype)
    deg_out = jax.ops.segment_sum(ones, src, num_segments=n)
    norm_src = jnp.clip(deg_out, 1.0, None) ** -0.5
    h = h * norm_src[:, None]
    agg = jax.ops.segment_sum(h[src], dst, num_segments=n)
    deg_in = jax.ops.segment_sum(ones, dst, num_segments=n)
    norm_dst = jnp.clip(deg_in, 1.0, None) ** -0.5
    return agg * norm_dst[:, None] + b


def reference(x, edge_index, W0, b0, W1, b1, W2, b2):
    src = edge_index[0]
    dst = edge_index[1]
    n = x.shape[0]
    h = jax.nn.relu(_gcn_conv(x, W0, b0, src, dst, n))
    h = jax.nn.relu(_gcn_conv(h, W1, b1, src, dst, n))
    h = _gcn_conv(h, W2, b2, src, dst, n)
    return h

if __name__ == "__main__":
    import jax
    _d = setup_inputs()
    print(jax.jit(kernel)(*tuple(_d.values())))

</pallas_src>

<mosaic_0001>
#map = affine_map<(d0, d1) -> (0, 0)>
#map1 = affine_map<(d0, d1) -> (0, 0, 0)>
module attributes {stable_mosaic.version = 14 : i64} {
  func.func @body(%arg0: i32, %arg1: i32, %arg2: memref<5120x128xi32, #tpu.memory_space<hbm>>, %arg3: memref<2x10240x128xf32, #tpu.memory_space<hbm>>, %arg4: memref<160x128xi32, #tpu.memory_space<vmem>>, %arg5: memref<128x128xf32, #tpu.memory_space<vmem>>, %arg6: memref<10240x128xf32, #tpu.memory_space<vmem_shared>>, %arg7: memref<!tpu.dma_semaphore, #tpu.memory_space<semaphore_mem>>) attributes {dimension_semantics = [#tpu.dimension_semantics<core_parallel>, #tpu.dimension_semantics<subcore_parallel>], iteration_bounds = array<i64: 2, 16>, scalar_prefetch = 0 : i64, scratch_operands = 4 : i64, tpu.core_type = #tpu.core_type<sc_vector_subcore>, window_params = [{transform_indices = #map}, {transform_indices = #map1}]} {
    %scan3A = arith.constant 0 : i32
    %scan3A_0 = arith.constant 0 : i32
    %scan3A_1 = arith.constant 128 : i32
    %scan3A_2 = arith.addi %scan3A_0, %scan3A_1 : i32
    %scan3A_3 = arith.constant 1 : i32
    %scan3A_4 = scf.for %scan3A_38 = %scan3A_0 to %scan3A_2 step %scan3A_3 iter_args(%scan3A_39 = %scan3A) -> (i32)  : i32 {
      %broadcast_in_dim3A = arith.constant 0.000000e+00 : f32
      %broadcast_in_dim3A_40 = vector.broadcast %broadcast_in_dim3A : f32 to vector<16xf32>
      %swap3A = arith.index_cast %scan3A_38 : i32 to index
      %swap3A_41 = arith.constant 0 : index
      %swap3A_42 = tpu.vector_load %arg5[%swap3A, %swap3A_41] {strides = array<i32>} : memref<128x128xf32, #tpu.memory_space<vmem>>, vector<1x16xf32>,
      %swap3A_43 = vector.shape_cast %swap3A_42 : vector<1x16xf32> to vector<16xf32>
      %swap3A_44 = vector.shape_cast %broadcast_in_dim3A_40 : vector<16xf32> to vector<1x16xf32>
      tpu.vector_store %arg5[%swap3A, %swap3A_41], %swap3A_44 {strides = array<i32>} : memref<128x128xf32, #tpu.memory_space<vmem>>, vector<1x16xf32>,
      %broadcast_in_dim3A_45 = arith.constant 0.000000e+00 : f32
      %broadcast_in_dim3A_46 = vector.broadcast %broadcast_in_dim3A_45 : f32 to vector<16xf32>
      %swap3A_47 = arith.index_cast %scan3A_38 : i32 to index
      %swap3A_48 = arith.constant 16 : index
      %swap3A_49 = tpu.vector_load %arg5[%swap3A_47, %swap3A_48] {strides = array<i32>} : memref<128x128xf32, #tpu.memory_space<vmem>>, vector<1x16xf32>,
      %swap3A_50 = vector.shape_cast %swap3A_49 : vector<1x16xf32> to vector<16xf32>
      %swap3A_51 = vector.shape_cast %broadcast_in_dim3A_46 : vector<16xf32> to vector<1x16xf32>
      tpu.vector_store %arg5[%swap3A_47, %swap3A_48], %swap3A_51 {strides = array<i32>} : memref<128x128xf32, #tpu.memory_space<vmem>>, vector<1x16xf32>,
      %broadcast_in_dim3A_52 = arith.constant 0.000000e+00 : f32
      %broadcast_in_dim3A_53 = vector.broadcast %broadcast_in_dim3A_52 : f32 to vector<16xf32>
      %swap3A_54 = arith.index_cast %scan3A_38 : i32 to index
      %swap3A_55 = arith.constant 32 : index
      %swap3A_56 = tpu.vector_load %arg5[%swap3A_54, %swap3A_55] {strides = array<i32>} : memref<128x128xf32, #tpu.memory_space<vmem>>, vector<1x16xf32>,
      %swap3A_57 = vector.shape_cast %swap3A_56 : vector<1x16xf32> to vector<16xf32>
      %swap3A_58 = vector.shape_cast %broadcast_in_dim3A_53 : vector<16xf32> to vector<1x16xf32>
      tpu.vector_store %arg5[%swap3A_54, %swap3A_55], %swap3A_58 {strides = array<i32>} : memref<128x128xf32, #tpu.memory_space<vmem>>, vector<1x16xf32>,
      %broadcast_in_dim3A_59 = arith.constant 0.000000e+00 : f32
      %broadcast_in_dim3A_60 = vector.broadcast %broadcast_in_dim3A_59 : f32 to vector<16xf32>
      %swap3A_61 = arith.index_cast %scan3A_38 : i32 to index
      %swap3A_62 = arith.constant 48 : index
      %swap3A_63 = tpu.vector_load %arg5[%swap3A_61, %swap3A_62] {strides = array<i32>} : memref<128x128xf32, #tpu.memory_space<vmem>>, vector<1x16xf32>,
      %swap3A_64 = vector.shape_cast %swap3A_63 : vector<1x16xf32> to vector<16xf32>
      %swap3A_65 = vector.shape_cast %broadcast_in_dim3A_60 : vector<16xf32> to vector<1x16xf32>
      tpu.vector_store %arg5[%swap3A_61, %swap3A_62], %swap3A_65 {strides = array<i32>} : memref<128x128xf32, #tpu.memory_space<vmem>>, vector<1x16xf32>,
      %broadcast_in_dim3A_66 = arith.constant 0.000000e+00 : f32
      %broadcast_in_dim3A_67 = vector.broadcast %broadcast_in_dim3A_66 : f32 to vector<16xf32>
      %swap3A_68 = arith.index_cast %scan3A_38 : i32 to index
      %swap3A_69 = arith.constant 64 : index
      %swap3A_70 = tpu.vector_load %arg5[%swap3A_68, %swap3A_69] {strides = array<i32>} : memref<128x128xf32, #tpu.memory_space<vmem>>, vector<1x16xf32>,
      %swap3A_71 = vector.shape_cast %swap3A_70 : vector<1x16xf32> to vector<16xf32>
      %swap3A_72 = vector.shape_cast %broadcast_in_dim3A_67 : vector<16xf32> to vector<1x16xf32>
      tpu.vector_store %arg5[%swap3A_68, %swap3A_69], %swap3A_72 {strides = array<i32>} : memref<128x128xf32, #tpu.memory_space<vmem>>, vector<1x16xf32>,
      %broadcast_in_dim3A_73 = arith.constant 0.000000e+00 : f32
      %broadcast_in_dim3A_74 = vector.broadcast %broadcast_in_dim3A_73 : f32 to vector<16xf32>
      %swap3A_75 = arith.index_cast %scan3A_38 : i32 to index
      %swap3A_76 = arith.constant 80 : index
      %swap3A_77 = tpu.vector_load %arg5[%swap3A_75, %swap3A_76] {strides = array<i32>} : memref<128x128xf32, #tpu.memory_space<vmem>>, vector<1x16xf32>,
      %swap3A_78 = vector.shape_cast %swap3A_77 : vector<1x16xf32> to vector<16xf32>
      %swap3A_79 = vector.shape_cast %broadcast_in_dim3A_74 : vector<16xf32> to vector<1x16xf32>
      tpu.vector_store %arg5[%swap3A_75, %swap3A_76], %swap3A_79 {strides = array<i32>} : memref<128x128xf32, #tpu.memory_space<vmem>>, vector<1x16xf32>,
      %broadcast_in_dim3A_80 = arith.constant 0.000000e+00 : f32
      %broadcast_in_dim3A_81 = vector.broadcast %broadcast_in_dim3A_80 : f32 to vector<16xf32>
      %swap3A_82 = arith.index_cast %scan3A_38 : i32 to index
      %swap3A_83 = arith.constant 96 : index
      %swap3A_84 = tpu.vector_load %arg5[%swap3A_82, %swap3A_83] {strides = array<i32>} : memref<128x128xf32, #tpu.memory_space<vmem>>, vector<1x16xf32>,
      %swap3A_85 = vector.shape_cast %swap3A_84 : vector<1x16xf32> to vector<16xf32>
      %swap3A_86 = vector.shape_cast %broadcast_in_dim3A_81 : vector<16xf32> to vector<1x16xf32>
      tpu.vector_store %arg5[%swap3A_82, %swap3A_83], %swap3A_86 {strides = array<i32>} : memref<128x128xf32, #tpu.memory_space<vmem>>, vector<1x16xf32>,
      %broadcast_in_dim3A_87 = arith.constant 0.000000e+00 : f32
      %broadcast_in_dim3A_88 = vector.broadcast %broadcast_in_dim3A_87 : f32 to vector<16xf32>
      %swap3A_89 = arith.index_cast %scan3A_38 : i32 to index
      %swap3A_90 = arith.constant 112 : index
      %swap3A_91 = tpu.vector_load %arg5[%swap3A_89, %swap3A_90] {strides = array<i32>} : memref<128x128xf32, #tpu.memory_space<vmem>>, vector<1x16xf32>,
      %swap3A_92 = vector.shape_cast %swap3A_91 : vector<1x16xf32> to vector<16xf32>
      %swap3A_93 = vector.shape_cast %broadcast_in_dim3A_88 : vector<16xf32> to vector<1x16xf32>
      tpu.vector_store %arg5[%swap3A_89, %swap3A_90], %swap3A_93 {strides = array<i32>} : memref<128x128xf32, #tpu.memory_space<vmem>>, vector<1x16xf32>,
      %scan3A_94 = arith.constant 0 : i32
      scf.yield %scan3A_94 : i32
    }
    %scan3A_5 = arith.constant 128 : i32
    %scan3A_6 = arith.constant 0 : i32
    %scan3A_7 = arith.constant 0 : i32
    %scan3A_8 = arith.constant 5 : i32
    %scan3A_9 = arith.addi %scan3A_7, %scan3A_8 : i32
    %scan3A_10 = arith.constant 1 : i32
    %scan3A_11 = scf.for %scan3A_38 = %scan3A_7 to %scan3A_9 step %scan3A_10 iter_args(%scan3A_39 = %scan3A_6) -> (i32)  : i32 {
      %mul3A_40 = arith.constant 640 : i32
      %mul3A_41 = arith.muli %arg1, %mul3A_40 : i32
      %mul3A_42 = arith.constant 128 : i32
      %mul3A_43 = arith.muli %scan3A_38, %mul3A_42 : i32
      %add3A_44 = arith.addi %mul3A_41, %mul3A_43 : i32
      "tpu.region"() ({
        %run_scoped3A = tpu.sem_alloc : memref<!tpu.dma_semaphore, #tpu.memory_space<semaphore_mem>>
        %dma_start3A = arith.constant 0 : i32
        %dma_start3A_46 = tpu.memref_slice %arg6[%add3A_44, %dma_start3A] : memref<10240x128xf32, #tpu.memory_space<vmem_shared>> -> memref<128x128xf32, #tpu.memory_space<vmem_shared>>
        %dma_start3A_47 = arith.constant 0 : i32
        %dma_start3A_48 = tpu.memref_slice %arg6[%add3A_44, %dma_start3A_47] : memref<10240x128xf32, #tpu.memory_space<vmem_shared>> -> memref<128x128xf32, #tpu.memory_space<vmem_shared>>
        tpu.enqueue_dma source(%arg5 : memref<128x128xf32, #tpu.memory_space<vmem>>) target(%dma_start3A_48 : memref<128x128xf32, #tpu.memory_space<vmem_shared>>) target_semaphore(%run_scoped3A : memref<!tpu.dma_semaphore, #tpu.memory_space<semaphore_mem>>)
        %dma_wait3A = arith.constant 0 : i32
        %dma_wait3A_49 = tpu.memref_slice %arg6[%add3A_44, %dma_wait3A] : memref<10240x128xf32, #tpu.memory_space<vmem_shared>> -> memref<128x128xf32, #tpu.memory_space<vmem_shared>>
        %dma_wait3A_50 = arith.constant 0 : i32
        %dma_wait3A_51 = tpu.memref_slice %arg6[%add3A_44, %dma_wait3A_50] : memref<10240x128xf32, #tpu.memory_space<vmem_shared>> -> memref<128x128xf32, #tpu.memory_space<vmem_shared>>
        tpu.wait_dma2 semaphore(%run_scoped3A : memref<!tpu.dma_semaphore, #tpu.memory_space<semaphore_mem>>) src(%arg5 : memref<128x128xf32, #tpu.memory_space<vmem>>) dst(%dma_wait3A_51 : memref<128x128xf32, #tpu.memory_space<vmem_shared>>)
        tpu.yield
      }) : () -> ()
      %scan3A_45 = arith.constant 0 : i32
      scf.yield %scan3A_45 : i32
    }
    %scan3A_12 = arith.constant 5 : i32
    %scan3A_13 = arith.constant 0 : i32
    %scan3A_14 = arith.constant 0 : i32
    %scan3A_15 = arith.constant 128 : i32
    %scan3A_16 = arith.addi %scan3A_14, %scan3A_15 : i32
    %scan3A_17 = arith.constant 1 : i32
    %scan3A_18 = scf.for %scan3A_38 = %scan3A_14 to %scan3A_16 step %scan3A_17 iter_args(%scan3A_39 = %scan3A_13) -> (i32)  : i32 {
      %broadcast_in_dim3A = arith.constant 1.000000e+00 : f32
      %broadcast_in_dim3A_40 = vector.broadcast %broadcast_in_dim3A : f32 to vector<16xf32>
      %swap3A = arith.index_cast %scan3A_38 : i32 to index
      %swap3A_41 = arith.constant 0 : index
      %swap3A_42 = tpu.vector_load %arg5[%swap3A, %swap3A_41] {strides = array<i32>} : memref<128x128xf32, #tpu.memory_space<vmem>>, vector<1x16xf32>,
      %swap3A_43 = vector.shape_cast %swap3A_42 : vector<1x16xf32> to vector<16xf32>
      %swap3A_44 = vector.shape_cast %broadcast_in_dim3A_40 : vector<16xf32> to vector<1x16xf32>
      tpu.vector_store %arg5[%swap3A, %swap3A_41], %swap3A_44 {strides = array<i32>} : memref<128x128xf32, #tpu.memory_space<vmem>>, vector<1x16xf32>,
      %broadcast_in_dim3A_45 = arith.constant 1.000000e+00 : f32
      %broadcast_in_dim3A_46 = vector.broadcast %broadcast_in_dim3A_45 : f32 to vector<16xf32>
      %swap3A_47 = arith.index_cast %scan3A_38 : i32 to index
      %swap3A_48 = arith.constant 16 : index
      %swap3A_49 = tpu.vector_load %arg5[%swap3A_47, %swap3A_48] {strides = array<i32>} : memref<128x128xf32, #tpu.memory_space<vmem>>, vector<1x16xf32>,
      %swap3A_50 = vector.shape_cast %swap3A_49 : vector<1x16xf32> to vector<16xf32>
      %swap3A_51 = vector.shape_cast %broadcast_in_dim3A_46 : vector<16xf32> to vector<1x16xf32>
      tpu.vector_store %arg5[%swap3A_47, %swap3A_48], %swap3A_51 {strides = array<i32>} : memref<128x128xf32, #tpu.memory_space<vmem>>, vector<1x16xf32>,
      %broadcast_in_dim3A_52 = arith.constant 1.000000e+00 : f32
      %broadcast_in_dim3A_53 = vector.broadcast %broadcast_in_dim3A_52 : f32 to vector<16xf32>
      %swap3A_54 = arith.index_cast %scan3A_38 : i32 to index
      %swap3A_55 = arith.constant 32 : index
      %swap3A_56 = tpu.vector_load %arg5[%swap3A_54, %swap3A_55] {strides = array<i32>} : memref<128x128xf32, #tpu.memory_space<vmem>>, vector<1x16xf32>,
      %swap3A_57 = vector.shape_cast %swap3A_56 : vector<1x16xf32> to vector<16xf32>
      %swap3A_58 = vector.shape_cast %broadcast_in_dim3A_53 : vector<16xf32> to vector<1x16xf32>
      tpu.vector_store %arg5[%swap3A_54, %swap3A_55], %swap3A_58 {strides = array<i32>} : memref<128x128xf32, #tpu.memory_space<vmem>>, vector<1x16xf32>,
      %broadcast_in_dim3A_59 = arith.constant 1.000000e+00 : f32
      %broadcast_in_dim3A_60 = vector.broadcast %broadcast_in_dim3A_59 : f32 to vector<16xf32>
      %swap3A_61 = arith.index_cast %scan3A_38 : i32 to index
      %swap3A_62 = arith.constant 48 : index
      %swap3A_63 = tpu.vector_load %arg5[%swap3A_61, %swap3A_62] {strides = array<i32>} : memref<128x128xf32, #tpu.memory_space<vmem>>, vector<1x16xf32>,
      %swap3A_64 = vector.shape_cast %swap3A_63 : vector<1x16xf32> to vector<16xf32>
      %swap3A_65 = vector.shape_cast %broadcast_in_dim3A_60 : vector<16xf32> to vector<1x16xf32>
      tpu.vector_store %arg5[%swap3A_61, %swap3A_62], %swap3A_65 {strides = array<i32>} : memref<128x128xf32, #tpu.memory_space<vmem>>, vector<1x16xf32>,
      %broadcast_in_dim3A_66 = arith.constant 1.000000e+00 : f32
      %broadcast_in_dim3A_67 = vector.broadcast %broadcast_in_dim3A_66 : f32 to vector<16xf32>
      %swap3A_68 = arith.index_cast %scan3A_38 : i32 to index
      %swap3A_69 = arith.constant 64 : index
      %swap3A_70 = tpu.vector_load %arg5[%swap3A_68, %swap3A_69] {strides = array<i32>} : memref<128x128xf32, #tpu.memory_space<vmem>>, vector<1x16xf32>,
      %swap3A_71 = vector.shape_cast %swap3A_70 : vector<1x16xf32> to vector<16xf32>
      %swap3A_72 = vector.shape_cast %broadcast_in_dim3A_67 : vector<16xf32> to vector<1x16xf32>
      tpu.vector_store %arg5[%swap3A_68, %swap3A_69], %swap3A_72 {strides = array<i32>} : memref<128x128xf32, #tpu.memory_space<vmem>>, vector<1x16xf32>,
      %broadcast_in_dim3A_73 = arith.constant 1.000000e+00 : f32
      %broadcast_in_dim3A_74 = vector.broadcast %broadcast_in_dim3A_73 : f32 to vector<16xf32>
      %swap3A_75 = arith.index_cast %scan3A_38 : i32 to index
      %swap3A_76 = arith.constant 80 : index
      %swap3A_77 = tpu.vector_load %arg5[%swap3A_75, %swap3A_76] {strides = array<i32>} : memref<128x128xf32, #tpu.memory_space<vmem>>, vector<1x16xf32>,
      %swap3A_78 = vector.shape_cast %swap3A_77 : vector<1x16xf32> to vector<16xf32>
      %swap3A_79 = vector.shape_cast %broadcast_in_dim3A_74 : vector<16xf32> to vector<1x16xf32>
      tpu.vector_store %arg5[%swap3A_75, %swap3A_76], %swap3A_79 {strides = array<i32>} : memref<128x128xf32, #tpu.memory_space<vmem>>, vector<1x16xf32>,
      %broadcast_in_dim3A_80 = arith.constant 1.000000e+00 : f32
      %broadcast_in_dim3A_81 = vector.broadcast %broadcast_in_dim3A_80 : f32 to vector<16xf32>
      %swap3A_82 = arith.index_cast %scan3A_38 : i32 to index
      %swap3A_83 = arith.constant 96 : index
      %swap3A_84 = tpu.vector_load %arg5[%swap3A_82, %swap3A_83] {strides = array<i32>} : memref<128x128xf32, #tpu.memory_space<vmem>>, vector<1x16xf32>,
      %swap3A_85 = vector.shape_cast %swap3A_84 : vector<1x16xf32> to vector<16xf32>
      %swap3A_86 = vector.shape_cast %broadcast_in_dim3A_81 : vector<16xf32> to vector<1x16xf32>
      tpu.vector_store %arg5[%swap3A_82, %swap3A_83], %swap3A_86 {strides = array<i32>} : memref<128x128xf32, #tpu.memory_space<vmem>>, vector<1x16xf32>,
      %broadcast_in_dim3A_87 = arith.constant 1.000000e+00 : f32
      %broadcast_in_dim3A_88 = vector.broadcast %broadcast_in_dim3A_87 : f32 to vector<16xf32>
      %swap3A_89 = arith.index_cast %scan3A_38 : i32 to index
      %swap3A_90 = arith.constant 112 : index
      %swap3A_91 = tpu.vector_load %arg5[%swap3A_89, %swap3A_90] {strides = array<i32>} : memref<128x128xf32, #tpu.memory_space<vmem>>, vector<1x16xf32>,
      %swap3A_92 = vector.shape_cast %swap3A_91 : vector<1x16xf32> to vector<16xf32>
      %swap3A_93 = vector.shape_cast %broadcast_in_dim3A_88 : vector<16xf32> to vector<1x16xf32>
      tpu.vector_store %arg5[%swap3A_89, %swap3A_90], %swap3A_93 {strides = array<i32>} : memref<128x128xf32, #tpu.memory_space<vmem>>, vector<1x16xf32>,
      %scan3A_94 = arith.constant 0 : i32
      scf.yield %scan3A_94 : i32
    }
    %scan3A_19 = arith.constant 128 : i32
    %mul3A = arith.constant 2560 : i32
    %mul3A_20 = arith.muli %arg0, %mul3A : i32
    %mul3A_21 = arith.constant 160 : i32
    %mul3A_22 = arith.muli %arg1, %mul3A_21 : i32
    %add3A = arith.addi %mul3A_20, %mul3A_22 : i32
    "tpu.region"() ({
      %run_scoped3A = tpu.sem_alloc : memref<!tpu.dma_semaphore, #tpu.memory_space<semaphore_mem>>
      %dma_start3A = arith.constant 0 : i32
      %dma_start3A_38 = tpu.memref_slice %arg2[%add3A, %dma_start3A] : memref<5120x128xi32, #tpu.memory_space<hbm>> -> memref<160x128xi32, #tpu.memory_space<hbm>>
      %dma_start3A_39 = arith.constant 0 : i32
      %dma_start3A_40 = tpu.memref_slice %arg2[%add3A, %dma_start3A_39] : memref<5120x128xi32, #tpu.memory_space<hbm>> -> memref<160x128xi32, #tpu.memory_space<hbm>>
      tpu.enqueue_dma source(%dma_start3A_40 : memref<160x128xi32, #tpu.memory_space<hbm>>) target(%arg4 : memref<160x128xi32, #tpu.memory_space<vmem>>) target_semaphore(%run_scoped3A : memref<!tpu.dma_semaphore, #tpu.memory_space<semaphore_mem>>)
      %dma_wait3A = arith.constant 0 : i32
      %dma_wait3A_41 = tpu.memref_slice %arg2[%add3A, %dma_wait3A] : memref<5120x128xi32, #tpu.memory_space<hbm>> -> memref<160x128xi32, #tpu.memory_space<hbm>>
      %dma_wait3A_42 = arith.constant 0 : i32
      %dma_wait3A_43 = tpu.memref_slice %arg2[%add3A, %dma_wait3A_42] : memref<5120x128xi32, #tpu.memory_space<hbm>> -> memref<160x128xi32, #tpu.memory_space<hbm>>
      tpu.wait_dma2 semaphore(%run_scoped3A : memref<!tpu.dma_semaphore, #tpu.memory_space<semaphore_mem>>) src(%dma_wait3A_43 : memref<160x128xi32, #tpu.memory_space<hbm>>) dst(%arg4 : memref<160x128xi32, #tpu.memory_space<vmem>>)
      tpu.yield
    }) : () -> ()
    %barrier3A = arith.constant 0 : index
    tpu.barrier barrier_id(%barrier3A)
    %scan3A_23 = arith.constant 0 : i32
    %scan3A_24 = arith.constant 0 : i32
    %scan3A_25 = arith.constant 160 : i32
    %scan3A_26 = arith.addi %scan3A_24, %scan3A_25 : i32
    %scan3A_27 = arith.constant 1 : i32
    %scan3A_28 = scf.for %scan3A_38 = %scan3A_24 to %scan3A_26 step %scan3A_27 iter_args(%scan3A_39 = %scan3A_23) -> (i32)  : i32 {
      "tpu.region"() ({
        %run_scoped3A = tpu.sem_alloc : memref<!tpu.dma_semaphore, #tpu.memory_space<semaphore_mem>>
        %dma_start3A = arith.constant 0 : i32
        %dma_start3A_41 = tpu.memref_slice %arg4[%scan3A_38, %dma_start3A] : memref<160x128xi32, #tpu.memory_space<vmem>> -> memref<1x128xi32, #tpu.memory_space<vmem>>
        %dma_start3A_42 = tpu.memref_squeeze %dma_start3A_41 : memref<1x128xi32, #tpu.memory_space<vmem>> -> memref<128xi32, #tpu.memory_space<vmem>>
        %dma_start3A_43 = arith.constant 0 : i32
        %dma_start3A_44 = arith.constant 0 : i32
        %dma_start3A_45 = tpu.memref_slice %arg6[%dma_start3A_43, %dma_start3A_44] : memref<10240x128xf32, #tpu.memory_space<vmem_shared>> -> memref<10240x128xf32, #tpu.memory_space<vmem_shared>>
        tpu.enqueue_indirect_dma source(%arg5 : memref<128x128xf32, #tpu.memory_space<vmem>>) target(%dma_start3A_45 : memref<10240x128xf32, #tpu.memory_space<vmem_shared>>) offsets(%dma_start3A_42 : memref<128xi32, #tpu.memory_space<vmem>>) semaphore(%run_scoped3A : memref<!tpu.dma_semaphore, #tpu.memory_space<semaphore_mem>>) {add = true}
        %dma_wait3A = arith.constant 0 : i32
        %dma_wait3A_46 = tpu.memref_slice %arg4[%scan3A_38, %dma_wait3A] : memref<160x128xi32, #tpu.memory_space<vmem>> -> memref<1x128xi32, #tpu.memory_space<vmem>>
        %dma_wait3A_47 = tpu.memref_squeeze %dma_wait3A_46 : memref<1x128xi32, #tpu.memory_space<vmem>> -> memref<128xi32, #tpu.memory_space<vmem>>
        %dma_wait3A_48 = arith.constant 0 : i32
        %dma_wait3A_49 = arith.constant 0 : i32
        %dma_wait3A_50 = tpu.memref_slice %arg6[%dma_wait3A_48, %dma_wait3A_49] : memref<10240x128xf32, #tpu.memory_space<vmem_shared>> -> memref<10240x128xf32, #tpu.memory_space<vmem_shared>>
        tpu.wait_indirect_dma semaphore(%run_scoped3A : memref<!tpu.dma_semaphore, #tpu.memory_space<semaphore_mem>>) src(%arg5 : memref<128x128xf32, #tpu.memory_space<vmem>>) dst(%dma_wait3A_50 : memref<10240x128xf32, #tpu.memory_space<vmem_shared>>)
        tpu.yield
      }) : () -> ()
      %scan3A_40 = arith.constant 0 : i32
      scf.yield %scan3A_40 : i32
    }
    %scan3A_29 = arith.constant 160 : i32
    %barrier3A_30 = arith.constant 0 : index
    tpu.barrier barrier_id(%barrier3A_30)
    %scan3A_31 = arith.constant 0 : i32
    %scan3A_32 = arith.constant 0 : i32
    %scan3A_33 = arith.constant 5 : i32
    %scan3A_34 = arith.addi %scan3A_32, %scan3A_33 : i32
    %scan3A_35 = arith.constant 1 : i32
    %scan3A_36 = scf.for %scan3A_38 = %scan3A_32 to %scan3A_34 step %scan3A_35 iter_args(%scan3A_39 = %scan3A_31) -> (i32)  : i32 {
      %mul3A_40 = arith.constant 640 : i32
      %mul3A_41 = arith.muli %arg1, %mul3A_40 : i32
      %mul3A_42 = arith.constant 128 : i32
      %mul3A_43 = arith.muli %scan3A_38, %mul3A_42 : i32
      %add3A_44 = arith.addi %mul3A_41, %mul3A_43 : i32
      "tpu.region"() ({
        %run_scoped3A = tpu.sem_alloc : memref<!tpu.dma_semaphore, #tpu.memory_space<semaphore_mem>>
        %dma_start3A = arith.constant 0 : i32
        %dma_start3A_46 = tpu.memref_slice %arg3[%arg0, %add3A_44, %dma_start3A] : memref<2x10240x128xf32, #tpu.memory_space<hbm>> -> memref<1x128x128xf32, #tpu.memory_space<hbm>>
        %dma_start3A_47 = tpu.memref_squeeze %dma_start3A_46 : memref<1x128x128xf32, #tpu.memory_space<hbm>> -> memref<128x128xf32, #tpu.memory_space<hbm>>
        %dma_start3A_48 = arith.constant 0 : i32
        %dma_start3A_49 = tpu.memref_slice %arg6[%add3A_44, %dma_start3A_48] : memref<10240x128xf32, #tpu.memory_space<vmem_shared>> -> memref<128x128xf32, #tpu.memory_space<vmem_shared>>
        tpu.enqueue_dma source(%dma_start3A_49 : memref<128x128xf32, #tpu.memory_space<vmem_shared>>) target(%dma_start3A_47 : memref<128x128xf32, #tpu.memory_space<hbm>>) target_semaphore(%run_scoped3A : memref<!tpu.dma_semaphore, #tpu.memory_space<semaphore_mem>>)
        %dma_wait3A = arith.constant 0 : i32
        %dma_wait3A_50 = tpu.memref_slice %arg3[%arg0, %add3A_44, %dma_wait3A] : memref<2x10240x128xf32, #tpu.memory_space<hbm>> -> memref<1x128x128xf32, #tpu.memory_space<hbm>>
        %dma_wait3A_51 = tpu.memref_squeeze %dma_wait3A_50 : memref<1x128x128xf32, #tpu.memory_space<hbm>> -> memref<128x128xf32, #tpu.memory_space<hbm>>
        %dma_wait3A_52 = arith.constant 0 : i32
        %dma_wait3A_53 = tpu.memref_slice %arg6[%add3A_44, %dma_wait3A_52] : memref<10240x128xf32, #tpu.memory_space<vmem_shared>> -> memref<128x128xf32, #tpu.memory_space<vmem_shared>>
        tpu.wait_dma2 semaphore(%run_scoped3A : memref<!tpu.dma_semaphore, #tpu.memory_space<semaphore_mem>>) src(%dma_wait3A_53 : memref<128x128xf32, #tpu.memory_space<vmem_shared>>) dst(%dma_wait3A_51 : memref<128x128xf32, #tpu.memory_space<hbm>>)
        tpu.yield
      }) : () -> ()
      %scan3A_45 = arith.constant 0 : i32
      scf.yield %scan3A_45 : i32
    }
    %scan3A_37 = arith.constant 5 : i32
    return
  }
}

#map = affine_map<(d0, d1) -> (0, 0)>
#map1 = affine_map<(d0, d1) -> (0, 0, 0)>
module attributes {stable_mosaic.version = 14 : i64} {
  func.func @body(%arg0: i32, %arg1: i32, %arg2: memref<10240x128xf32, #tpu.memory_space<hbm>>, %arg3: memref<2560x128xi32, #tpu.memory_space<hbm>>, %arg4: memref<2560x128xi32, #tpu.memory_space<hbm>>, %arg5: memref<2x10240x128xf32, #tpu.memory_space<hbm>>, %arg6: memref<32x128xi32, #tpu.memory_space<vmem>>, %arg7: memref<32x128xi32, #tpu.memory_space<vmem>>, %arg8: memref<128x128xf32, #tpu.memory_space<vmem>>, %arg9: memref<128x128xf32, #tpu.memory_space<vmem>>, %arg10: memref<10240x128xf32, #tpu.memory_space<vmem_shared>>, %arg11: memref<!tpu.dma_semaphore, #tpu.memory_space<semaphore_mem>>, %arg12: memref<!tpu.dma_semaphore, #tpu.memory_space<semaphore_mem>>, %arg13: memref<!tpu.dma_semaphore, #tpu.memory_space<semaphore_mem>>, %arg14: memref<!tpu.dma_semaphore, #tpu.memory_space<semaphore_mem>>) attributes {dimension_semantics = [#tpu.dimension_semantics<core_parallel>, #tpu.dimension_semantics<subcore_parallel>], iteration_bounds = array<i64: 2, 16>, scalar_prefetch = 0 : i64, scratch_operands = 9 : i64, tpu.core_type = #tpu.core_type<sc_vector_subcore>, window_params = [{transform_indices = #map}, {transform_indices = #map}, {transform_indices = #map}, {transform_indices = #map1}]} {
    %scan3A = arith.constant 0 : i32
    %scan3A_0 = arith.constant 0 : i32
    %scan3A_1 = arith.constant 128 : i32
    %scan3A_2 = arith.addi %scan3A_0, %scan3A_1 : i32
    %scan3A_3 = arith.constant 1 : i32
    %scan3A_4 = scf.for %scan3A_41 = %scan3A_0 to %scan3A_2 step %scan3A_3 iter_args(%scan3A_42 = %scan3A) -> (i32)  : i32 {
      %broadcast_in_dim3A = arith.constant 0.000000e+00 : f32
      %broadcast_in_dim3A_43 = vector.broadcast %broadcast_in_dim3A : f32 to vector<16xf32>
      %swap3A = arith.index_cast %scan3A_41 : i32 to index
      %swap3A_44 = arith.constant 0 : index
      %swap3A_45 = tpu.vector_load %arg8[%swap3A, %swap3A_44] {strides = array<i32>} : memref<128x128xf32, #tpu.memory_space<vmem>>, vector<1x16xf32>,
      %swap3A_46 = vector.shape_cast %swap3A_45 : vector<1x16xf32> to vector<16xf32>
      %swap3A_47 = vector.shape_cast %broadcast_in_dim3A_43 : vector<16xf32> to vector<1x16xf32>
      tpu.vector_store %arg8[%swap3A, %swap3A_44], %swap3A_47 {strides = array<i32>} : memref<128x128xf32, #tpu.memory_space<vmem>>, vector<1x16xf32>,
      %broadcast_in_dim3A_48 = arith.constant 0.000000e+00 : f32
      %broadcast_in_dim3A_49 = vector.broadcast %broadcast_in_dim3A_48 : f32 to vector<16xf32>
      %swap3A_50 = arith.index_cast %scan3A_41 : i32 to index
      %swap3A_51 = arith.constant 16 : index
      %swap3A_52 = tpu.vector_load %arg8[%swap3A_50, %swap3A_51] {strides = array<i32>} : memref<128x128xf32, #tpu.memory_space<vmem>>, vector<1x16xf32>,
      %swap3A_53 = vector.shape_cast %swap3A_52 : vector<1x16xf32> to vector<16xf32>
      %swap3A_54 = vector.shape_cast %broadcast_in_dim3A_49 : vector<16xf32> to vector<1x16xf32>
      tpu.vector_store %arg8[%swap3A_50, %swap3A_51], %swap3A_54 {strides = array<i32>} : memref<128x128xf32, #tpu.memory_space<vmem>>, vector<1x16xf32>,
      %broadcast_in_dim3A_55 = arith.constant 0.000000e+00 : f32
      %broadcast_in_dim3A_56 = vector.broadcast %broadcast_in_dim3A_55 : f32 to vector<16xf32>
      %swap3A_57 = arith.index_cast %scan3A_41 : i32 to index
      %swap3A_58 = arith.constant 32 : index
      %swap3A_59 = tpu.vector_load %arg8[%swap3A_57, %swap3A_58] {strides = array<i32>} : memref<128x128xf32, #tpu.memory_space<vmem>>, vector<1x16xf32>,
      %swap3A_60 = vector.shape_cast %swap3A_59 : vector<1x16xf32> to vector<16xf32>
      %swap3A_61 = vector.shape_cast %broadcast_in_dim3A_56 : vector<16xf32> to vector<1x16xf32>
      tpu.vector_store %arg8[%swap3A_57, %swap3A_58], %swap3A_61 {strides = array<i32>} : memref<128x128xf32, #tpu.memory_space<vmem>>, vector<1x16xf32>,
      %broadcast_in_dim3A_62 = arith.constant 0.000000e+00 : f32
      %broadcast_in_dim3A_63 = vector.broadcast %broadcast_in_dim3A_62 : f32 to vector<16xf32>
      %swap3A_64 = arith.index_cast %scan3A_41 : i32 to index
      %swap3A_65 = arith.constant 48 : index
      %swap3A_66 = tpu.vector_load %arg8[%swap3A_64, %swap3A_65] {strides = array<i32>} : memref<128x128xf32, #tpu.memory_space<vmem>>, vector<1x16xf32>,
      %swap3A_67 = vector.shape_cast %swap3A_66 : vector<1x16xf32> to vector<16xf32>
      %swap3A_68 = vector.shape_cast %broadcast_in_dim3A_63 : vector<16xf32> to vector<1x16xf32>
      tpu.vector_store %arg8[%swap3A_64, %swap3A_65], %swap3A_68 {strides = array<i32>} : memref<128x128xf32, #tpu.memory_space<vmem>>, vector<1x16xf32>,
      %broadcast_in_dim3A_69 = arith.constant 0.000000e+00 : f32
      %broadcast_in_dim3A_70 = vector.broadcast %broadcast_in_dim3A_69 : f32 to vector<16xf32>
      %swap3A_71 = arith.index_cast %scan3A_41 : i32 to index
      %swap3A_72 = arith.constant 64 : index
      %swap3A_73 = tpu.vector_load %arg8[%swap3A_71, %swap3A_72] {strides = array<i32>} : memref<128x128xf32, #tpu.memory_space<vmem>>, vector<1x16xf32>,
      %swap3A_74 = vector.shape_cast %swap3A_73 : vector<1x16xf32> to vector<16xf32>
      %swap3A_75 = vector.shape_cast %broadcast_in_dim3A_70 : vector<16xf32> to vector<1x16xf32>
      tpu.vector_store %arg8[%swap3A_71, %swap3A_72], %swap3A_75 {strides = array<i32>} : memref<128x128xf32, #tpu.memory_space<vmem>>, vector<1x16xf32>,
      %broadcast_in_dim3A_76 = arith.constant 0.000000e+00 : f32
      %broadcast_in_dim3A_77 = vector.broadcast %broadcast_in_dim3A_76 : f32 to vector<16xf32>
      %swap3A_78 = arith.index_cast %scan3A_41 : i32 to index
      %swap3A_79 = arith.constant 80 : index
      %swap3A_80 = tpu.vector_load %arg8[%swap3A_78, %swap3A_79] {strides = array<i32>} : memref<128x128xf32, #tpu.memory_space<vmem>>, vector<1x16xf32>,
      %swap3A_81 = vector.shape_cast %swap3A_80 : vector<1x16xf32> to vector<16xf32>
      %swap3A_82 = vector.shape_cast %broadcast_in_dim3A_77 : vector<16xf32> to vector<1x16xf32>
      tpu.vector_store %arg8[%swap3A_78, %swap3A_79], %swap3A_82 {strides = array<i32>} : memref<128x128xf32, #tpu.memory_space<vmem>>, vector<1x16xf32>,
      %broadcast_in_dim3A_83 = arith.constant 0.000000e+00 : f32
      %broadcast_in_dim3A_84 = vector.broadcast %broadcast_in_dim3A_83 : f32 to vector<16xf32>
      %swap3A_85 = arith.index_cast %scan3A_41 : i32 to index
      %swap3A_86 = arith.constant 96 : index
      %swap3A_87 = tpu.vector_load %arg8[%swap3A_85, %swap3A_86] {strides = array<i32>} : memref<128x128xf32, #tpu.memory_space<vmem>>, vector<1x16xf32>,
      %swap3A_88 = vector.shape_cast %swap3A_87 : vector<1x16xf32> to vector<16xf32>
      %swap3A_89 = vector.shape_cast %broadcast_in_dim3A_84 : vector<16xf32> to vector<1x16xf32>
      tpu.vector_store %arg8[%swap3A_85, %swap3A_86], %swap3A_89 {strides = array<i32>} : memref<128x128xf32, #tpu.memory_space<vmem>>, vector<1x16xf32>,
      %broadcast_in_dim3A_90 = arith.constant 0.000000e+00 : f32
      %broadcast_in_dim3A_91 = vector.broadcast %broadcast_in_dim3A_90 : f32 to vector<16xf32>
      %swap3A_92 = arith.index_cast %scan3A_41 : i32 to index
      %swap3A_93 = arith.constant 112 : index
      %swap3A_94 = tpu.vector_load %arg8[%swap3A_92, %swap3A_93] {strides = array<i32>} : memref<128x128xf32, #tpu.memory_space<vmem>>, vector<1x16xf32>,
      %swap3A_95 = vector.shape_cast %swap3A_94 : vector<1x16xf32> to vector<16xf32>
      %swap3A_96 = vector.shape_cast %broadcast_in_dim3A_91 : vector<16xf32> to vector<1x16xf32>
      tpu.vector_store %arg8[%swap3A_92, %swap3A_93], %swap3A_96 {strides = array<i32>} : memref<128x128xf32, #tpu.memory_space<vmem>>, vector<1x16xf32>,
      %scan3A_97 = arith.constant 0 : i32
      scf.yield %scan3A_97 : i32
    }
    %scan3A_5 = arith.constant 128 : i32
    %scan3A_6 = arith.constant 0 : i32
    %scan3A_7 = arith.constant 0 : i32
    %scan3A_8 = arith.constant 5 : i32
    %scan3A_9 = arith.addi %scan3A_7, %scan3A_8 : i32
    %scan3A_10 = arith.constant 1 : i32
    %scan3A_11 = scf.for %scan3A_41 = %scan3A_7 to %scan3A_9 step %scan3A_10 iter_args(%scan3A_42 = %scan3A_6) -> (i32)  : i32 {
      %mul3A_43 = arith.constant 640 : i32
      %mul3A_44 = arith.muli %arg1, %mul3A_43 : i32
      %mul3A_45 = arith.constant 128 : i32
      %mul3A_46 = arith.muli %scan3A_41, %mul3A_45 : i32
      %add3A_47 = arith.addi %mul3A_44, %mul3A_46 : i32
      "tpu.region"() ({
        %run_scoped3A = tpu.sem_alloc : memref<!tpu.dma_semaphore, #tpu.memory_space<semaphore_mem>>
        %dma_start3A = arith.constant 0 : i32
        %dma_start3A_49 = tpu.memref_slice %arg10[%add3A_47, %dma_start3A] : memref<10240x128xf32, #tpu.memory_space<vmem_shared>> -> memref<128x128xf32, #tpu.memory_space<vmem_shared>>
        %dma_start3A_50 = arith.constant 0 : i32
        %dma_start3A_51 = tpu.memref_slice %arg10[%add3A_47, %dma_start3A_50] : memref<10240x128xf32, #tpu.memory_space<vmem_shared>> -> memref<128x128xf32, #tpu.memory_space<vmem_shared>>
        tpu.enqueue_dma source(%arg8 : memref<128x128xf32, #tpu.memory_space<vmem>>) target(%dma_start3A_51 : memref<128x128xf32, #tpu.memory_space<vmem_shared>>) target_semaphore(%run_scoped3A : memref<!tpu.dma_semaphore, #tpu.memory_space<semaphore_mem>>)
        %dma_wait3A = arith.constant 0 : i32
        %dma_wait3A_52 = tpu.memref_slice %arg10[%add3A_47, %dma_wait3A] : memref<10240x128xf32, #tpu.memory_space<vmem_shared>> -> memref<128x128xf32, #tpu.memory_space<vmem_shared>>
        %dma_wait3A_53 = arith.constant 0 : i32
        %dma_wait3A_54 = tpu.memref_slice %arg10[%add3A_47, %dma_wait3A_53] : memref<10240x128xf32, #tpu.memory_space<vmem_shared>> -> memref<128x128xf32, #tpu.memory_space<vmem_shared>>
        tpu.wait_dma2 semaphore(%run_scoped3A : memref<!tpu.dma_semaphore, #tpu.memory_space<semaphore_mem>>) src(%arg8 : memref<128x128xf32, #tpu.memory_space<vmem>>) dst(%dma_wait3A_54 : memref<128x128xf32, #tpu.memory_space<vmem_shared>>)
        tpu.yield
      }) : () -> ()
      %scan3A_48 = arith.constant 0 : i32
      scf.yield %scan3A_48 : i32
    }
    %scan3A_12 = arith.constant 5 : i32
    %barrier3A = arith.constant 0 : index
    tpu.barrier barrier_id(%barrier3A)
    %eq3A = arith.constant 0 : i32
    %eq3A_13 = arith.cmpi eq, %arg0, %eq3A : i32
    %jit3A = arith.constant 4 : i32
    %jit3A_14 = arith.constant 1 : i32
    %select_n3A = arith.select %eq3A_13, %jit3A, %jit3A_14 : i32
    %eq3A_15 = arith.constant 0 : i32
    %eq3A_16 = arith.cmpi eq, %arg0, %eq3A_15 : i32
    %mul3A = arith.constant 128 : i32
    %mul3A_17 = arith.muli %arg1, %mul3A : i32
    %mul3A_18 = arith.constant 32 : i32
    %mul3A_19 = arith.muli %arg1, %mul3A_18 : i32
    %add3A = arith.constant 2048 : i32
    %add3A_20 = arith.addi %add3A, %mul3A_19 : i32
    %select_n3A_21 = arith.select %eq3A_16, %mul3A_17, %add3A_20 : i32
    %while3A = arith.constant 0 : i32
    %while3A_22 = arith.constant 0 : i32
    %while3A_23 = arith.subi %select_n3A, %while3A : i32
    %while3A_24 = arith.addi %while3A, %while3A_23 : i32
    %while3A_25 = arith.constant 1 : i32
    %while3A_26 = arith.divsi %while3A_23, %while3A_25 : i32
    %while3A_27 = arith.muli %while3A_26, %while3A_25 : i32
    %while3A_28 = arith.addi %while3A, %while3A_27 : i32
    %while3A_29 = arith.constant 1 : i32
    %while3A_30 = scf.for %while3A_41 = %while3A to %while3A_28 step %while3A_29 iter_args(%while3A_42 = %while3A_22) -> (i32)  : i32 {
      %mul3A_43 = arith.constant 32 : i32
      %mul3A_44 = arith.muli %while3A_41, %mul3A_43 : i32
      %add3A_45 = arith.addi %select_n3A_21, %mul3A_44 : i32
      "tpu.region"() ({
        %run_scoped3A = tpu.sem_alloc : memref<!tpu.dma_semaphore, #tpu.memory_space<semaphore_mem>>
        %dma_start3A_108 = arith.constant 0 : i32
        %dma_start3A_109 = tpu.memref_slice %arg3[%add3A_45, %dma_start3A_108] : memref<2560x128xi32, #tpu.memory_space<hbm>> -> memref<32x128xi32, #tpu.memory_space<hbm>>
        %dma_start3A_110 = arith.constant 0 : i32
        %dma_start3A_111 = tpu.memref_slice %arg3[%add3A_45, %dma_start3A_110] : memref<2560x128xi32, #tpu.memory_space<hbm>> -> memref<32x128xi32, #tpu.memory_space<hbm>>
        tpu.enqueue_dma source(%dma_start3A_111 : memref<32x128xi32, #tpu.memory_space<hbm>>) target(%arg6 : memref<32x128xi32, #tpu.memory_space<vmem>>) target_semaphore(%run_scoped3A : memref<!tpu.dma_semaphore, #tpu.memory_space<semaphore_mem>>)
        %dma_wait3A_112 = arith.constant 0 : i32
        %dma_wait3A_113 = tpu.memref_slice %arg3[%add3A_45, %dma_wait3A_112] : memref<2560x128xi32, #tpu.memory_space<hbm>> -> memref<32x128xi32, #tpu.memory_space<hbm>>
        %dma_wait3A_114 = arith.constant 0 : i32
        %dma_wait3A_115 = tpu.memref_slice %arg3[%add3A_45, %dma_wait3A_114] : memref<2560x128xi32, #tpu.memory_space<hbm>> -> memref<32x128xi32, #tpu.memory_space<hbm>>
        tpu.wait_dma2 semaphore(%run_scoped3A : memref<!tpu.dma_semaphore, #tpu.memory_space<semaphore_mem>>) src(%dma_wait3A_115 : memref<32x128xi32, #tpu.memory_space<hbm>>) dst(%arg6 : memref<32x128xi32, #tpu.memory_space<vmem>>)
        tpu.yield
      }) : () -> ()
      "tpu.region"() ({
        %run_scoped3A = tpu.sem_alloc : memref<!tpu.dma_semaphore, #tpu.memory_space<semaphore_mem>>
        %dma_start3A_108 = arith.constant 0 : i32
        %dma_start3A_109 = tpu.memref_slice %arg4[%add3A_45, %dma_start3A_108] : memref<2560x128xi32, #tpu.memory_space<hbm>> -> memref<32x128xi32, #tpu.memory_space<hbm>>
        %dma_start3A_110 = arith.constant 0 : i32
        %dma_start3A_111 = tpu.memref_slice %arg4[%add3A_45, %dma_start3A_110] : memref<2560x128xi32, #tpu.memory_space<hbm>> -> memref<32x128xi32, #tpu.memory_space<hbm>>
        tpu.enqueue_dma source(%dma_start3A_111 : memref<32x128xi32, #tpu.memory_space<hbm>>) target(%arg7 : memref<32x128xi32, #tpu.memory_space<vmem>>) target_semaphore(%run_scoped3A : memref<!tpu.dma_semaphore, #tpu.memory_space<semaphore_mem>>)
        %dma_wait3A_112 = arith.constant 0 : i32
        %dma_wait3A_113 = tpu.memref_slice %arg4[%add3A_45, %dma_wait3A_112] : memref<2560x128xi32, #tpu.memory_space<hbm>> -> memref<32x128xi32, #tpu.memory_space<hbm>>
        %dma_wait3A_114 = arith.constant 0 : i32
        %dma_wait3A_115 = tpu.memref_slice %arg4[%add3A_45, %dma_wait3A_114] : memref<2560x128xi32, #tpu.memory_space<hbm>> -> memref<32x128xi32, #tpu.memory_space<hbm>>
        tpu.wait_dma2 semaphore(%run_scoped3A : memref<!tpu.dma_semaphore, #tpu.memory_space<semaphore_mem>>) src(%dma_wait3A_115 : memref<32x128xi32, #tpu.memory_space<hbm>>) dst(%arg7 : memref<32x128xi32, #tpu.memory_space<vmem>>)
        tpu.yield
      }) : () -> ()
      %dma_start3A = arith.constant 0 : i32
      %dma_start3A_46 = arith.constant 0 : i32
      %dma_start3A_47 = tpu.memref_slice %arg6[%dma_start3A, %dma_start3A_46] : memref<32x128xi32, #tpu.memory_space<vmem>> -> memref<1x128xi32, #tpu.memory_space<vmem>>
      %dma_start3A_48 = tpu.memref_squeeze %dma_start3A_47 : memref<1x128xi32, #tpu.memory_space<vmem>> -> memref<128xi32, #tpu.memory_space<vmem>>
      %dma_start3A_49 = arith.constant 0 : i32
      %dma_start3A_50 = arith.constant 0 : i32
      %dma_start3A_51 = tpu.memref_slice %arg2[%dma_start3A_49, %dma_start3A_50] : memref<10240x128xf32, #tpu.memory_space<hbm>> -> memref<10240x128xf32, #tpu.memory_space<hbm>>
      tpu.enqueue_indirect_dma source(%dma_start3A_51 : memref<10240x128xf32, #tpu.memory_space<hbm>>) target(%arg8 : memref<128x128xf32, #tpu.memory_space<vmem>>) offsets(%dma_start3A_48 : memref<128xi32, #tpu.memory_space<vmem>>) semaphore(%arg11 : memref<!tpu.dma_semaphore, #tpu.memory_space<semaphore_mem>>)
      %dma_start3A_52 = arith.constant 1 : i32
      %dma_start3A_53 = arith.constant 0 : i32
      %dma_start3A_54 = tpu.memref_slice %arg6[%dma_start3A_52, %dma_start3A_53] : memref<32x128xi32, #tpu.memory_space<vmem>> -> memref<1x128xi32, #tpu.memory_space<vmem>>
      %dma_start3A_55 = tpu.memref_squeeze %dma_start3A_54 : memref<1x128xi32, #tpu.memory_space<vmem>> -> memref<128xi32, #tpu.memory_space<vmem>>
      %dma_start3A_56 = arith.constant 0 : i32
      %dma_start3A_57 = arith.constant 0 : i32
      %dma_start3A_58 = tpu.memref_slice %arg2[%dma_start3A_56, %dma_start3A_57] : memref<10240x128xf32, #tpu.memory_space<hbm>> -> memref<10240x128xf32, #tpu.memory_space<hbm>>
      tpu.enqueue_indirect_dma source(%dma_start3A_58 : memref<10240x128xf32, #tpu.memory_space<hbm>>) target(%arg9 : memref<128x128xf32, #tpu.memory_space<vmem>>) offsets(%dma_start3A_55 : memref<128xi32, #tpu.memory_space<vmem>>) semaphore(%arg12 : memref<!tpu.dma_semaphore, #tpu.memory_space<semaphore_mem>>)
      %scan3A_59 = arith.constant 0 : i32
      %scan3A_60 = arith.constant 0 : i32
      %scan3A_61 = arith.constant 15 : i32
      %scan3A_62 = arith.addi %scan3A_60, %scan3A_61 : i32
      %scan3A_63 = arith.constant 1 : i32
      %scan3A_64 = scf.for %scan3A_108 = %scan3A_60 to %scan3A_62 step %scan3A_63 iter_args(%scan3A_109 = %scan3A_59) -> (i32)  : i32 {
        %mul3A_110 = arith.constant 2 : i32
        %mul3A_111 = arith.muli %mul3A_110, %scan3A_108 : i32
        %add3A_112 = arith.constant 1 : i32
        %add3A_113 = arith.addi %mul3A_111, %add3A_112 : i32
        %dma_wait3A_114 = arith.constant 0 : i32
        %dma_wait3A_115 = tpu.memref_slice %arg6[%mul3A_111, %dma_wait3A_114] : memref<32x128xi32, #tpu.memory_space<vmem>> -> memref<1x128xi32, #tpu.memory_space<vmem>>
        %dma_wait3A_116 = tpu.memref_squeeze %dma_wait3A_115 : memref<1x128xi32, #tpu.memory_space<vmem>> -> memref<128xi32, #tpu.memory_space<vmem>>
        %dma_wait3A_117 = arith.constant 0 : i32
        %dma_wait3A_118 = arith.constant 0 : i32
        %dma_wait3A_119 = tpu.memref_slice %arg2[%dma_wait3A_117, %dma_wait3A_118] : memref<10240x128xf32, #tpu.memory_space<hbm>> -> memref<10240x128xf32, #tpu.memory_space<hbm>>
        tpu.wait_indirect_dma semaphore(%arg11 : memref<!tpu.dma_semaphore, #tpu.memory_space<semaphore_mem>>) src(%dma_wait3A_119 : memref<10240x128xf32, #tpu.memory_space<hbm>>) dst(%arg8 : memref<128x128xf32, #tpu.memory_space<vmem>>)
        %dma_start3A_120 = arith.constant 0 : i32
        %dma_start3A_121 = tpu.memref_slice %arg7[%mul3A_111, %dma_start3A_120] : memref<32x128xi32, #tpu.memory_space<vmem>> -> memref<1x128xi32, #tpu.memory_space<vmem>>
        %dma_start3A_122 = tpu.memref_squeeze %dma_start3A_121 : memref<1x128xi32, #tpu.memory_space<vmem>> -> memref<128xi32, #tpu.memory_space<vmem>>
        %dma_start3A_123 = arith.constant 0 : i32
        %dma_start3A_124 = arith.constant 0 : i32
        %dma_start3A_125 = tpu.memref_slice %arg10[%dma_start3A_123, %dma_start3A_124] : memref<10240x128xf32, #tpu.memory_space<vmem_shared>> -> memref<10240x128xf32, #tpu.memory_space<vmem_shared>>
        tpu.enqueue_indirect_dma source(%arg8 : memref<128x128xf32, #tpu.memory_space<vmem>>) target(%dma_start3A_125 : memref<10240x128xf32, #tpu.memory_space<vmem_shared>>) offsets(%dma_start3A_122 : memref<128xi32, #tpu.memory_space<vmem>>) semaphore(%arg13 : memref<!tpu.dma_semaphore, #tpu.memory_space<semaphore_mem>>) {add = true}
        %dma_wait3A_126 = arith.constant 0 : i32
        %dma_wait3A_127 = tpu.memref_slice %arg6[%add3A_113, %dma_wait3A_126] : memref<32x128xi32, #tpu.memory_space<vmem>> -> memref<1x128xi32, #tpu.memory_space<vmem>>
        %dma_wait3A_128 = tpu.memref_squeeze %dma_wait3A_127 : memref<1x128xi32, #tpu.memory_space<vmem>> -> memref<128xi32, #tpu.memory_space<vmem>>
        %dma_wait3A_129 = arith.constant 0 : i32
        %dma_wait3A_130 = arith.constant 0 : i32
        %dma_wait3A_131 = tpu.memref_slice %arg2[%dma_wait3A_129, %dma_wait3A_130] : memref<10240x128xf32, #tpu.memory_space<hbm>> -> memref<10240x128xf32, #tpu.memory_space<hbm>>
        tpu.wait_indirect_dma semaphore(%arg12 : memref<!tpu.dma_semaphore, #tpu.memory_space<semaphore_mem>>) src(%dma_wait3A_131 : memref<10240x128xf32, #tpu.memory_space<hbm>>) dst(%arg9 : memref<128x128xf32, #tpu.memory_space<vmem>>)
        %dma_start3A_132 = arith.constant 0 : i32
        %dma_start3A_133 = tpu.memref_slice %arg7[%add3A_113, %dma_start3A_132] : memref<32x128xi32, #tpu.memory_space<vmem>> -> memref<1x128xi32, #tpu.memory_space<vmem>>
        %dma_start3A_134 = tpu.memref_squeeze %dma_start3A_133 : memref<1x128xi32, #tpu.memory_space<vmem>> -> memref<128xi32, #tpu.memory_space<vmem>>
        %dma_start3A_135 = arith.constant 0 : i32
        %dma_start3A_136 = arith.constant 0 : i32
        %dma_start3A_137 = tpu.memref_slice %arg10[%dma_start3A_135, %dma_start3A_136] : memref<10240x128xf32, #tpu.memory_space<vmem_shared>> -> memref<10240x128xf32, #tpu.memory_space<vmem_shared>>
        tpu.enqueue_indirect_dma source(%arg9 : memref<128x128xf32, #tpu.memory_space<vmem>>) target(%dma_start3A_137 : memref<10240x128xf32, #tpu.memory_space<vmem_shared>>) offsets(%dma_start3A_134 : memref<128xi32, #tpu.memory_space<vmem>>) semaphore(%arg14 : memref<!tpu.dma_semaphore, #tpu.memory_space<semaphore_mem>>) {add = true}
        %dma_wait3A_138 = arith.constant 0 : i32
        %dma_wait3A_139 = tpu.memref_slice %arg7[%mul3A_111, %dma_wait3A_138] : memref<32x128xi32, #tpu.memory_space<vmem>> -> memref<1x128xi32, #tpu.memory_space<vmem>>
        %dma_wait3A_140 = tpu.memref_squeeze %dma_wait3A_139 : memref<1x128xi32, #tpu.memory_space<vmem>> -> memref<128xi32, #tpu.memory_space<vmem>>
        %dma_wait3A_141 = arith.constant 0 : i32
        %dma_wait3A_142 = arith.constant 0 : i32
        %dma_wait3A_143 = tpu.memref_slice %arg10[%dma_wait3A_141, %dma_wait3A_142] : memref<10240x128xf32, #tpu.memory_space<vmem_shared>> -> memref<10240x128xf32, #tpu.memory_space<vmem_shared>>
        tpu.wait_indirect_dma semaphore(%arg13 : memref<!tpu.dma_semaphore, #tpu.memory_space<semaphore_mem>>) src(%arg8 : memref<128x128xf32, #tpu.memory_space<vmem>>) dst(%dma_wait3A_143 : memref<10240x128xf32, #tpu.memory_space<vmem_shared>>)
        %add3A_144 = arith.constant 2 : i32
        %add3A_145 = arith.addi %mul3A_111, %add3A_144 : i32
        %dma_start3A_146 = arith.constant 0 : i32
        %dma_start3A_147 = tpu.memref_slice %arg6[%add3A_145, %dma_start3A_146] : memref<32x128xi32, #tpu.memory_space<vmem>> -> memref<1x128xi32, #tpu.memory_space<vmem>>
        %dma_start3A_148 = tpu.memref_squeeze %dma_start3A_147 : memref<1x128xi32, #tpu.memory_space<vmem>> -> memref<128xi32, #tpu.memory_space<vmem>>
        %dma_start3A_149 = arith.constant 0 : i32
        %dma_start3A_150 = arith.constant 0 : i32
        %dma_start3A_151 = tpu.memref_slice %arg2[%dma_start3A_149, %dma_start3A_150] : memref<10240x128xf32, #tpu.memory_space<hbm>> -> memref<10240x128xf32, #tpu.memory_space<hbm>>
        tpu.enqueue_indirect_dma source(%dma_start3A_151 : memref<10240x128xf32, #tpu.memory_space<hbm>>) target(%arg8 : memref<128x128xf32, #tpu.memory_space<vmem>>) offsets(%dma_start3A_148 : memref<128xi32, #tpu.memory_space<vmem>>) semaphore(%arg11 : memref<!tpu.dma_semaphore, #tpu.memory_space<semaphore_mem>>)
        %dma_wait3A_152 = arith.constant 0 : i32
        %dma_wait3A_153 = tpu.memref_slice %arg7[%add3A_113, %dma_wait3A_152] : memref<32x128xi32, #tpu.memory_space<vmem>> -> memref<1x128xi32, #tpu.memory_space<vmem>>
        %dma_wait3A_154 = tpu.memref_squeeze %dma_wait3A_153 : memref<1x128xi32, #tpu.memory_space<vmem>> -> memref<128xi32, #tpu.memory_space<vmem>>
        %dma_wait3A_155 = arith.constant 0 : i32
        %dma_wait3A_156 = arith.constant 0 : i32
        %dma_wait3A_157 = tpu.memref_slice %arg10[%dma_wait3A_155, %dma_wait3A_156] : memref<10240x128xf32, #tpu.memory_space<vmem_shared>> -> memref<10240x128xf32, #tpu.memory_space<vmem_shared>>
        tpu.wait_indirect_dma semaphore(%arg14 : memref<!tpu.dma_semaphore, #tpu.memory_space<semaphore_mem>>) src(%arg9 : memref<128x128xf32, #tpu.memory_space<vmem>>) dst(%dma_wait3A_157 : memref<10240x128xf32, #tpu.memory_space<vmem_shared>>)
        %add3A_158 = arith.constant 2 : i32
        %add3A_159 = arith.addi %add3A_113, %add3A_158 : i32
        %dma_start3A_160 = arith.constant 0 : i32
        %dma_start3A_161 = tpu.memref_slice %arg6[%add3A_159, %dma_start3A_160] : memref<32x128xi32, #tpu.memory_space<vmem>> -> memref<1x128xi32, #tpu.memory_space<vmem>>
        %dma_start3A_162 = tpu.memref_squeeze %dma_start3A_161 : memref<1x128xi32, #tpu.memory_space<vmem>> -> memref<128xi32, #tpu.memory_space<vmem>>
        %dma_start3A_163 = arith.constant 0 : i32
        %dma_start3A_164 = arith.constant 0 : i32
        %dma_start3A_165 = tpu.memref_slice %arg2[%dma_start3A_163, %dma_start3A_164] : memref<10240x128xf32, #tpu.memory_space<hbm>> -> memref<10240x128xf32, #tpu.memory_space<hbm>>
        tpu.enqueue_indirect_dma source(%dma_start3A_165 : memref<10240x128xf32, #tpu.memory_space<hbm>>) target(%arg9 : memref<128x128xf32, #tpu.memory_space<vmem>>) offsets(%dma_start3A_162 : memref<128xi32, #tpu.memory_space<vmem>>) semaphore(%arg12 : memref<!tpu.dma_semaphore, #tpu.memory_space<semaphore_mem>>)
        %scan3A_166 = arith.constant 0 : i32
        scf.yield %scan3A_166 : i32
      }
      %scan3A_65 = arith.constant 15 : i32
      %dma_wait3A = arith.constant 30 : i32
      %dma_wait3A_66 = arith.constant 0 : i32
      %dma_wait3A_67 = tpu.memref_slice %arg6[%dma_wait3A, %dma_wait3A_66] : memref<32x128xi32, #tpu.memory_space<vmem>> -> memref<1x128xi32, #tpu.memory_space<vmem>>
      %dma_wait3A_68 = tpu.memref_squeeze %dma_wait3A_67 : memref<1x128xi32, #tpu.memory_space<vmem>> -> memref<128xi32, #tpu.memory_space<vmem>>
      %dma_wait3A_69 = arith.constant 0 : i32
      %dma_wait3A_70 = arith.constant 0 : i32
      %dma_wait3A_71 = tpu.memref_slice %arg2[%dma_wait3A_69, %dma_wait3A_70] : memref<10240x128xf32, #tpu.memory_space<hbm>> -> memref<10240x128xf32, #tpu.memory_space<hbm>>
      tpu.wait_indirect_dma semaphore(%arg11 : memref<!tpu.dma_semaphore, #tpu.memory_space<semaphore_mem>>) src(%dma_wait3A_71 : memref<10240x128xf32, #tpu.memory_space<hbm>>) dst(%arg8 : memref<128x128xf32, #tpu.memory_space<vmem>>)
      %dma_start3A_72 = arith.constant 30 : i32
      %dma_start3A_73 = arith.constant 0 : i32
      %dma_start3A_74 = tpu.memref_slice %arg7[%dma_start3A_72, %dma_start3A_73] : memref<32x128xi32, #tpu.memory_space<vmem>> -> memref<1x128xi32, #tpu.memory_space<vmem>>
      %dma_start3A_75 = tpu.memref_squeeze %dma_start3A_74 : memref<1x128xi32, #tpu.memory_space<vmem>> -> memref<128xi32, #tpu.memory_space<vmem>>
      %dma_start3A_76 = arith.constant 0 : i32
      %dma_start3A_77 = arith.constant 0 : i32
      %dma_start3A_78 = tpu.memref_slice %arg10[%dma_start3A_76, %dma_start3A_77] : memref<10240x128xf32, #tpu.memory_space<vmem_shared>> -> memref<10240x128xf32, #tpu.memory_space<vmem_shared>>
      tpu.enqueue_indirect_dma source(%arg8 : memref<128x128xf32, #tpu.memory_space<vmem>>) target(%dma_start3A_78 : memref<10240x128xf32, #tpu.memory_space<vmem_shared>>) offsets(%dma_start3A_75 : memref<128xi32, #tpu.memory_space<vmem>>) semaphore(%arg13 : memref<!tpu.dma_semaphore, #tpu.memory_space<semaphore_mem>>) {add = true}
      %dma_wait3A_79 = arith.constant 30 : i32
      %dma_wait3A_80 = arith.constant 0 : i32
      %dma_wait3A_81 = tpu.memref_slice %arg7[%dma_wait3A_79, %dma_wait3A_80] : memref<32x128xi32, #tpu.memory_space<vmem>> -> memref<1x128xi32, #tpu.memory_space<vmem>>
      %dma_wait3A_82 = tpu.memref_squeeze %dma_wait3A_81 : memref<1x128xi32, #tpu.memory_space<vmem>> -> memref<128xi32, #tpu.memory_space<vmem>>
      %dma_wait3A_83 = arith.constant 0 : i32
      %dma_wait3A_84 = arith.constant 0 : i32
      %dma_wait3A_85 = tpu.memref_slice %arg10[%dma_wait3A_83, %dma_wait3A_84] : memref<10240x128xf32, #tpu.memory_space<vmem_shared>> -> memref<10240x128xf32, #tpu.memory_space<vmem_shared>>
      tpu.wait_indirect_dma semaphore(%arg13 : memref<!tpu.dma_semaphore, #tpu.memory_space<semaphore_mem>>) src(%arg8 : memref<128x128xf32, #tpu.memory_space<vmem>>) dst(%dma_wait3A_85 : memref<10240x128xf32, #tpu.memory_space<vmem_shared>>)
      %dma_wait3A_86 = arith.constant 31 : i32
      %dma_wait3A_87 = arith.constant 0 : i32
      %dma_wait3A_88 = tpu.memref_slice %arg6[%dma_wait3A_86, %dma_wait3A_87] : memref<32x128xi32, #tpu.memory_space<vmem>> -> memref<1x128xi32, #tpu.memory_space<vmem>>
      %dma_wait3A_89 = tpu.memref_squeeze %dma_wait3A_88 : memref<1x128xi32, #tpu.memory_space<vmem>> -> memref<128xi32, #tpu.memory_space<vmem>>
      %dma_wait3A_90 = arith.constant 0 : i32
      %dma_wait3A_91 = arith.constant 0 : i32
      %dma_wait3A_92 = tpu.memref_slice %arg2[%dma_wait3A_90, %dma_wait3A_91] : memref<10240x128xf32, #tpu.memory_space<hbm>> -> memref<10240x128xf32, #tpu.memory_space<hbm>>
      tpu.wait_indirect_dma semaphore(%arg12 : memref<!tpu.dma_semaphore, #tpu.memory_space<semaphore_mem>>) src(%dma_wait3A_92 : memref<10240x128xf32, #tpu.memory_space<hbm>>) dst(%arg9 : memref<128x128xf32, #tpu.memory_space<vmem>>)
      %dma_start3A_93 = arith.constant 31 : i32
      %dma_start3A_94 = arith.constant 0 : i32
      %dma_start3A_95 = tpu.memref_slice %arg7[%dma_start3A_93, %dma_start3A_94] : memref<32x128xi32, #tpu.memory_space<vmem>> -> memref<1x128xi32, #tpu.memory_space<vmem>>
      %dma_start3A_96 = tpu.memref_squeeze %dma_start3A_95 : memref<1x128xi32, #tpu.memory_space<vmem>> -> memref<128xi32, #tpu.memory_space<vmem>>
      %dma_start3A_97 = arith.constant 0 : i32
      %dma_start3A_98 = arith.constant 0 : i32
      %dma_start3A_99 = tpu.memref_slice %arg10[%dma_start3A_97, %dma_start3A_98] : memref<10240x128xf32, #tpu.memory_space<vmem_shared>> -> memref<10240x128xf32, #tpu.memory_space<vmem_shared>>
      tpu.enqueue_indirect_dma source(%arg9 : memref<128x128xf32, #tpu.memory_space<vmem>>) target(%dma_start3A_99 : memref<10240x128xf32, #tpu.memory_space<vmem_shared>>) offsets(%dma_start3A_96 : memref<128xi32, #tpu.memory_space<vmem>>) semaphore(%arg14 : memref<!tpu.dma_semaphore, #tpu.memory_space<semaphore_mem>>) {add = true}
      %dma_wait3A_100 = arith.constant 31 : i32
      %dma_wait3A_101 = arith.constant 0 : i32
      %dma_wait3A_102 = tpu.memref_slice %arg7[%dma_wait3A_100, %dma_wait3A_101] : memref<32x128xi32, #tpu.memory_space<vmem>> -> memref<1x128xi32, #tpu.memory_space<vmem>>
      %dma_wait3A_103 = tpu.memref_squeeze %dma_wait3A_102 : memref<1x128xi32, #tpu.memory_space<vmem>> -> memref<128xi32, #tpu.memory_space<vmem>>
      %dma_wait3A_104 = arith.constant 0 : i32
      %dma_wait3A_105 = arith.constant 0 : i32
      %dma_wait3A_106 = tpu.memref_slice %arg10[%dma_wait3A_104, %dma_wait3A_105] : memref<10240x128xf32, #tpu.memory_space<vmem_shared>> -> memref<10240x128xf32, #tpu.memory_space<vmem_shared>>
      tpu.wait_indirect_dma semaphore(%arg14 : memref<!tpu.dma_semaphore, #tpu.memory_space<semaphore_mem>>) src(%arg9 : memref<128x128xf32, #tpu.memory_space<vmem>>) dst(%dma_wait3A_106 : memref<10240x128xf32, #tpu.memory_space<vmem_shared>>)
      %while3A_107 = arith.constant 0 : i32
      scf.yield %while3A_107 : i32
    }
    %while3A_31 = arith.constant 1 : i32
    %while3A_32 = scf.for %while3A_41 = %while3A_28 to %while3A_24 step %while3A_31 iter_args(%while3A_42 = %while3A_30) -> (i32)  : i32 {
      %mul3A_43 = arith.constant 32 : i32
      %mul3A_44 = arith.muli %while3A_41, %mul3A_43 : i32
      %add3A_45 = arith.addi %select_n3A_21, %mul3A_44 : i32
      "tpu.region"() ({
        %run_scoped3A = tpu.sem_alloc : memref<!tpu.dma_semaphore, #tpu.memory_space<semaphore_mem>>
        %dma_start3A_108 = arith.constant 0 : i32
        %dma_start3A_109 = tpu.memref_slice %arg3[%add3A_45, %dma_start3A_108] : memref<2560x128xi32, #tpu.memory_space<hbm>> -> memref<32x128xi32, #tpu.memory_space<hbm>>
        %dma_start3A_110 = arith.constant 0 : i32
        %dma_start3A_111 = tpu.memref_slice %arg3[%add3A_45, %dma_start3A_110] : memref<2560x128xi32, #tpu.memory_space<hbm>> -> memref<32x128xi32, #tpu.memory_space<hbm>>
        tpu.enqueue_dma source(%dma_start3A_111 : memref<32x128xi32, #tpu.memory_space<hbm>>) target(%arg6 : memref<32x128xi32, #tpu.memory_space<vmem>>) target_semaphore(%run_scoped3A : memref<!tpu.dma_semaphore, #tpu.memory_space<semaphore_mem>>)
        %dma_wait3A_112 = arith.constant 0 : i32
        %dma_wait3A_113 = tpu.memref_slice %arg3[%add3A_45, %dma_wait3A_112] : memref<2560x128xi32, #tpu.memory_space<hbm>> -> memref<32x128xi32, #tpu.memory_space<hbm>>
        %dma_wait3A_114 = arith.constant 0 : i32
        %dma_wait3A_115 = tpu.memref_slice %arg3[%add3A_45, %dma_wait3A_114] : memref<2560x128xi32, #tpu.memory_space<hbm>> -> memref<32x128xi32, #tpu.memory_space<hbm>>
        tpu.wait_dma2 semaphore(%run_scoped3A : memref<!tpu.dma_semaphore, #tpu.memory_space<semaphore_mem>>) src(%dma_wait3A_115 : memref<32x128xi32, #tpu.memory_space<hbm>>) dst(%arg6 : memref<32x128xi32, #tpu.memory_space<vmem>>)
        tpu.yield
      }) : () -> ()
      "tpu.region"() ({
        %run_scoped3A = tpu.sem_alloc : memref<!tpu.dma_semaphore, #tpu.memory_space<semaphore_mem>>
        %dma_start3A_108 = arith.constant 0 : i32
        %dma_start3A_109 = tpu.memref_slice %arg4[%add3A_45, %dma_start3A_108] : memref<2560x128xi32, #tpu.memory_space<hbm>> -> memref<32x128xi32, #tpu.memory_space<hbm>>
        %dma_start3A_110 = arith.constant 0 : i32
        %dma_start3A_111 = tpu.memref_slice %arg4[%add3A_45, %dma_start3A_110] : memref<2560x128xi32, #tpu.memory_space<hbm>> -> memref<32x128xi32, #tpu.memory_space<hbm>>
        tpu.enqueue_dma source(%dma_start3A_111 : memref<32x128xi32, #tpu.memory_space<hbm>>) target(%arg7 : memref<32x128xi32, #tpu.memory_space<vmem>>) target_semaphore(%run_scoped3A : memref<!tpu.dma_semaphore, #tpu.memory_space<semaphore_mem>>)
        %dma_wait3A_112 = arith.constant 0 : i32
        %dma_wait3A_113 = tpu.memref_slice %arg4[%add3A_45, %dma_wait3A_112] : memref<2560x128xi32, #tpu.memory_space<hbm>> -> memref<32x128xi32, #tpu.memory_space<hbm>>
        %dma_wait3A_114 = arith.constant 0 : i32
        %dma_wait3A_115 = tpu.memref_slice %arg4[%add3A_45, %dma_wait3A_114] : memref<2560x128xi32, #tpu.memory_space<hbm>> -> memref<32x128xi32, #tpu.memory_space<hbm>>
        tpu.wait_dma2 semaphore(%run_scoped3A : memref<!tpu.dma_semaphore, #tpu.memory_space<semaphore_mem>>) src(%dma_wait3A_115 : memref<32x128xi32, #tpu.memory_space<hbm>>) dst(%arg7 : memref<32x128xi32, #tpu.memory_space<vmem>>)
        tpu.yield
      }) : () -> ()
      %dma_start3A = arith.constant 0 : i32
      %dma_start3A_46 = arith.constant 0 : i32
      %dma_start3A_47 = tpu.memref_slice %arg6[%dma_start3A, %dma_start3A_46] : memref<32x128xi32, #tpu.memory_space<vmem>> -> memref<1x128xi32, #tpu.memory_space<vmem>>
      %dma_start3A_48 = tpu.memref_squeeze %dma_start3A_47 : memref<1x128xi32, #tpu.memory_space<vmem>> -> memref<128xi32, #tpu.memory_space<vmem>>
      %dma_start3A_49 = arith.constant 0 : i32
      %dma_start3A_50 = arith.constant 0 : i32
      %dma_start3A_51 = tpu.memref_slice %arg2[%dma_start3A_49, %dma_start3A_50] : memref<10240x128xf32, #tpu.memory_space<hbm>> -> memref<10240x128xf32, #tpu.memory_space<hbm>>
      tpu.enqueue_indirect_dma source(%dma_start3A_51 : memref<10240x128xf32, #tpu.memory_space<hbm>>) target(%arg8 : memref<128x128xf32, #tpu.memory_space<vmem>>) offsets(%dma_start3A_48 : memref<128xi32, #tpu.memory_space<vmem>>) semaphore(%arg11 : memref<!tpu.dma_semaphore, #tpu.memory_space<semaphore_mem>>)
      %dma_start3A_52 = arith.constant 1 : i32
      %dma_start3A_53 = arith.constant 0 : i32
      %dma_start3A_54 = tpu.memref_slice %arg6[%dma_start3A_52, %dma_start3A_53] : memref<32x128xi32, #tpu.memory_space<vmem>> -> memref<1x128xi32, #tpu.memory_space<vmem>>
      %dma_start3A_55 = tpu.memref_squeeze %dma_start3A_54 : memref<1x128xi32, #tpu.memory_space<vmem>> -> memref<128xi32, #tpu.memory_space<vmem>>
      %dma_start3A_56 = arith.constant 0 : i32
      %dma_start3A_57 = arith.constant 0 : i32
      %dma_start3A_58 = tpu.memref_slice %arg2[%dma_start3A_56, %dma_start3A_57] : memref<10240x128xf32, #tpu.memory_space<hbm>> -> memref<10240x128xf32, #tpu.memory_space<hbm>>
      tpu.enqueue_indirect_dma source(%dma_start3A_58 : memref<10240x128xf32, #tpu.memory_space<hbm>>) target(%arg9 : memref<128x128xf32, #tpu.memory_space<vmem>>) offsets(%dma_start3A_55 : memref<128xi32, #tpu.memory_space<vmem>>) semaphore(%arg12 : memref<!tpu.dma_semaphore, #tpu.memory_space<semaphore_mem>>)
      %scan3A_59 = arith.constant 0 : i32
      %scan3A_60 = arith.constant 0 : i32
      %scan3A_61 = arith.constant 15 : i32
      %scan3A_62 = arith.addi %scan3A_60, %scan3A_61 : i32
      %scan3A_63 = arith.constant 1 : i32
      %scan3A_64 = scf.for %scan3A_108 = %scan3A_60 to %scan3A_62 step %scan3A_63 iter_args(%scan3A_109 = %scan3A_59) -> (i32)  : i32 {
        %mul3A_110 = arith.constant 2 : i32
        %mul3A_111 = arith.muli %mul3A_110, %scan3A_108 : i32
        %add3A_112 = arith.constant 1 : i32
        %add3A_113 = arith.addi %mul3A_111, %add3A_112 : i32
        %dma_wait3A_114 = arith.constant 0 : i32
        %dma_wait3A_115 = tpu.memref_slice %arg6[%mul3A_111, %dma_wait3A_114] : memref<32x128xi32, #tpu.memory_space<vmem>> -> memref<1x128xi32, #tpu.memory_space<vmem>>
        %dma_wait3A_116 = tpu.memref_squeeze %dma_wait3A_115 : memref<1x128xi32, #tpu.memory_space<vmem>> -> memref<128xi32, #tpu.memory_space<vmem>>
        %dma_wait3A_117 = arith.constant 0 : i32
        %dma_wait3A_118 = arith.constant 0 : i32
        %dma_wait3A_119 = tpu.memref_slice %arg2[%dma_wait3A_117, %dma_wait3A_118] : memref<10240x128xf32, #tpu.memory_space<hbm>> -> memref<10240x128xf32, #tpu.memory_space<hbm>>
        tpu.wait_indirect_dma semaphore(%arg11 : memref<!tpu.dma_semaphore, #tpu.memory_space<semaphore_mem>>) src(%dma_wait3A_119 : memref<10240x128xf32, #tpu.memory_space<hbm>>) dst(%arg8 : memref<128x128xf32, #tpu.memory_space<vmem>>)
        %dma_start3A_120 = arith.constant 0 : i32
        %dma_start3A_121 = tpu.memref_slice %arg7[%mul3A_111, %dma_start3A_120] : memref<32x128xi32, #tpu.memory_space<vmem>> -> memref<1x128xi32, #tpu.memory_space<vmem>>
        %dma_start3A_122 = tpu.memref_squeeze %dma_start3A_121 : memref<1x128xi32, #tpu.memory_space<vmem>> -> memref<128xi32, #tpu.memory_space<vmem>>
        %dma_start3A_123 = arith.constant 0 : i32
        %dma_start3A_124 = arith.constant 0 : i32
        %dma_start3A_125 = tpu.memref_slice %arg10[%dma_start3A_123, %dma_start3A_124] : memref<10240x128xf32, #tpu.memory_space<vmem_shared>> -> memref<10240x128xf32, #tpu.memory_space<vmem_shared>>
        tpu.enqueue_indirect_dma source(%arg8 : memref<128x128xf32, #tpu.memory_space<vmem>>) target(%dma_start3A_125 : memref<10240x128xf32, #tpu.memory_space<vmem_shared>>) offsets(%dma_start3A_122 : memref<128xi32, #tpu.memory_space<vmem>>) semaphore(%arg13 : memref<!tpu.dma_semaphore, #tpu.memory_space<semaphore_mem>>) {add = true}
        %dma_wait3A_126 = arith.constant 0 : i32
        %dma_wait3A_127 = tpu.memref_slice %arg6[%add3A_113, %dma_wait3A_126] : memref<32x128xi32, #tpu.memory_space<vmem>> -> memref<1x128xi32, #tpu.memory_space<vmem>>
        %dma_wait3A_128 = tpu.memref_squeeze %dma_wait3A_127 : memref<1x128xi32, #tpu.memory_space<vmem>> -> memref<128xi32, #tpu.memory_space<vmem>>
        %dma_wait3A_129 = arith.constant 0 : i32
        %dma_wait3A_130 = arith.constant 0 : i32
        %dma_wait3A_131 = tpu.memref_slice %arg2[%dma_wait3A_129, %dma_wait3A_130] : memref<10240x128xf32, #tpu.memory_space<hbm>> -> memref<10240x128xf32, #tpu.memory_space<hbm>>
        tpu.wait_indirect_dma semaphore(%arg12 : memref<!tpu.dma_semaphore, #tpu.memory_space<semaphore_mem>>) src(%dma_wait3A_131 : memref<10240x128xf32, #tpu.memory_space<hbm>>) dst(%arg9 : memref<128x128xf32, #tpu.memory_space<vmem>>)
        %dma_start3A_132 = arith.constant 0 : i32
        %dma_start3A_133 = tpu.memref_slice %arg7[%add3A_113, %dma_start3A_132] : memref<32x128xi32, #tpu.memory_space<vmem>> -> memref<1x128xi32, #tpu.memory_space<vmem>>
        %dma_start3A_134 = tpu.memref_squeeze %dma_start3A_133 : memref<1x128xi32, #tpu.memory_space<vmem>> -> memref<128xi32, #tpu.memory_space<vmem>>
        %dma_start3A_135 = arith.constant 0 : i32
        %dma_start3A_136 = arith.constant 0 : i32
        %dma_start3A_137 = tpu.memref_slice %arg10[%dma_start3A_135, %dma_start3A_136] : memref<10240x128xf32, #tpu.memory_space<vmem_shared>> -> memref<10240x128xf32, #tpu.memory_space<vmem_shared>>
        tpu.enqueue_indirect_dma source(%arg9 : memref<128x128xf32, #tpu.memory_space<vmem>>) target(%dma_start3A_137 : memref<10240x128xf32, #tpu.memory_space<vmem_shared>>) offsets(%dma_start3A_134 : memref<128xi32, #tpu.memory_space<vmem>>) semaphore(%arg14 : memref<!tpu.dma_semaphore, #tpu.memory_space<semaphore_mem>>) {add = true}
        %dma_wait3A_138 = arith.constant 0 : i32
        %dma_wait3A_139 = tpu.memref_slice %arg7[%mul3A_111, %dma_wait3A_138] : memref<32x128xi32, #tpu.memory_space<vmem>> -> memref<1x128xi32, #tpu.memory_space<vmem>>
        %dma_wait3A_140 = tpu.memref_squeeze %dma_wait3A_139 : memref<1x128xi32, #tpu.memory_space<vmem>> -> memref<128xi32, #tpu.memory_space<vmem>>
        %dma_wait3A_141 = arith.constant 0 : i32
        %dma_wait3A_142 = arith.constant 0 : i32
        %dma_wait3A_143 = tpu.memref_slice %arg10[%dma_wait3A_141, %dma_wait3A_142] : memref<10240x128xf32, #tpu.memory_space<vmem_shared>> -> memref<10240x128xf32, #tpu.memory_space<vmem_shared>>
        tpu.wait_indirect_dma semaphore(%arg13 : memref<!tpu.dma_semaphore, #tpu.memory_space<semaphore_mem>>) src(%arg8 : memref<128x128xf32, #tpu.memory_space<vmem>>) dst(%dma_wait3A_143 : memref<10240x128xf32, #tpu.memory_space<vmem_shared>>)
        %add3A_144 = arith.constant 2 : i32
        %add3A_145 = arith.addi %mul3A_111, %add3A_144 : i32
        %dma_start3A_146 = arith.constant 0 : i32
        %dma_start3A_147 = tpu.memref_slice %arg6[%add3A_145, %dma_start3A_146] : memref<32x128xi32, #tpu.memory_space<vmem>> -> memref<1x128xi32, #tpu.memory_space<vmem>>
        %dma_start3A_148 = tpu.memref_squeeze %dma_start3A_147 : memref<1x128xi32, #tpu.memory_space<vmem>> -> memref<128xi32, #tpu.memory_space<vmem>>
        %dma_start3A_149 = arith.constant 0 : i32
        %dma_start3A_150 = arith.constant 0 : i32
        %dma_start3A_151 = tpu.memref_slice %arg2[%dma_start3A_149, %dma_start3A_150] : memref<10240x128xf32, #tpu.memory_space<hbm>> -> memref<10240x128xf32, #tpu.memory_space<hbm>>
        tpu.enqueue_indirect_dma source(%dma_start3A_151 : memref<10240x128xf32, #tpu.memory_space<hbm>>) target(%arg8 : memref<128x128xf32, #tpu.memory_space<vmem>>) offsets(%dma_start3A_148 : memref<128xi32, #tpu.memory_space<vmem>>) semaphore(%arg11 : memref<!tpu.dma_semaphore, #tpu.memory_space<semaphore_mem>>)
        %dma_wait3A_152 = arith.constant 0 : i32
        %dma_wait3A_153 = tpu.memref_slice %arg7[%add3A_113, %dma_wait3A_152] : memref<32x128xi32, #tpu.memory_space<vmem>> -> memref<1x128xi32, #tpu.memory_space<vmem>>
        %dma_wait3A_154 = tpu.memref_squeeze %dma_wait3A_153 : memref<1x128xi32, #tpu.memory_space<vmem>> -> memref<128xi32, #tpu.memory_space<vmem>>
        %dma_wait3A_155 = arith.constant 0 : i32
        %dma_wait3A_156 = arith.constant 0 : i32
        %dma_wait3A_157 = tpu.memref_slice %arg10[%dma_wait3A_155, %dma_wait3A_156] : memref<10240x128xf32, #tpu.memory_space<vmem_shared>> -> memref<10240x128xf32, #tpu.memory_space<vmem_shared>>
        tpu.wait_indirect_dma semaphore(%arg14 : memref<!tpu.dma_semaphore, #tpu.memory_space<semaphore_mem>>) src(%arg9 : memref<128x128xf32, #tpu.memory_space<vmem>>) dst(%dma_wait3A_157 : memref<10240x128xf32, #tpu.memory_space<vmem_shared>>)
        %add3A_158 = arith.constant 2 : i32
        %add3A_159 = arith.addi %add3A_113, %add3A_158 : i32
        %dma_start3A_160 = arith.constant 0 : i32
        %dma_start3A_161 = tpu.memref_slice %arg6[%add3A_159, %dma_start3A_160] : memref<32x128xi32, #tpu.memory_space<vmem>> -> memref<1x128xi32, #tpu.memory_space<vmem>>
        %dma_start3A_162 = tpu.memref_squeeze %dma_start3A_161 : memref<1x128xi32, #tpu.memory_space<vmem>> -> memref<128xi32, #tpu.memory_space<vmem>>
        %dma_start3A_163 = arith.constant 0 : i32
        %dma_start3A_164 = arith.constant 0 : i32
        %dma_start3A_165 = tpu.memref_slice %arg2[%dma_start3A_163, %dma_start3A_164] : memref<10240x128xf32, #tpu.memory_space<hbm>> -> memref<10240x128xf32, #tpu.memory_space<hbm>>
        tpu.enqueue_indirect_dma source(%dma_start3A_165 : memref<10240x128xf32, #tpu.memory_space<hbm>>) target(%arg9 : memref<128x128xf32, #tpu.memory_space<vmem>>) offsets(%dma_start3A_162 : memref<128xi32, #tpu.memory_space<vmem>>) semaphore(%arg12 : memref<!tpu.dma_semaphore, #tpu.memory_space<semaphore_mem>>)
        %scan3A_166 = arith.constant 0 : i32
        scf.yield %scan3A_166 : i32
      }
      %scan3A_65 = arith.constant 15 : i32
      %dma_wait3A = arith.constant 30 : i32
      %dma_wait3A_66 = arith.constant 0 : i32
      %dma_wait3A_67 = tpu.memref_slice %arg6[%dma_wait3A, %dma_wait3A_66] : memref<32x128xi32, #tpu.memory_space<vmem>> -> memref<1x128xi32, #tpu.memory_space<vmem>>
      %dma_wait3A_68 = tpu.memref_squeeze %dma_wait3A_67 : memref<1x128xi32, #tpu.memory_space<vmem>> -> memref<128xi32, #tpu.memory_space<vmem>>
      %dma_wait3A_69 = arith.constant 0 : i32
      %dma_wait3A_70 = arith.constant 0 : i32
      %dma_wait3A_71 = tpu.memref_slice %arg2[%dma_wait3A_69, %dma_wait3A_70] : memref<10240x128xf32, #tpu.memory_space<hbm>> -> memref<10240x128xf32, #tpu.memory_space<hbm>>
      tpu.wait_indirect_dma semaphore(%arg11 : memref<!tpu.dma_semaphore, #tpu.memory_space<semaphore_mem>>) src(%dma_wait3A_71 : memref<10240x128xf32, #tpu.memory_space<hbm>>) dst(%arg8 : memref<128x128xf32, #tpu.memory_space<vmem>>)
      %dma_start3A_72 = arith.constant 30 : i32
      %dma_start3A_73 = arith.constant 0 : i32
      %dma_start3A_74 = tpu.memref_slice %arg7[%dma_start3A_72, %dma_start3A_73] : memref<32x128xi32, #tpu.memory_space<vmem>> -> memref<1x128xi32, #tpu.memory_space<vmem>>
      %dma_start3A_75 = tpu.memref_squeeze %dma_start3A_74 : memref<1x128xi32, #tpu.memory_space<vmem>> -> memref<128xi32, #tpu.memory_space<vmem>>
      %dma_start3A_76 = arith.constant 0 : i32
      %dma_start3A_77 = arith.constant 0 : i32
      %dma_start3A_78 = tpu.memref_slice %arg10[%dma_start3A_76, %dma_start3A_77] : memref<10240x128xf32, #tpu.memory_space<vmem_shared>> -> memref<10240x128xf32, #tpu.memory_space<vmem_shared>>
      tpu.enqueue_indirect_dma source(%arg8 : memref<128x128xf32, #tpu.memory_space<vmem>>) target(%dma_start3A_78 : memref<10240x128xf32, #tpu.memory_space<vmem_shared>>) offsets(%dma_start3A_75 : memref<128xi32, #tpu.memory_space<vmem>>) semaphore(%arg13 : memref<!tpu.dma_semaphore, #tpu.memory_space<semaphore_mem>>) {add = true}
      %dma_wait3A_79 = arith.constant 30 : i32
      %dma_wait3A_80 = arith.constant 0 : i32
      %dma_wait3A_81 = tpu.memref_slice %arg7[%dma_wait3A_79, %dma_wait3A_80] : memref<32x128xi32, #tpu.memory_space<vmem>> -> memref<1x128xi32, #tpu.memory_space<vmem>>
      %dma_wait3A_82 = tpu.memref_squeeze %dma_wait3A_81 : memref<1x128xi32, #tpu.memory_space<vmem>> -> memref<128xi32, #tpu.memory_space<vmem>>
      %dma_wait3A_83 = arith.constant 0 : i32
      %dma_wait3A_84 = arith.constant 0 : i32
      %dma_wait3A_85 = tpu.memref_slice %arg10[%dma_wait3A_83, %dma_wait3A_84] : memref<10240x128xf32, #tpu.memory_space<vmem_shared>> -> memref<10240x128xf32, #tpu.memory_space<vmem_shared>>
      tpu.wait_indirect_dma semaphore(%arg13 : memref<!tpu.dma_semaphore, #tpu.memory_space<semaphore_mem>>) src(%arg8 : memref<128x128xf32, #tpu.memory_space<vmem>>) dst(%dma_wait3A_85 : memref<10240x128xf32, #tpu.memory_space<vmem_shared>>)
      %dma_wait3A_86 = arith.constant 31 : i32
      %dma_wait3A_87 = arith.constant 0 : i32
      %dma_wait3A_88 = tpu.memref_slice %arg6[%dma_wait3A_86, %dma_wait3A_87] : memref<32x128xi32, #tpu.memory_space<vmem>> -> memref<1x128xi32, #tpu.memory_space<vmem>>
      %dma_wait3A_89 = tpu.memref_squeeze %dma_wait3A_88 : memref<1x128xi32, #tpu.memory_space<vmem>> -> memref<128xi32, #tpu.memory_space<vmem>>
      %dma_wait3A_90 = arith.constant 0 : i32
      %dma_wait3A_91 = arith.constant 0 : i32
      %dma_wait3A_92 = tpu.memref_slice %arg2[%dma_wait3A_90, %dma_wait3A_91] : memref<10240x128xf32, #tpu.memory_space<hbm>> -> memref<10240x128xf32, #tpu.memory_space<hbm>>
      tpu.wait_indirect_dma semaphore(%arg12 : memref<!tpu.dma_semaphore, #tpu.memory_space<semaphore_mem>>) src(%dma_wait3A_92 : memref<10240x128xf32, #tpu.memory_space<hbm>>) dst(%arg9 : memref<128x128xf32, #tpu.memory_space<vmem>>)
      %dma_start3A_93 = arith.constant 31 : i32
      %dma_start3A_94 = arith.constant 0 : i32
      %dma_start3A_95 = tpu.memref_slice %arg7[%dma_start3A_93, %dma_start3A_94] : memref<32x128xi32, #tpu.memory_space<vmem>> -> memref<1x128xi32, #tpu.memory_space<vmem>>
      %dma_start3A_96 = tpu.memref_squeeze %dma_start3A_95 : memref<1x128xi32, #tpu.memory_space<vmem>> -> memref<128xi32, #tpu.memory_space<vmem>>
      %dma_start3A_97 = arith.constant 0 : i32
      %dma_start3A_98 = arith.constant 0 : i32
      %dma_start3A_99 = tpu.memref_slice %arg10[%dma_start3A_97, %dma_start3A_98] : memref<10240x128xf32, #tpu.memory_space<vmem_shared>> -> memref<10240x128xf32, #tpu.memory_space<vmem_shared>>
      tpu.enqueue_indirect_dma source(%arg9 : memref<128x128xf32, #tpu.memory_space<vmem>>) target(%dma_start3A_99 : memref<10240x128xf32, #tpu.memory_space<vmem_shared>>) offsets(%dma_start3A_96 : memref<128xi32, #tpu.memory_space<vmem>>) semaphore(%arg14 : memref<!tpu.dma_semaphore, #tpu.memory_space<semaphore_mem>>) {add = true}
      %dma_wait3A_100 = arith.constant 31 : i32
      %dma_wait3A_101 = arith.constant 0 : i32
      %dma_wait3A_102 = tpu.memref_slice %arg7[%dma_wait3A_100, %dma_wait3A_101] : memref<32x128xi32, #tpu.memory_space<vmem>> -> memref<1x128xi32, #tpu.memory_space<vmem>>
      %dma_wait3A_103 = tpu.memref_squeeze %dma_wait3A_102 : memref<1x128xi32, #tpu.memory_space<vmem>> -> memref<128xi32, #tpu.memory_space<vmem>>
      %dma_wait3A_104 = arith.constant 0 : i32
      %dma_wait3A_105 = arith.constant 0 : i32
      %dma_wait3A_106 = tpu.memref_slice %arg10[%dma_wait3A_104, %dma_wait3A_105] : memref<10240x128xf32, #tpu.memory_space<vmem_shared>> -> memref<10240x128xf32, #tpu.memory_space<vmem_shared>>
      tpu.wait_indirect_dma semaphore(%arg14 : memref<!tpu.dma_semaphore, #tpu.memory_space<semaphore_mem>>) src(%arg9 : memref<128x128xf32, #tpu.memory_space<vmem>>) dst(%dma_wait3A_106 : memref<10240x128xf32, #tpu.memory_space<vmem_shared>>)
      %while3A_107 = arith.constant 0 : i32
      scf.yield %while3A_107 : i32
    }
    %barrier3A_33 = arith.constant 0 : index
    tpu.barrier barrier_id(%barrier3A_33)
    %scan3A_34 = arith.constant 0 : i32
    %scan3A_35 = arith.constant 0 : i32
    %scan3A_36 = arith.constant 5 : i32
    %scan3A_37 = arith.addi %scan3A_35, %scan3A_36 : i32
    %scan3A_38 = arith.constant 1 : i32
    %scan3A_39 = scf.for %scan3A_41 = %scan3A_35 to %scan3A_37 step %scan3A_38 iter_args(%scan3A_42 = %scan3A_34) -> (i32)  : i32 {
      %mul3A_43 = arith.constant 640 : i32
      %mul3A_44 = arith.muli %arg1, %mul3A_43 : i32
      %mul3A_45 = arith.constant 128 : i32
      %mul3A_46 = arith.muli %scan3A_41, %mul3A_45 : i32
      %add3A_47 = arith.addi %mul3A_44, %mul3A_46 : i32
      "tpu.region"() ({
        %run_scoped3A = tpu.sem_alloc : memref<!tpu.dma_semaphore, #tpu.memory_space<semaphore_mem>>
        %dma_start3A = arith.constant 0 : i32
        %dma_start3A_49 = tpu.memref_slice %arg5[%arg0, %add3A_47, %dma_start3A] : memref<2x10240x128xf32, #tpu.memory_space<hbm>> -> memref<1x128x128xf32, #tpu.memory_space<hbm>>
        %dma_start3A_50 = tpu.memref_squeeze %dma_start3A_49 : memref<1x128x128xf32, #tpu.memory_space<hbm>> -> memref<128x128xf32, #tpu.memory_space<hbm>>
        %dma_start3A_51 = arith.constant 0 : i32
        %dma_start3A_52 = tpu.memref_slice %arg10[%add3A_47, %dma_start3A_51] : memref<10240x128xf32, #tpu.memory_space<vmem_shared>> -> memref<128x128xf32, #tpu.memory_space<vmem_shared>>
        tpu.enqueue_dma source(%dma_start3A_52 : memref<128x128xf32, #tpu.memory_space<vmem_shared>>) target(%dma_start3A_50 : memref<128x128xf32, #tpu.memory_space<hbm>>) target_semaphore(%run_scoped3A : memref<!tpu.dma_semaphore, #tpu.memory_space<semaphore_mem>>)
        %dma_wait3A = arith.constant 0 : i32
        %dma_wait3A_53 = tpu.memref_slice %arg5[%arg0, %add3A_47, %dma_wait3A] : memref<2x10240x128xf32, #tpu.memory_space<hbm>> -> memref<1x128x128xf32, #tpu.memory_space<hbm>>
        %dma_wait3A_54 = tpu.memref_squeeze %dma_wait3A_53 : memref<1x128x128xf32, #tpu.memory_space<hbm>> -> memref<128x128xf32, #tpu.memory_space<hbm>>
        %dma_wait3A_55 = arith.constant 0 : i32
        %dma_wait3A_56 = tpu.memref_slice %arg10[%add3A_47, %dma_wait3A_55] : memref<10240x128xf32, #tpu.memory_space<vmem_shared>> -> memref<128x128xf32, #tpu.memory_space<vmem_shared>>
        tpu.wait_dma2 semaphore(%run_scoped3A : memref<!tpu.dma_semaphore, #tpu.memory_space<semaphore_mem>>) src(%dma_wait3A_56 : memref<128x128xf32, #tpu.memory_space<vmem_shared>>) dst(%dma_wait3A_54 : memref<128x128xf32, #tpu.memory_space<hbm>>)
        tpu.yield
      }) : () -> ()
      %scan3A_48 = arith.constant 0 : i32
      scf.yield %scan3A_48 : i32
    }
    %scan3A_40 = arith.constant 5 : i32
    return
  }
}

#map = affine_map<(d0, d1) -> (0, 0)>
#map1 = affine_map<(d0, d1) -> (0, 0, 0)>
module attributes {stable_mosaic.version = 14 : i64} {
  func.func @body(%arg0: i32, %arg1: i32, %arg2: memref<10240x128xf32, #tpu.memory_space<hbm>>, %arg3: memref<2560x128xi32, #tpu.memory_space<hbm>>, %arg4: memref<2560x128xi32, #tpu.memory_space<hbm>>, %arg5: memref<2x10240x128xf32, #tpu.memory_space<hbm>>, %arg6: memref<32x128xi32, #tpu.memory_space<vmem>>, %arg7: memref<32x128xi32, #tpu.memory_space<vmem>>, %arg8: memref<128x128xf32, #tpu.memory_space<vmem>>, %arg9: memref<128x128xf32, #tpu.memory_space<vmem>>, %arg10: memref<10240x128xf32, #tpu.memory_space<vmem_shared>>, %arg11: memref<!tpu.dma_semaphore, #tpu.memory_space<semaphore_mem>>, %arg12: memref<!tpu.dma_semaphore, #tpu.memory_space<semaphore_mem>>, %arg13: memref<!tpu.dma_semaphore, #tpu.memory_space<semaphore_mem>>, %arg14: memref<!tpu.dma_semaphore, #tpu.memory_space<semaphore_mem>>) attributes {dimension_semantics = [#tpu.dimension_semantics<core_parallel>, #tpu.dimension_semantics<subcore_parallel>], iteration_bounds = array<i64: 2, 16>, scalar_prefetch = 0 : i64, scratch_operands = 9 : i64, tpu.core_type = #tpu.core_type<sc_vector_subcore>, window_params = [{transform_indices = #map}, {transform_indices = #map}, {transform_indices = #map}, {transform_indices = #map1}]} {
    %scan3A = arith.constant 0 : i32
    %scan3A_0 = arith.constant 0 : i32
    %scan3A_1 = arith.constant 128 : i32
    %scan3A_2 = arith.addi %scan3A_0, %scan3A_1 : i32
    %scan3A_3 = arith.constant 1 : i32
    %scan3A_4 = scf.for %scan3A_41 = %scan3A_0 to %scan3A_2 step %scan3A_3 iter_args(%scan3A_42 = %scan3A) -> (i32)  : i32 {
      %broadcast_in_dim3A = arith.constant 0.000000e+00 : f32
      %broadcast_in_dim3A_43 = vector.broadcast %broadcast_in_dim3A : f32 to vector<16xf32>
      %swap3A = arith.index_cast %scan3A_41 : i32 to index
      %swap3A_44 = arith.constant 0 : index
      %swap3A_45 = tpu.vector_load %arg8[%swap3A, %swap3A_44] {strides = array<i32>} : memref<128x128xf32, #tpu.memory_space<vmem>>, vector<1x16xf32>,
      %swap3A_46 = vector.shape_cast %swap3A_45 : vector<1x16xf32> to vector<16xf32>
      %swap3A_47 = vector.shape_cast %broadcast_in_dim3A_43 : vector<16xf32> to vector<1x16xf32>
      tpu.vector_store %arg8[%swap3A, %swap3A_44], %swap3A_47 {strides = array<i32>} : memref<128x128xf32, #tpu.memory_space<vmem>>, vector<1x16xf32>,
      %broadcast_in_dim3A_48 = arith.constant 0.000000e+00 : f32
      %broadcast_in_dim3A_49 = vector.broadcast %broadcast_in_dim3A_48 : f32 to vector<16xf32>
      %swap3A_50 = arith.index_cast %scan3A_41 : i32 to index
      %swap3A_51 = arith.constant 16 : index
      %swap3A_52 = tpu.vector_load %arg8[%swap3A_50, %swap3A_51] {strides = array<i32>} : memref<128x128xf32, #tpu.memory_space<vmem>>, vector<1x16xf32>,
      %swap3A_53 = vector.shape_cast %swap3A_52 : vector<1x16xf32> to vector<16xf32>
      %swap3A_54 = vector.shape_cast %broadcast_in_dim3A_49 : vector<16xf32> to vector<1x16xf32>
      tpu.vector_store %arg8[%swap3A_50, %swap3A_51], %swap3A_54 {strides = array<i32>} : memref<128x128xf32, #tpu.memory_space<vmem>>, vector<1x16xf32>,
      %broadcast_in_dim3A_55 = arith.constant 0.000000e+00 : f32
      %broadcast_in_dim3A_56 = vector.broadcast %broadcast_in_dim3A_55 : f32 to vector<16xf32>
      %swap3A_57 = arith.index_cast %scan3A_41 : i32 to index
      %swap3A_58 = arith.constant 32 : index
      %swap3A_59 = tpu.vector_load %arg8[%swap3A_57, %swap3A_58] {strides = array<i32>} : memref<128x128xf32, #tpu.memory_space<vmem>>, vector<1x16xf32>,
      %swap3A_60 = vector.shape_cast %swap3A_59 : vector<1x16xf32> to vector<16xf32>
      %swap3A_61 = vector.shape_cast %broadcast_in_dim3A_56 : vector<16xf32> to vector<1x16xf32>
      tpu.vector_store %arg8[%swap3A_57, %swap3A_58], %swap3A_61 {strides = array<i32>} : memref<128x128xf32, #tpu.memory_space<vmem>>, vector<1x16xf32>,
      %broadcast_in_dim3A_62 = arith.constant 0.000000e+00 : f32
      %broadcast_in_dim3A_63 = vector.broadcast %broadcast_in_dim3A_62 : f32 to vector<16xf32>
      %swap3A_64 = arith.index_cast %scan3A_41 : i32 to index
      %swap3A_65 = arith.constant 48 : index
      %swap3A_66 = tpu.vector_load %arg8[%swap3A_64, %swap3A_65] {strides = array<i32>} : memref<128x128xf32, #tpu.memory_space<vmem>>, vector<1x16xf32>,
      %swap3A_67 = vector.shape_cast %swap3A_66 : vector<1x16xf32> to vector<16xf32>
      %swap3A_68 = vector.shape_cast %broadcast_in_dim3A_63 : vector<16xf32> to vector<1x16xf32>
      tpu.vector_store %arg8[%swap3A_64, %swap3A_65], %swap3A_68 {strides = array<i32>} : memref<128x128xf32, #tpu.memory_space<vmem>>, vector<1x16xf32>,
      %broadcast_in_dim3A_69 = arith.constant 0.000000e+00 : f32
      %broadcast_in_dim3A_70 = vector.broadcast %broadcast_in_dim3A_69 : f32 to vector<16xf32>
      %swap3A_71 = arith.index_cast %scan3A_41 : i32 to index
      %swap3A_72 = arith.constant 64 : index
      %swap3A_73 = tpu.vector_load %arg8[%swap3A_71, %swap3A_72] {strides = array<i32>} : memref<128x128xf32, #tpu.memory_space<vmem>>, vector<1x16xf32>,
      %swap3A_74 = vector.shape_cast %swap3A_73 : vector<1x16xf32> to vector<16xf32>
      %swap3A_75 = vector.shape_cast %broadcast_in_dim3A_70 : vector<16xf32> to vector<1x16xf32>
      tpu.vector_store %arg8[%swap3A_71, %swap3A_72], %swap3A_75 {strides = array<i32>} : memref<128x128xf32, #tpu.memory_space<vmem>>, vector<1x16xf32>,
      %broadcast_in_dim3A_76 = arith.constant 0.000000e+00 : f32
      %broadcast_in_dim3A_77 = vector.broadcast %broadcast_in_dim3A_76 : f32 to vector<16xf32>
      %swap3A_78 = arith.index_cast %scan3A_41 : i32 to index
      %swap3A_79 = arith.constant 80 : index
      %swap3A_80 = tpu.vector_load %arg8[%swap3A_78, %swap3A_79] {strides = array<i32>} : memref<128x128xf32, #tpu.memory_space<vmem>>, vector<1x16xf32>,
      %swap3A_81 = vector.shape_cast %swap3A_80 : vector<1x16xf32> to vector<16xf32>
      %swap3A_82 = vector.shape_cast %broadcast_in_dim3A_77 : vector<16xf32> to vector<1x16xf32>
      tpu.vector_store %arg8[%swap3A_78, %swap3A_79], %swap3A_82 {strides = array<i32>} : memref<128x128xf32, #tpu.memory_space<vmem>>, vector<1x16xf32>,
      %broadcast_in_dim3A_83 = arith.constant 0.000000e+00 : f32
      %broadcast_in_dim3A_84 = vector.broadcast %broadcast_in_dim3A_83 : f32 to vector<16xf32>
      %swap3A_85 = arith.index_cast %scan3A_41 : i32 to index
      %swap3A_86 = arith.constant 96 : index
      %swap3A_87 = tpu.vector_load %arg8[%swap3A_85, %swap3A_86] {strides = array<i32>} : memref<128x128xf32, #tpu.memory_space<vmem>>, vector<1x16xf32>,
      %swap3A_88 = vector.shape_cast %swap3A_87 : vector<1x16xf32> to vector<16xf32>
      %swap3A_89 = vector.shape_cast %broadcast_in_dim3A_84 : vector<16xf32> to vector<1x16xf32>
      tpu.vector_store %arg8[%swap3A_85, %swap3A_86], %swap3A_89 {strides = array<i32>} : memref<128x128xf32, #tpu.memory_space<vmem>>, vector<1x16xf32>,
      %broadcast_in_dim3A_90 = arith.constant 0.000000e+00 : f32
      %broadcast_in_dim3A_91 = vector.broadcast %broadcast_in_dim3A_90 : f32 to vector<16xf32>
      %swap3A_92 = arith.index_cast %scan3A_41 : i32 to index
      %swap3A_93 = arith.constant 112 : index
      %swap3A_94 = tpu.vector_load %arg8[%swap3A_92, %swap3A_93] {strides = array<i32>} : memref<128x128xf32, #tpu.memory_space<vmem>>, vector<1x16xf32>,
      %swap3A_95 = vector.shape_cast %swap3A_94 : vector<1x16xf32> to vector<16xf32>
      %swap3A_96 = vector.shape_cast %broadcast_in_dim3A_91 : vector<16xf32> to vector<1x16xf32>
      tpu.vector_store %arg8[%swap3A_92, %swap3A_93], %swap3A_96 {strides = array<i32>} : memref<128x128xf32, #tpu.memory_space<vmem>>, vector<1x16xf32>,
      %scan3A_97 = arith.constant 0 : i32
      scf.yield %scan3A_97 : i32
    }
    %scan3A_5 = arith.constant 128 : i32
    %scan3A_6 = arith.constant 0 : i32
    %scan3A_7 = arith.constant 0 : i32
    %scan3A_8 = arith.constant 5 : i32
    %scan3A_9 = arith.addi %scan3A_7, %scan3A_8 : i32
    %scan3A_10 = arith.constant 1 : i32
    %scan3A_11 = scf.for %scan3A_41 = %scan3A_7 to %scan3A_9 step %scan3A_10 iter_args(%scan3A_42 = %scan3A_6) -> (i32)  : i32 {
      %mul3A_43 = arith.constant 640 : i32
      %mul3A_44 = arith.muli %arg1, %mul3A_43 : i32
      %mul3A_45 = arith.constant 128 : i32
      %mul3A_46 = arith.muli %scan3A_41, %mul3A_45 : i32
      %add3A_47 = arith.addi %mul3A_44, %mul3A_46 : i32
      "tpu.region"() ({
        %run_scoped3A = tpu.sem_alloc : memref<!tpu.dma_semaphore, #tpu.memory_space<semaphore_mem>>
        %dma_start3A = arith.constant 0 : i32
        %dma_start3A_49 = tpu.memref_slice %arg10[%add3A_47, %dma_start3A] : memref<10240x128xf32, #tpu.memory_space<vmem_shared>> -> memref<128x128xf32, #tpu.memory_space<vmem_shared>>
        %dma_start3A_50 = arith.constant 0 : i32
        %dma_start3A_51 = tpu.memref_slice %arg10[%add3A_47, %dma_start3A_50] : memref<10240x128xf32, #tpu.memory_space<vmem_shared>> -> memref<128x128xf32, #tpu.memory_space<vmem_shared>>
        tpu.enqueue_dma source(%arg8 : memref<128x128xf32, #tpu.memory_space<vmem>>) target(%dma_start3A_51 : memref<128x128xf32, #tpu.memory_space<vmem_shared>>) target_semaphore(%run_scoped3A : memref<!tpu.dma_semaphore, #tpu.memory_space<semaphore_mem>>)
        %dma_wait3A = arith.constant 0 : i32
        %dma_wait3A_52 = tpu.memref_slice %arg10[%add3A_47, %dma_wait3A] : memref<10240x128xf32, #tpu.memory_space<vmem_shared>> -> memref<128x128xf32, #tpu.memory_space<vmem_shared>>
        %dma_wait3A_53 = arith.constant 0 : i32
        %dma_wait3A_54 = tpu.memref_slice %arg10[%add3A_47, %dma_wait3A_53] : memref<10240x128xf32, #tpu.memory_space<vmem_shared>> -> memref<128x128xf32, #tpu.memory_space<vmem_shared>>
        tpu.wait_dma2 semaphore(%run_scoped3A : memref<!tpu.dma_semaphore, #tpu.memory_space<semaphore_mem>>) src(%arg8 : memref<128x128xf32, #tpu.memory_space<vmem>>) dst(%dma_wait3A_54 : memref<128x128xf32, #tpu.memory_space<vmem_shared>>)
        tpu.yield
      }) : () -> ()
      %scan3A_48 = arith.constant 0 : i32
      scf.yield %scan3A_48 : i32
    }
    %scan3A_12 = arith.constant 5 : i32
    %barrier3A = arith.constant 0 : index
    tpu.barrier barrier_id(%barrier3A)
    %eq3A = arith.constant 0 : i32
    %eq3A_13 = arith.cmpi eq, %arg0, %eq3A : i32
    %jit3A = arith.constant 4 : i32
    %jit3A_14 = arith.constant 1 : i32
    %select_n3A = arith.select %eq3A_13, %jit3A, %jit3A_14 : i32
    %eq3A_15 = arith.constant 0 : i32
    %eq3A_16 = arith.cmpi eq, %arg0, %eq3A_15 : i32
    %mul3A = arith.constant 128 : i32
    %mul3A_17 = arith.muli %arg1, %mul3A : i32
    %mul3A_18 = arith.constant 32 : i32
    %mul3A_19 = arith.muli %arg1, %mul3A_18 : i32
    %add3A = arith.constant 2048 : i32
    %add3A_20 = arith.addi %add3A, %mul3A_19 : i32
    %select_n3A_21 = arith.select %eq3A_16, %mul3A_17, %add3A_20 : i32
    %while3A = arith.constant 0 : i32
    %while3A_22 = arith.constant 0 : i32
    %while3A_23 = arith.subi %select_n3A, %while3A : i32
    %while3A_24 = arith.addi %while3A, %while3A_23 : i32
    %while3A_25 = arith.constant 1 : i32
    %while3A_26 = arith.divsi %while3A_23, %while3A_25 : i32
    %while3A_27 = arith.muli %while3A_26, %while3A_25 : i32
    %while3A_28 = arith.addi %while3A, %while3A_27 : i32
    %while3A_29 = arith.constant 1 : i32
    %while3A_30 = scf.for %while3A_41 = %while3A to %while3A_28 step %while3A_29 iter_args(%while3A_42 = %while3A_22) -> (i32)  : i32 {
      %mul3A_43 = arith.constant 32 : i32
      %mul3A_44 = arith.muli %while3A_41, %mul3A_43 : i32
      %add3A_45 = arith.addi %select_n3A_21, %mul3A_44 : i32
      "tpu.region"() ({
        %run_scoped3A = tpu.sem_alloc : memref<!tpu.dma_semaphore, #tpu.memory_space<semaphore_mem>>
        %dma_start3A_108 = arith.constant 0 : i32
        %dma_start3A_109 = tpu.memref_slice %arg3[%add3A_45, %dma_start3A_108] : memref<2560x128xi32, #tpu.memory_space<hbm>> -> memref<32x128xi32, #tpu.memory_space<hbm>>
        %dma_start3A_110 = arith.constant 0 : i32
        %dma_start3A_111 = tpu.memref_slice %arg3[%add3A_45, %dma_start3A_110] : memref<2560x128xi32, #tpu.memory_space<hbm>> -> memref<32x128xi32, #tpu.memory_space<hbm>>
        tpu.enqueue_dma source(%dma_start3A_111 : memref<32x128xi32, #tpu.memory_space<hbm>>) target(%arg6 : memref<32x128xi32, #tpu.memory_space<vmem>>) target_semaphore(%run_scoped3A : memref<!tpu.dma_semaphore, #tpu.memory_space<semaphore_mem>>)
        %dma_wait3A_112 = arith.constant 0 : i32
        %dma_wait3A_113 = tpu.memref_slice %arg3[%add3A_45, %dma_wait3A_112] : memref<2560x128xi32, #tpu.memory_space<hbm>> -> memref<32x128xi32, #tpu.memory_space<hbm>>
        %dma_wait3A_114 = arith.constant 0 : i32
        %dma_wait3A_115 = tpu.memref_slice %arg3[%add3A_45, %dma_wait3A_114] : memref<2560x128xi32, #tpu.memory_space<hbm>> -> memref<32x128xi32, #tpu.memory_space<hbm>>
        tpu.wait_dma2 semaphore(%run_scoped3A : memref<!tpu.dma_semaphore, #tpu.memory_space<semaphore_mem>>) src(%dma_wait3A_115 : memref<32x128xi32, #tpu.memory_space<hbm>>) dst(%arg6 : memref<32x128xi32, #tpu.memory_space<vmem>>)
        tpu.yield
      }) : () -> ()
      "tpu.region"() ({
        %run_scoped3A = tpu.sem_alloc : memref<!tpu.dma_semaphore, #tpu.memory_space<semaphore_mem>>
        %dma_start3A_108 = arith.constant 0 : i32
        %dma_start3A_109 = tpu.memref_slice %arg4[%add3A_45, %dma_start3A_108] : memref<2560x128xi32, #tpu.memory_space<hbm>> -> memref<32x128xi32, #tpu.memory_space<hbm>>
        %dma_start3A_110 = arith.constant 0 : i32
        %dma_start3A_111 = tpu.memref_slice %arg4[%add3A_45, %dma_start3A_110] : memref<2560x128xi32, #tpu.memory_space<hbm>> -> memref<32x128xi32, #tpu.memory_space<hbm>>
        tpu.enqueue_dma source(%dma_start3A_111 : memref<32x128xi32, #tpu.memory_space<hbm>>) target(%arg7 : memref<32x128xi32, #tpu.memory_space<vmem>>) target_semaphore(%run_scoped3A : memref<!tpu.dma_semaphore, #tpu.memory_space<semaphore_mem>>)
        %dma_wait3A_112 = arith.constant 0 : i32
        %dma_wait3A_113 = tpu.memref_slice %arg4[%add3A_45, %dma_wait3A_112] : memref<2560x128xi32, #tpu.memory_space<hbm>> -> memref<32x128xi32, #tpu.memory_space<hbm>>
        %dma_wait3A_114 = arith.constant 0 : i32
        %dma_wait3A_115 = tpu.memref_slice %arg4[%add3A_45, %dma_wait3A_114] : memref<2560x128xi32, #tpu.memory_space<hbm>> -> memref<32x128xi32, #tpu.memory_space<hbm>>
        tpu.wait_dma2 semaphore(%run_scoped3A : memref<!tpu.dma_semaphore, #tpu.memory_space<semaphore_mem>>) src(%dma_wait3A_115 : memref<32x128xi32, #tpu.memory_space<hbm>>) dst(%arg7 : memref<32x128xi32, #tpu.memory_space<vmem>>)
        tpu.yield
      }) : () -> ()
      %dma_start3A = arith.constant 0 : i32
      %dma_start3A_46 = arith.constant 0 : i32
      %dma_start3A_47 = tpu.memref_slice %arg6[%dma_start3A, %dma_start3A_46] : memref<32x128xi32, #tpu.memory_space<vmem>> -> memref<1x128xi32, #tpu.memory_space<vmem>>
      %dma_start3A_48 = tpu.memref_squeeze %dma_start3A_47 : memref<1x128xi32, #tpu.memory_space<vmem>> -> memref<128xi32, #tpu.memory_space<vmem>>
      %dma_start3A_49 = arith.constant 0 : i32
      %dma_start3A_50 = arith.constant 0 : i32
      %dma_start3A_51 = tpu.memref_slice %arg2[%dma_start3A_49, %dma_start3A_50] : memref<10240x128xf32, #tpu.memory_space<hbm>> -> memref<10240x128xf32, #tpu.memory_space<hbm>>
      tpu.enqueue_indirect_dma source(%dma_start3A_51 : memref<10240x128xf32, #tpu.memory_space<hbm>>) target(%arg8 : memref<128x128xf32, #tpu.memory_space<vmem>>) offsets(%dma_start3A_48 : memref<128xi32, #tpu.memory_space<vmem>>) semaphore(%arg11 : memref<!tpu.dma_semaphore, #tpu.memory_space<semaphore_mem>>)
      %dma_start3A_52 = arith.constant 1 : i32
      %dma_start3A_53 = arith.constant 0 : i32
      %dma_start3A_54 = tpu.memref_slice %arg6[%dma_start3A_52, %dma_start3A_53] : memref<32x128xi32, #tpu.memory_space<vmem>> -> memref<1x128xi32, #tpu.memory_space<vmem>>
      %dma_start3A_55 = tpu.memref_squeeze %dma_start3A_54 : memref<1x128xi32, #tpu.memory_space<vmem>> -> memref<128xi32, #tpu.memory_space<vmem>>
      %dma_start3A_56 = arith.constant 0 : i32
      %dma_start3A_57 = arith.constant 0 : i32
      %dma_start3A_58 = tpu.memref_slice %arg2[%dma_start3A_56, %dma_start3A_57] : memref<10240x128xf32, #tpu.memory_space<hbm>> -> memref<10240x128xf32, #tpu.memory_space<hbm>>
      tpu.enqueue_indirect_dma source(%dma_start3A_58 : memref<10240x128xf32, #tpu.memory_space<hbm>>) target(%arg9 : memref<128x128xf32, #tpu.memory_space<vmem>>) offsets(%dma_start3A_55 : memref<128xi32, #tpu.memory_space<vmem>>) semaphore(%arg12 : memref<!tpu.dma_semaphore, #tpu.memory_space<semaphore_mem>>)
      %scan3A_59 = arith.constant 0 : i32
      %scan3A_60 = arith.constant 0 : i32
      %scan3A_61 = arith.constant 15 : i32
      %scan3A_62 = arith.addi %scan3A_60, %scan3A_61 : i32
      %scan3A_63 = arith.constant 1 : i32
      %scan3A_64 = scf.for %scan3A_108 = %scan3A_60 to %scan3A_62 step %scan3A_63 iter_args(%scan3A_109 = %scan3A_59) -> (i32)  : i32 {
        %mul3A_110 = arith.constant 2 : i32
        %mul3A_111 = arith.muli %mul3A_110, %scan3A_108 : i32
        %add3A_112 = arith.constant 1 : i32
        %add3A_113 = arith.addi %mul3A_111, %add3A_112 : i32
        %dma_wait3A_114 = arith.constant 0 : i32
        %dma_wait3A_115 = tpu.memref_slice %arg6[%mul3A_111, %dma_wait3A_114] : memref<32x128xi32, #tpu.memory_space<vmem>> -> memref<1x128xi32, #tpu.memory_space<vmem>>
        %dma_wait3A_116 = tpu.memref_squeeze %dma_wait3A_115 : memref<1x128xi32, #tpu.memory_space<vmem>> -> memref<128xi32, #tpu.memory_space<vmem>>
        %dma_wait3A_117 = arith.constant 0 : i32
        %dma_wait3A_118 = arith.constant 0 : i32
        %dma_wait3A_119 = tpu.memref_slice %arg2[%dma_wait3A_117, %dma_wait3A_118] : memref<10240x128xf32, #tpu.memory_space<hbm>> -> memref<10240x128xf32, #tpu.memory_space<hbm>>
        tpu.wait_indirect_dma semaphore(%arg11 : memref<!tpu.dma_semaphore, #tpu.memory_space<semaphore_mem>>) src(%dma_wait3A_119 : memref<10240x128xf32, #tpu.memory_space<hbm>>) dst(%arg8 : memref<128x128xf32, #tpu.memory_space<vmem>>)
        %dma_start3A_120 = arith.constant 0 : i32
        %dma_start3A_121 = tpu.memref_slice %arg7[%mul3A_111, %dma_start3A_120] : memref<32x128xi32, #tpu.memory_space<vmem>> -> memref<1x128xi32, #tpu.memory_space<vmem>>
        %dma_start3A_122 = tpu.memref_squeeze %dma_start3A_121 : memref<1x128xi32, #tpu.memory_space<vmem>> -> memref<128xi32, #tpu.memory_space<vmem>>
        %dma_start3A_123 = arith.constant 0 : i32
        %dma_start3A_124 = arith.constant 0 : i32
        %dma_start3A_125 = tpu.memref_slice %arg10[%dma_start3A_123, %dma_start3A_124] : memref<10240x128xf32, #tpu.memory_space<vmem_shared>> -> memref<10240x128xf32, #tpu.memory_space<vmem_shared>>
        tpu.enqueue_indirect_dma source(%arg8 : memref<128x128xf32, #tpu.memory_space<vmem>>) target(%dma_start3A_125 : memref<10240x128xf32, #tpu.memory_space<vmem_shared>>) offsets(%dma_start3A_122 : memref<128xi32, #tpu.memory_space<vmem>>) semaphore(%arg13 : memref<!tpu.dma_semaphore, #tpu.memory_space<semaphore_mem>>) {add = true}
        %dma_wait3A_126 = arith.constant 0 : i32
        %dma_wait3A_127 = tpu.memref_slice %arg6[%add3A_113, %dma_wait3A_126] : memref<32x128xi32, #tpu.memory_space<vmem>> -> memref<1x128xi32, #tpu.memory_space<vmem>>
        %dma_wait3A_128 = tpu.memref_squeeze %dma_wait3A_127 : memref<1x128xi32, #tpu.memory_space<vmem>> -> memref<128xi32, #tpu.memory_space<vmem>>
        %dma_wait3A_129 = arith.constant 0 : i32
        %dma_wait3A_130 = arith.constant 0 : i32
        %dma_wait3A_131 = tpu.memref_slice %arg2[%dma_wait3A_129, %dma_wait3A_130] : memref<10240x128xf32, #tpu.memory_space<hbm>> -> memref<10240x128xf32, #tpu.memory_space<hbm>>
        tpu.wait_indirect_dma semaphore(%arg12 : memref<!tpu.dma_semaphore, #tpu.memory_space<semaphore_mem>>) src(%dma_wait3A_131 : memref<10240x128xf32, #tpu.memory_space<hbm>>) dst(%arg9 : memref<128x128xf32, #tpu.memory_space<vmem>>)
        %dma_start3A_132 = arith.constant 0 : i32
        %dma_start3A_133 = tpu.memref_slice %arg7[%add3A_113, %dma_start3A_132] : memref<32x128xi32, #tpu.memory_space<vmem>> -> memref<1x128xi32, #tpu.memory_space<vmem>>
        %dma_start3A_134 = tpu.memref_squeeze %dma_start3A_133 : memref<1x128xi32, #tpu.memory_space<vmem>> -> memref<128xi32, #tpu.memory_space<vmem>>
        %dma_start3A_135 = arith.constant 0 : i32
        %dma_start3A_136 = arith.constant 0 : i32
        %dma_start3A_137 = tpu.memref_slice %arg10[%dma_start3A_135, %dma_start3A_136] : memref<10240x128xf32, #tpu.memory_space<vmem_shared>> -> memref<10240x128xf32, #tpu.memory_space<vmem_shared>>
        tpu.enqueue_indirect_dma source(%arg9 : memref<128x128xf32, #tpu.memory_space<vmem>>) target(%dma_start3A_137 : memref<10240x128xf32, #tpu.memory_space<vmem_shared>>) offsets(%dma_start3A_134 : memref<128xi32, #tpu.memory_space<vmem>>) semaphore(%arg14 : memref<!tpu.dma_semaphore, #tpu.memory_space<semaphore_mem>>) {add = true}
        %dma_wait3A_138 = arith.constant 0 : i32
        %dma_wait3A_139 = tpu.memref_slice %arg7[%mul3A_111, %dma_wait3A_138] : memref<32x128xi32, #tpu.memory_space<vmem>> -> memref<1x128xi32, #tpu.memory_space<vmem>>
        %dma_wait3A_140 = tpu.memref_squeeze %dma_wait3A_139 : memref<1x128xi32, #tpu.memory_space<vmem>> -> memref<128xi32, #tpu.memory_space<vmem>>
        %dma_wait3A_141 = arith.constant 0 : i32
        %dma_wait3A_142 = arith.constant 0 : i32
        %dma_wait3A_143 = tpu.memref_slice %arg10[%dma_wait3A_141, %dma_wait3A_142] : memref<10240x128xf32, #tpu.memory_space<vmem_shared>> -> memref<10240x128xf32, #tpu.memory_space<vmem_shared>>
        tpu.wait_indirect_dma semaphore(%arg13 : memref<!tpu.dma_semaphore, #tpu.memory_space<semaphore_mem>>) src(%arg8 : memref<128x128xf32, #tpu.memory_space<vmem>>) dst(%dma_wait3A_143 : memref<10240x128xf32, #tpu.memory_space<vmem_shared>>)
        %add3A_144 = arith.constant 2 : i32
        %add3A_145 = arith.addi %mul3A_111, %add3A_144 : i32
        %dma_start3A_146 = arith.constant 0 : i32
        %dma_start3A_147 = tpu.memref_slice %arg6[%add3A_145, %dma_start3A_146] : memref<32x128xi32, #tpu.memory_space<vmem>> -> memref<1x128xi32, #tpu.memory_space<vmem>>
        %dma_start3A_148 = tpu.memref_squeeze %dma_start3A_147 : memref<1x128xi32, #tpu.memory_space<vmem>> -> memref<128xi32, #tpu.memory_space<vmem>>
        %dma_start3A_149 = arith.constant 0 : i32
        %dma_start3A_150 = arith.constant 0 : i32
        %dma_start3A_151 = tpu.memref_slice %arg2[%dma_start3A_149, %dma_start3A_150] : memref<10240x128xf32, #tpu.memory_space<hbm>> -> memref<10240x128xf32, #tpu.memory_space<hbm>>
        tpu.enqueue_indirect_dma source(%dma_start3A_151 : memref<10240x128xf32, #tpu.memory_space<hbm>>) target(%arg8 : memref<128x128xf32, #tpu.memory_space<vmem>>) offsets(%dma_start3A_148 : memref<128xi32, #tpu.memory_space<vmem>>) semaphore(%arg11 : memref<!tpu.dma_semaphore, #tpu.memory_space<semaphore_mem>>)
        %dma_wait3A_152 = arith.constant 0 : i32
        %dma_wait3A_153 = tpu.memref_slice %arg7[%add3A_113, %dma_wait3A_152] : memref<32x128xi32, #tpu.memory_space<vmem>> -> memref<1x128xi32, #tpu.memory_space<vmem>>
        %dma_wait3A_154 = tpu.memref_squeeze %dma_wait3A_153 : memref<1x128xi32, #tpu.memory_space<vmem>> -> memref<128xi32, #tpu.memory_space<vmem>>
        %dma_wait3A_155 = arith.constant 0 : i32
        %dma_wait3A_156 = arith.constant 0 : i32
        %dma_wait3A_157 = tpu.memref_slice %arg10[%dma_wait3A_155, %dma_wait3A_156] : memref<10240x128xf32, #tpu.memory_space<vmem_shared>> -> memref<10240x128xf32, #tpu.memory_space<vmem_shared>>
        tpu.wait_indirect_dma semaphore(%arg14 : memref<!tpu.dma_semaphore, #tpu.memory_space<semaphore_mem>>) src(%arg9 : memref<128x128xf32, #tpu.memory_space<vmem>>) dst(%dma_wait3A_157 : memref<10240x128xf32, #tpu.memory_space<vmem_shared>>)
        %add3A_158 = arith.constant 2 : i32
        %add3A_159 = arith.addi %add3A_113, %add3A_158 : i32
        %dma_start3A_160 = arith.constant 0 : i32
        %dma_start3A_161 = tpu.memref_slice %arg6[%add3A_159, %dma_start3A_160] : memref<32x128xi32, #tpu.memory_space<vmem>> -> memref<1x128xi32, #tpu.memory_space<vmem>>
        %dma_start3A_162 = tpu.memref_squeeze %dma_start3A_161 : memref<1x128xi32, #tpu.memory_space<vmem>> -> memref<128xi32, #tpu.memory_space<vmem>>
        %dma_start3A_163 = arith.constant 0 : i32
        %dma_start3A_164 = arith.constant 0 : i32
        %dma_start3A_165 = tpu.memref_slice %arg2[%dma_start3A_163, %dma_start3A_164] : memref<10240x128xf32, #tpu.memory_space<hbm>> -> memref<10240x128xf32, #tpu.memory_space<hbm>>
        tpu.enqueue_indirect_dma source(%dma_start3A_165 : memref<10240x128xf32, #tpu.memory_space<hbm>>) target(%arg9 : memref<128x128xf32, #tpu.memory_space<vmem>>) offsets(%dma_start3A_162 : memref<128xi32, #tpu.memory_space<vmem>>) semaphore(%arg12 : memref<!tpu.dma_semaphore, #tpu.memory_space<semaphore_mem>>)
        %scan3A_166 = arith.constant 0 : i32
        scf.yield %scan3A_166 : i32
      }
      %scan3A_65 = arith.constant 15 : i32
      %dma_wait3A = arith.constant 30 : i32
      %dma_wait3A_66 = arith.constant 0 : i32
      %dma_wait3A_67 = tpu.memref_slice %arg6[%dma_wait3A, %dma_wait3A_66] : memref<32x128xi32, #tpu.memory_space<vmem>> -> memref<1x128xi32, #tpu.memory_space<vmem>>
      %dma_wait3A_68 = tpu.memref_squeeze %dma_wait3A_67 : memref<1x128xi32, #tpu.memory_space<vmem>> -> memref<128xi32, #tpu.memory_space<vmem>>
      %dma_wait3A_69 = arith.constant 0 : i32
      %dma_wait3A_70 = arith.constant 0 : i32
      %dma_wait3A_71 = tpu.memref_slice %arg2[%dma_wait3A_69, %dma_wait3A_70] : memref<10240x128xf32, #tpu.memory_space<hbm>> -> memref<10240x128xf32, #tpu.memory_space<hbm>>
      tpu.wait_indirect_dma semaphore(%arg11 : memref<!tpu.dma_semaphore, #tpu.memory_space<semaphore_mem>>) src(%dma_wait3A_71 : memref<10240x128xf32, #tpu.memory_space<hbm>>) dst(%arg8 : memref<128x128xf32, #tpu.memory_space<vmem>>)
      %dma_start3A_72 = arith.constant 30 : i32
      %dma_start3A_73 = arith.constant 0 : i32
      %dma_start3A_74 = tpu.memref_slice %arg7[%dma_start3A_72, %dma_start3A_73] : memref<32x128xi32, #tpu.memory_space<vmem>> -> memref<1x128xi32, #tpu.memory_space<vmem>>
      %dma_start3A_75 = tpu.memref_squeeze %dma_start3A_74 : memref<1x128xi32, #tpu.memory_space<vmem>> -> memref<128xi32, #tpu.memory_space<vmem>>
      %dma_start3A_76 = arith.constant 0 : i32
      %dma_start3A_77 = arith.constant 0 : i32
      %dma_start3A_78 = tpu.memref_slice %arg10[%dma_start3A_76, %dma_start3A_77] : memref<10240x128xf32, #tpu.memory_space<vmem_shared>> -> memref<10240x128xf32, #tpu.memory_space<vmem_shared>>
      tpu.enqueue_indirect_dma source(%arg8 : memref<128x128xf32, #tpu.memory_space<vmem>>) target(%dma_start3A_78 : memref<10240x128xf32, #tpu.memory_space<vmem_shared>>) offsets(%dma_start3A_75 : memref<128xi32, #tpu.memory_space<vmem>>) semaphore(%arg13 : memref<!tpu.dma_semaphore, #tpu.memory_space<semaphore_mem>>) {add = true}
      %dma_wait3A_79 = arith.constant 30 : i32
      %dma_wait3A_80 = arith.constant 0 : i32
      %dma_wait3A_81 = tpu.memref_slice %arg7[%dma_wait3A_79, %dma_wait3A_80] : memref<32x128xi32, #tpu.memory_space<vmem>> -> memref<1x128xi32, #tpu.memory_space<vmem>>
      %dma_wait3A_82 = tpu.memref_squeeze %dma_wait3A_81 : memref<1x128xi32, #tpu.memory_space<vmem>> -> memref<128xi32, #tpu.memory_space<vmem>>
      %dma_wait3A_83 = arith.constant 0 : i32
      %dma_wait3A_84 = arith.constant 0 : i32
      %dma_wait3A_85 = tpu.memref_slice %arg10[%dma_wait3A_83, %dma_wait3A_84] : memref<10240x128xf32, #tpu.memory_space<vmem_shared>> -> memref<10240x128xf32, #tpu.memory_space<vmem_shared>>
      tpu.wait_indirect_dma semaphore(%arg13 : memref<!tpu.dma_semaphore, #tpu.memory_space<semaphore_mem>>) src(%arg8 : memref<128x128xf32, #tpu.memory_space<vmem>>) dst(%dma_wait3A_85 : memref<10240x128xf32, #tpu.memory_space<vmem_shared>>)
      %dma_wait3A_86 = arith.constant 31 : i32
      %dma_wait3A_87 = arith.constant 0 : i32
      %dma_wait3A_88 = tpu.memref_slice %arg6[%dma_wait3A_86, %dma_wait3A_87] : memref<32x128xi32, #tpu.memory_space<vmem>> -> memref<1x128xi32, #tpu.memory_space<vmem>>
      %dma_wait3A_89 = tpu.memref_squeeze %dma_wait3A_88 : memref<1x128xi32, #tpu.memory_space<vmem>> -> memref<128xi32, #tpu.memory_space<vmem>>
      %dma_wait3A_90 = arith.constant 0 : i32
      %dma_wait3A_91 = arith.constant 0 : i32
      %dma_wait3A_92 = tpu.memref_slice %arg2[%dma_wait3A_90, %dma_wait3A_91] : memref<10240x128xf32, #tpu.memory_space<hbm>> -> memref<10240x128xf32, #tpu.memory_space<hbm>>
      tpu.wait_indirect_dma semaphore(%arg12 : memref<!tpu.dma_semaphore, #tpu.memory_space<semaphore_mem>>) src(%dma_wait3A_92 : memref<10240x128xf32, #tpu.memory_space<hbm>>) dst(%arg9 : memref<128x128xf32, #tpu.memory_space<vmem>>)
      %dma_start3A_93 = arith.constant 31 : i32
      %dma_start3A_94 = arith.constant 0 : i32
      %dma_start3A_95 = tpu.memref_slice %arg7[%dma_start3A_93, %dma_start3A_94] : memref<32x128xi32, #tpu.memory_space<vmem>> -> memref<1x128xi32, #tpu.memory_space<vmem>>
      %dma_start3A_96 = tpu.memref_squeeze %dma_start3A_95 : memref<1x128xi32, #tpu.memory_space<vmem>> -> memref<128xi32, #tpu.memory_space<vmem>>
      %dma_start3A_97 = arith.constant 0 : i32
      %dma_start3A_98 = arith.constant 0 : i32
      %dma_start3A_99 = tpu.memref_slice %arg10[%dma_start3A_97, %dma_start3A_98] : memref<10240x128xf32, #tpu.memory_space<vmem_shared>> -> memref<10240x128xf32, #tpu.memory_space<vmem_shared>>
      tpu.enqueue_indirect_dma source(%arg9 : memref<128x128xf32, #tpu.memory_space<vmem>>) target(%dma_start3A_99 : memref<10240x128xf32, #tpu.memory_space<vmem_shared>>) offsets(%dma_start3A_96 : memref<128xi32, #tpu.memory_space<vmem>>) semaphore(%arg14 : memref<!tpu.dma_semaphore, #tpu.memory_space<semaphore_mem>>) {add = true}
      %dma_wait3A_100 = arith.constant 31 : i32
      %dma_wait3A_101 = arith.constant 0 : i32
      %dma_wait3A_102 = tpu.memref_slice %arg7[%dma_wait3A_100, %dma_wait3A_101] : memref<32x128xi32, #tpu.memory_space<vmem>> -> memref<1x128xi32, #tpu.memory_space<vmem>>
      %dma_wait3A_103 = tpu.memref_squeeze %dma_wait3A_102 : memref<1x128xi32, #tpu.memory_space<vmem>> -> memref<128xi32, #tpu.memory_space<vmem>>
      %dma_wait3A_104 = arith.constant 0 : i32
      %dma_wait3A_105 = arith.constant 0 : i32
      %dma_wait3A_106 = tpu.memref_slice %arg10[%dma_wait3A_104, %dma_wait3A_105] : memref<10240x128xf32, #tpu.memory_space<vmem_shared>> -> memref<10240x128xf32, #tpu.memory_space<vmem_shared>>
      tpu.wait_indirect_dma semaphore(%arg14 : memref<!tpu.dma_semaphore, #tpu.memory_space<semaphore_mem>>) src(%arg9 : memref<128x128xf32, #tpu.memory_space<vmem>>) dst(%dma_wait3A_106 : memref<10240x128xf32, #tpu.memory_space<vmem_shared>>)
      %while3A_107 = arith.constant 0 : i32
      scf.yield %while3A_107 : i32
    }
    %while3A_31 = arith.constant 1 : i32
    %while3A_32 = scf.for %while3A_41 = %while3A_28 to %while3A_24 step %while3A_31 iter_args(%while3A_42 = %while3A_30) -> (i32)  : i32 {
      %mul3A_43 = arith.constant 32 : i32
      %mul3A_44 = arith.muli %while3A_41, %mul3A_43 : i32
      %add3A_45 = arith.addi %select_n3A_21, %mul3A_44 : i32
      "tpu.region"() ({
        %run_scoped3A = tpu.sem_alloc : memref<!tpu.dma_semaphore, #tpu.memory_space<semaphore_mem>>
        %dma_start3A_108 = arith.constant 0 : i32
        %dma_start3A_109 = tpu.memref_slice %arg3[%add3A_45, %dma_start3A_108] : memref<2560x128xi32, #tpu.memory_space<hbm>> -> memref<32x128xi32, #tpu.memory_space<hbm>>
        %dma_start3A_110 = arith.constant 0 : i32
        %dma_start3A_111 = tpu.memref_slice %arg3[%add3A_45, %dma_start3A_110] : memref<2560x128xi32, #tpu.memory_space<hbm>> -> memref<32x128xi32, #tpu.memory_space<hbm>>
        tpu.enqueue_dma source(%dma_start3A_111 : memref<32x128xi32, #tpu.memory_space<hbm>>) target(%arg6 : memref<32x128xi32, #tpu.memory_space<vmem>>) target_semaphore(%run_scoped3A : memref<!tpu.dma_semaphore, #tpu.memory_space<semaphore_mem>>)
        %dma_wait3A_112 = arith.constant 0 : i32
        %dma_wait3A_113 = tpu.memref_slice %arg3[%add3A_45, %dma_wait3A_112] : memref<2560x128xi32, #tpu.memory_space<hbm>> -> memref<32x128xi32, #tpu.memory_space<hbm>>
        %dma_wait3A_114 = arith.constant 0 : i32
        %dma_wait3A_115 = tpu.memref_slice %arg3[%add3A_45, %dma_wait3A_114] : memref<2560x128xi32, #tpu.memory_space<hbm>> -> memref<32x128xi32, #tpu.memory_space<hbm>>
        tpu.wait_dma2 semaphore(%run_scoped3A : memref<!tpu.dma_semaphore, #tpu.memory_space<semaphore_mem>>) src(%dma_wait3A_115 : memref<32x128xi32, #tpu.memory_space<hbm>>) dst(%arg6 : memref<32x128xi32, #tpu.memory_space<vmem>>)
        tpu.yield
      }) : () -> ()
      "tpu.region"() ({
        %run_scoped3A = tpu.sem_alloc : memref<!tpu.dma_semaphore, #tpu.memory_space<semaphore_mem>>
        %dma_start3A_108 = arith.constant 0 : i32
        %dma_start3A_109 = tpu.memref_slice %arg4[%add3A_45, %dma_start3A_108] : memref<2560x128xi32, #tpu.memory_space<hbm>> -> memref<32x128xi32, #tpu.memory_space<hbm>>
        %dma_start3A_110 = arith.constant 0 : i32
        %dma_start3A_111 = tpu.memref_slice %arg4[%add3A_45, %dma_start3A_110] : memref<2560x128xi32, #tpu.memory_space<hbm>> -> memref<32x128xi32, #tpu.memory_space<hbm>>
        tpu.enqueue_dma source(%dma_start3A_111 : memref<32x128xi32, #tpu.memory_space<hbm>>) target(%arg7 : memref<32x128xi32, #tpu.memory_space<vmem>>) target_semaphore(%run_scoped3A : memref<!tpu.dma_semaphore, #tpu.memory_space<semaphore_mem>>)
        %dma_wait3A_112 = arith.constant 0 : i32
        %dma_wait3A_113 = tpu.memref_slice %arg4[%add3A_45, %dma_wait3A_112] : memref<2560x128xi32, #tpu.memory_space<hbm>> -> memref<32x128xi32, #tpu.memory_space<hbm>>
        %dma_wait3A_114 = arith.constant 0 : i32
        %dma_wait3A_115 = tpu.memref_slice %arg4[%add3A_45, %dma_wait3A_114] : memref<2560x128xi32, #tpu.memory_space<hbm>> -> memref<32x128xi32, #tpu.memory_space<hbm>>
        tpu.wait_dma2 semaphore(%run_scoped3A : memref<!tpu.dma_semaphore, #tpu.memory_space<semaphore_mem>>) src(%dma_wait3A_115 : memref<32x128xi32, #tpu.memory_space<hbm>>) dst(%arg7 : memref<32x128xi32, #tpu.memory_space<vmem>>)
        tpu.yield
      }) : () -> ()
      %dma_start3A = arith.constant 0 : i32
      %dma_start3A_46 = arith.constant 0 : i32
      %dma_start3A_47 = tpu.memref_slice %arg6[%dma_start3A, %dma_start3A_46] : memref<32x128xi32, #tpu.memory_space<vmem>> -> memref<1x128xi32, #tpu.memory_space<vmem>>
      %dma_start3A_48 = tpu.memref_squeeze %dma_start3A_47 : memref<1x128xi32, #tpu.memory_space<vmem>> -> memref<128xi32, #tpu.memory_space<vmem>>
      %dma_start3A_49 = arith.constant 0 : i32
      %dma_start3A_50 = arith.constant 0 : i32
      %dma_start3A_51 = tpu.memref_slice %arg2[%dma_start3A_49, %dma_start3A_50] : memref<10240x128xf32, #tpu.memory_space<hbm>> -> memref<10240x128xf32, #tpu.memory_space<hbm>>
      tpu.enqueue_indirect_dma source(%dma_start3A_51 : memref<10240x128xf32, #tpu.memory_space<hbm>>) target(%arg8 : memref<128x128xf32, #tpu.memory_space<vmem>>) offsets(%dma_start3A_48 : memref<128xi32, #tpu.memory_space<vmem>>) semaphore(%arg11 : memref<!tpu.dma_semaphore, #tpu.memory_space<semaphore_mem>>)
      %dma_start3A_52 = arith.constant 1 : i32
      %dma_start3A_53 = arith.constant 0 : i32
      %dma_start3A_54 = tpu.memref_slice %arg6[%dma_start3A_52, %dma_start3A_53] : memref<32x128xi32, #tpu.memory_space<vmem>> -> memref<1x128xi32, #tpu.memory_space<vmem>>
      %dma_start3A_55 = tpu.memref_squeeze %dma_start3A_54 : memref<1x128xi32, #tpu.memory_space<vmem>> -> memref<128xi32, #tpu.memory_space<vmem>>
      %dma_start3A_56 = arith.constant 0 : i32
      %dma_start3A_57 = arith.constant 0 : i32
      %dma_start3A_58 = tpu.memref_slice %arg2[%dma_start3A_56, %dma_start3A_57] : memref<10240x128xf32, #tpu.memory_space<hbm>> -> memref<10240x128xf32, #tpu.memory_space<hbm>>
      tpu.enqueue_indirect_dma source(%dma_start3A_58 : memref<10240x128xf32, #tpu.memory_space<hbm>>) target(%arg9 : memref<128x128xf32, #tpu.memory_space<vmem>>) offsets(%dma_start3A_55 : memref<128xi32, #tpu.memory_space<vmem>>) semaphore(%arg12 : memref<!tpu.dma_semaphore, #tpu.memory_space<semaphore_mem>>)
      %scan3A_59 = arith.constant 0 : i32
      %scan3A_60 = arith.constant 0 : i32
      %scan3A_61 = arith.constant 15 : i32
      %scan3A_62 = arith.addi %scan3A_60, %scan3A_61 : i32
      %scan3A_63 = arith.constant 1 : i32
      %scan3A_64 = scf.for %scan3A_108 = %scan3A_60 to %scan3A_62 step %scan3A_63 iter_args(%scan3A_109 = %scan3A_59) -> (i32)  : i32 {
        %mul3A_110 = arith.constant 2 : i32
        %mul3A_111 = arith.muli %mul3A_110, %scan3A_108 : i32
        %add3A_112 = arith.constant 1 : i32
        %add3A_113 = arith.addi %mul3A_111, %add3A_112 : i32
        %dma_wait3A_114 = arith.constant 0 : i32
        %dma_wait3A_115 = tpu.memref_slice %arg6[%mul3A_111, %dma_wait3A_114] : memref<32x128xi32, #tpu.memory_space<vmem>> -> memref<1x128xi32, #tpu.memory_space<vmem>>
        %dma_wait3A_116 = tpu.memref_squeeze %dma_wait3A_115 : memref<1x128xi32, #tpu.memory_space<vmem>> -> memref<128xi32, #tpu.memory_space<vmem>>
        %dma_wait3A_117 = arith.constant 0 : i32
        %dma_wait3A_118 = arith.constant 0 : i32
        %dma_wait3A_119 = tpu.memref_slice %arg2[%dma_wait3A_117, %dma_wait3A_118] : memref<10240x128xf32, #tpu.memory_space<hbm>> -> memref<10240x128xf32, #tpu.memory_space<hbm>>
        tpu.wait_indirect_dma semaphore(%arg11 : memref<!tpu.dma_semaphore, #tpu.memory_space<semaphore_mem>>) src(%dma_wait3A_119 : memref<10240x128xf32, #tpu.memory_space<hbm>>) dst(%arg8 : memref<128x128xf32, #tpu.memory_space<vmem>>)
        %dma_start3A_120 = arith.constant 0 : i32
        %dma_start3A_121 = tpu.memref_slice %arg7[%mul3A_111, %dma_start3A_120] : memref<32x128xi32, #tpu.memory_space<vmem>> -> memref<1x128xi32, #tpu.memory_space<vmem>>
        %dma_start3A_122 = tpu.memref_squeeze %dma_start3A_121 : memref<1x128xi32, #tpu.memory_space<vmem>> -> memref<128xi32, #tpu.memory_space<vmem>>
        %dma_start3A_123 = arith.constant 0 : i32
        %dma_start3A_124 = arith.constant 0 : i32
        %dma_start3A_125 = tpu.memref_slice %arg10[%dma_start3A_123, %dma_start3A_124] : memref<10240x128xf32, #tpu.memory_space<vmem_shared>> -> memref<10240x128xf32, #tpu.memory_space<vmem_shared>>
        tpu.enqueue_indirect_dma source(%arg8 : memref<128x128xf32, #tpu.memory_space<vmem>>) target(%dma_start3A_125 : memref<10240x128xf32, #tpu.memory_space<vmem_shared>>) offsets(%dma_start3A_122 : memref<128xi32, #tpu.memory_space<vmem>>) semaphore(%arg13 : memref<!tpu.dma_semaphore, #tpu.memory_space<semaphore_mem>>) {add = true}
        %dma_wait3A_126 = arith.constant 0 : i32
        %dma_wait3A_127 = tpu.memref_slice %arg6[%add3A_113, %dma_wait3A_126] : memref<32x128xi32, #tpu.memory_space<vmem>> -> memref<1x128xi32, #tpu.memory_space<vmem>>
        %dma_wait3A_128 = tpu.memref_squeeze %dma_wait3A_127 : memref<1x128xi32, #tpu.memory_space<vmem>> -> memref<128xi32, #tpu.memory_space<vmem>>
        %dma_wait3A_129 = arith.constant 0 : i32
        %dma_wait3A_130 = arith.constant 0 : i32
        %dma_wait3A_131 = tpu.memref_slice %arg2[%dma_wait3A_129, %dma_wait3A_130] : memref<10240x128xf32, #tpu.memory_space<hbm>> -> memref<10240x128xf32, #tpu.memory_space<hbm>>
        tpu.wait_indirect_dma semaphore(%arg12 : memref<!tpu.dma_semaphore, #tpu.memory_space<semaphore_mem>>) src(%dma_wait3A_131 : memref<10240x128xf32, #tpu.memory_space<hbm>>) dst(%arg9 : memref<128x128xf32, #tpu.memory_space<vmem>>)
        %dma_start3A_132 = arith.constant 0 : i32
        %dma_start3A_133 = tpu.memref_slice %arg7[%add3A_113, %dma_start3A_132] : memref<32x128xi32, #tpu.memory_space<vmem>> -> memref<1x128xi32, #tpu.memory_space<vmem>>
        %dma_start3A_134 = tpu.memref_squeeze %dma_start3A_133 : memref<1x128xi32, #tpu.memory_space<vmem>> -> memref<128xi32, #tpu.memory_space<vmem>>
        %dma_start3A_135 = arith.constant 0 : i32
        %dma_start3A_136 = arith.constant 0 : i32
        %dma_start3A_137 = tpu.memref_slice %arg10[%dma_start3A_135, %dma_start3A_136] : memref<10240x128xf32, #tpu.memory_space<vmem_shared>> -> memref<10240x128xf32, #tpu.memory_space<vmem_shared>>
        tpu.enqueue_indirect_dma source(%arg9 : memref<128x128xf32, #tpu.memory_space<vmem>>) target(%dma_start3A_137 : memref<10240x128xf32, #tpu.memory_space<vmem_shared>>) offsets(%dma_start3A_134 : memref<128xi32, #tpu.memory_space<vmem>>) semaphore(%arg14 : memref<!tpu.dma_semaphore, #tpu.memory_space<semaphore_mem>>) {add = true}
        %dma_wait3A_138 = arith.constant 0 : i32
        %dma_wait3A_139 = tpu.memref_slice %arg7[%mul3A_111, %dma_wait3A_138] : memref<32x128xi32, #tpu.memory_space<vmem>> -> memref<1x128xi32, #tpu.memory_space<vmem>>
        %dma_wait3A_140 = tpu.memref_squeeze %dma_wait3A_139 : memref<1x128xi32, #tpu.memory_space<vmem>> -> memref<128xi32, #tpu.memory_space<vmem>>
        %dma_wait3A_141 = arith.constant 0 : i32
        %dma_wait3A_142 = arith.constant 0 : i32
        %dma_wait3A_143 = tpu.memref_slice %arg10[%dma_wait3A_141, %dma_wait3A_142] : memref<10240x128xf32, #tpu.memory_space<vmem_shared>> -> memref<10240x128xf32, #tpu.memory_space<vmem_shared>>
        tpu.wait_indirect_dma semaphore(%arg13 : memref<!tpu.dma_semaphore, #tpu.memory_space<semaphore_mem>>) src(%arg8 : memref<128x128xf32, #tpu.memory_space<vmem>>) dst(%dma_wait3A_143 : memref<10240x128xf32, #tpu.memory_space<vmem_shared>>)
        %add3A_144 = arith.constant 2 : i32
        %add3A_145 = arith.addi %mul3A_111, %add3A_144 : i32
        %dma_start3A_146 = arith.constant 0 : i32
        %dma_start3A_147 = tpu.memref_slice %arg6[%add3A_145, %dma_start3A_146] : memref<32x128xi32, #tpu.memory_space<vmem>> -> memref<1x128xi32, #tpu.memory_space<vmem>>
        %dma_start3A_148 = tpu.memref_squeeze %dma_start3A_147 : memref<1x128xi32, #tpu.memory_space<vmem>> -> memref<128xi32, #tpu.memory_space<vmem>>
        %dma_start3A_149 = arith.constant 0 : i32
        %dma_start3A_150 = arith.constant 0 : i32
        %dma_start3A_151 = tpu.memref_slice %arg2[%dma_start3A_149, %dma_start3A_150] : memref<10240x128xf32, #tpu.memory_space<hbm>> -> memref<10240x128xf32, #tpu.memory_space<hbm>>
        tpu.enqueue_indirect_dma source(%dma_start3A_151 : memref<10240x128xf32, #tpu.memory_space<hbm>>) target(%arg8 : memref<128x128xf32, #tpu.memory_space<vmem>>) offsets(%dma_start3A_148 : memref<128xi32, #tpu.memory_space<vmem>>) semaphore(%arg11 : memref<!tpu.dma_semaphore, #tpu.memory_space<semaphore_mem>>)
        %dma_wait3A_152 = arith.constant 0 : i32
        %dma_wait3A_153 = tpu.memref_slice %arg7[%add3A_113, %dma_wait3A_152] : memref<32x128xi32, #tpu.memory_space<vmem>> -> memref<1x128xi32, #tpu.memory_space<vmem>>
        %dma_wait3A_154 = tpu.memref_squeeze %dma_wait3A_153 : memref<1x128xi32, #tpu.memory_space<vmem>> -> memref<128xi32, #tpu.memory_space<vmem>>
        %dma_wait3A_155 = arith.constant 0 : i32
        %dma_wait3A_156 = arith.constant 0 : i32
        %dma_wait3A_157 = tpu.memref_slice %arg10[%dma_wait3A_155, %dma_wait3A_156] : memref<10240x128xf32, #tpu.memory_space<vmem_shared>> -> memref<10240x128xf32, #tpu.memory_space<vmem_shared>>
        tpu.wait_indirect_dma semaphore(%arg14 : memref<!tpu.dma_semaphore, #tpu.memory_space<semaphore_mem>>) src(%arg9 : memref<128x128xf32, #tpu.memory_space<vmem>>) dst(%dma_wait3A_157 : memref<10240x128xf32, #tpu.memory_space<vmem_shared>>)
        %add3A_158 = arith.constant 2 : i32
        %add3A_159 = arith.addi %add3A_113, %add3A_158 : i32
        %dma_start3A_160 = arith.constant 0 : i32
        %dma_start3A_161 = tpu.memref_slice %arg6[%add3A_159, %dma_start3A_160] : memref<32x128xi32, #tpu.memory_space<vmem>> -> memref<1x128xi32, #tpu.memory_space<vmem>>
        %dma_start3A_162 = tpu.memref_squeeze %dma_start3A_161 : memref<1x128xi32, #tpu.memory_space<vmem>> -> memref<128xi32, #tpu.memory_space<vmem>>
        %dma_start3A_163 = arith.constant 0 : i32
        %dma_start3A_164 = arith.constant 0 : i32
        %dma_start3A_165 = tpu.memref_slice %arg2[%dma_start3A_163, %dma_start3A_164] : memref<10240x128xf32, #tpu.memory_space<hbm>> -> memref<10240x128xf32, #tpu.memory_space<hbm>>
        tpu.enqueue_indirect_dma source(%dma_start3A_165 : memref<10240x128xf32, #tpu.memory_space<hbm>>) target(%arg9 : memref<128x128xf32, #tpu.memory_space<vmem>>) offsets(%dma_start3A_162 : memref<128xi32, #tpu.memory_space<vmem>>) semaphore(%arg12 : memref<!tpu.dma_semaphore, #tpu.memory_space<semaphore_mem>>)
        %scan3A_166 = arith.constant 0 : i32
        scf.yield %scan3A_166 : i32
      }
      %scan3A_65 = arith.constant 15 : i32
      %dma_wait3A = arith.constant 30 : i32
      %dma_wait3A_66 = arith.constant 0 : i32
      %dma_wait3A_67 = tpu.memref_slice %arg6[%dma_wait3A, %dma_wait3A_66] : memref<32x128xi32, #tpu.memory_space<vmem>> -> memref<1x128xi32, #tpu.memory_space<vmem>>
      %dma_wait3A_68 = tpu.memref_squeeze %dma_wait3A_67 : memref<1x128xi32, #tpu.memory_space<vmem>> -> memref<128xi32, #tpu.memory_space<vmem>>
      %dma_wait3A_69 = arith.constant 0 : i32
      %dma_wait3A_70 = arith.constant 0 : i32
      %dma_wait3A_71 = tpu.memref_slice %arg2[%dma_wait3A_69, %dma_wait3A_70] : memref<10240x128xf32, #tpu.memory_space<hbm>> -> memref<10240x128xf32, #tpu.memory_space<hbm>>
      tpu.wait_indirect_dma semaphore(%arg11 : memref<!tpu.dma_semaphore, #tpu.memory_space<semaphore_mem>>) src(%dma_wait3A_71 : memref<10240x128xf32, #tpu.memory_space<hbm>>) dst(%arg8 : memref<128x128xf32, #tpu.memory_space<vmem>>)
      %dma_start3A_72 = arith.constant 30 : i32
      %dma_start3A_73 = arith.constant 0 : i32
      %dma_start3A_74 = tpu.memref_slice %arg7[%dma_start3A_72, %dma_start3A_73] : memref<32x128xi32, #tpu.memory_space<vmem>> -> memref<1x128xi32, #tpu.memory_space<vmem>>
      %dma_start3A_75 = tpu.memref_squeeze %dma_start3A_74 : memref<1x128xi32, #tpu.memory_space<vmem>> -> memref<128xi32, #tpu.memory_space<vmem>>
      %dma_start3A_76 = arith.constant 0 : i32
      %dma_start3A_77 = arith.constant 0 : i32
      %dma_start3A_78 = tpu.memref_slice %arg10[%dma_start3A_76, %dma_start3A_77] : memref<10240x128xf32, #tpu.memory_space<vmem_shared>> -> memref<10240x128xf32, #tpu.memory_space<vmem_shared>>
      tpu.enqueue_indirect_dma source(%arg8 : memref<128x128xf32, #tpu.memory_space<vmem>>) target(%dma_start3A_78 : memref<10240x128xf32, #tpu.memory_space<vmem_shared>>) offsets(%dma_start3A_75 : memref<128xi32, #tpu.memory_space<vmem>>) semaphore(%arg13 : memref<!tpu.dma_semaphore, #tpu.memory_space<semaphore_mem>>) {add = true}
      %dma_wait3A_79 = arith.constant 30 : i32
      %dma_wait3A_80 = arith.constant 0 : i32
      %dma_wait3A_81 = tpu.memref_slice %arg7[%dma_wait3A_79, %dma_wait3A_80] : memref<32x128xi32, #tpu.memory_space<vmem>> -> memref<1x128xi32, #tpu.memory_space<vmem>>
      %dma_wait3A_82 = tpu.memref_squeeze %dma_wait3A_81 : memref<1x128xi32, #tpu.memory_space<vmem>> -> memref<128xi32, #tpu.memory_space<vmem>>
      %dma_wait3A_83 = arith.constant 0 : i32
      %dma_wait3A_84 = arith.constant 0 : i32
      %dma_wait3A_85 = tpu.memref_slice %arg10[%dma_wait3A_83, %dma_wait3A_84] : memref<10240x128xf32, #tpu.memory_space<vmem_shared>> -> memref<10240x128xf32, #tpu.memory_space<vmem_shared>>
      tpu.wait_indirect_dma semaphore(%arg13 : memref<!tpu.dma_semaphore, #tpu.memory_space<semaphore_mem>>) src(%arg8 : memref<128x128xf32, #tpu.memory_space<vmem>>) dst(%dma_wait3A_85 : memref<10240x128xf32, #tpu.memory_space<vmem_shared>>)
      %dma_wait3A_86 = arith.constant 31 : i32
      %dma_wait3A_87 = arith.constant 0 : i32
      %dma_wait3A_88 = tpu.memref_slice %arg6[%dma_wait3A_86, %dma_wait3A_87] : memref<32x128xi32, #tpu.memory_space<vmem>> -> memref<1x128xi32, #tpu.memory_space<vmem>>
      %dma_wait3A_89 = tpu.memref_squeeze %dma_wait3A_88 : memref<1x128xi32, #tpu.memory_space<vmem>> -> memref<128xi32, #tpu.memory_space<vmem>>
      %dma_wait3A_90 = arith.constant 0 : i32
      %dma_wait3A_91 = arith.constant 0 : i32
      %dma_wait3A_92 = tpu.memref_slice %arg2[%dma_wait3A_90, %dma_wait3A_91] : memref<10240x128xf32, #tpu.memory_space<hbm>> -> memref<10240x128xf32, #tpu.memory_space<hbm>>
      tpu.wait_indirect_dma semaphore(%arg12 : memref<!tpu.dma_semaphore, #tpu.memory_space<semaphore_mem>>) src(%dma_wait3A_92 : memref<10240x128xf32, #tpu.memory_space<hbm>>) dst(%arg9 : memref<128x128xf32, #tpu.memory_space<vmem>>)
      %dma_start3A_93 = arith.constant 31 : i32
      %dma_start3A_94 = arith.constant 0 : i32
      %dma_start3A_95 = tpu.memref_slice %arg7[%dma_start3A_93, %dma_start3A_94] : memref<32x128xi32, #tpu.memory_space<vmem>> -> memref<1x128xi32, #tpu.memory_space<vmem>>
      %dma_start3A_96 = tpu.memref_squeeze %dma_start3A_95 : memref<1x128xi32, #tpu.memory_space<vmem>> -> memref<128xi32, #tpu.memory_space<vmem>>
      %dma_start3A_97 = arith.constant 0 : i32
      %dma_start3A_98 = arith.constant 0 : i32
      %dma_start3A_99 = tpu.memref_slice %arg10[%dma_start3A_97, %dma_start3A_98] : memref<10240x128xf32, #tpu.memory_space<vmem_shared>> -> memref<10240x128xf32, #tpu.memory_space<vmem_shared>>
      tpu.enqueue_indirect_dma source(%arg9 : memref<128x128xf32, #tpu.memory_space<vmem>>) target(%dma_start3A_99 : memref<10240x128xf32, #tpu.memory_space<vmem_shared>>) offsets(%dma_start3A_96 : memref<128xi32, #tpu.memory_space<vmem>>) semaphore(%arg14 : memref<!tpu.dma_semaphore, #tpu.memory_space<semaphore_mem>>) {add = true}
      %dma_wait3A_100 = arith.constant 31 : i32
      %dma_wait3A_101 = arith.constant 0 : i32
      %dma_wait3A_102 = tpu.memref_slice %arg7[%dma_wait3A_100, %dma_wait3A_101] : memref<32x128xi32, #tpu.memory_space<vmem>> -> memref<1x128xi32, #tpu.memory_space<vmem>>
      %dma_wait3A_103 = tpu.memref_squeeze %dma_wait3A_102 : memref<1x128xi32, #tpu.memory_space<vmem>> -> memref<128xi32, #tpu.memory_space<vmem>>
      %dma_wait3A_104 = arith.constant 0 : i32
      %dma_wait3A_105 = arith.constant 0 : i32
      %dma_wait3A_106 = tpu.memref_slice %arg10[%dma_wait3A_104, %dma_wait3A_105] : memref<10240x128xf32, #tpu.memory_space<vmem_shared>> -> memref<10240x128xf32, #tpu.memory_space<vmem_shared>>
      tpu.wait_indirect_dma semaphore(%arg14 : memref<!tpu.dma_semaphore, #tpu.memory_space<semaphore_mem>>) src(%arg9 : memref<128x128xf32, #tpu.memory_space<vmem>>) dst(%dma_wait3A_106 : memref<10240x128xf32, #tpu.memory_space<vmem_shared>>)
      %while3A_107 = arith.constant 0 : i32
      scf.yield %while3A_107 : i32
    }
    %barrier3A_33 = arith.constant 0 : index
    tpu.barrier barrier_id(%barrier3A_33)
    %scan3A_34 = arith.constant 0 : i32
    %scan3A_35 = arith.constant 0 : i32
    %scan3A_36 = arith.constant 5 : i32
    %scan3A_37 = arith.addi %scan3A_35, %scan3A_36 : i32
    %scan3A_38 = arith.constant 1 : i32
    %scan3A_39 = scf.for %scan3A_41 = %scan3A_35 to %scan3A_37 step %scan3A_38 iter_args(%scan3A_42 = %scan3A_34) -> (i32)  : i32 {
      %mul3A_43 = arith.constant 640 : i32
      %mul3A_44 = arith.muli %arg1, %mul3A_43 : i32
      %mul3A_45 = arith.constant 128 : i32
      %mul3A_46 = arith.muli %scan3A_41, %mul3A_45 : i32
      %add3A_47 = arith.addi %mul3A_44, %mul3A_46 : i32
      "tpu.region"() ({
        %run_scoped3A = tpu.sem_alloc : memref<!tpu.dma_semaphore, #tpu.memory_space<semaphore_mem>>
        %dma_start3A = arith.constant 0 : i32
        %dma_start3A_49 = tpu.memref_slice %arg5[%arg0, %add3A_47, %dma_start3A] : memref<2x10240x128xf32, #tpu.memory_space<hbm>> -> memref<1x128x128xf32, #tpu.memory_space<hbm>>
        %dma_start3A_50 = tpu.memref_squeeze %dma_start3A_49 : memref<1x128x128xf32, #tpu.memory_space<hbm>> -> memref<128x128xf32, #tpu.memory_space<hbm>>
        %dma_start3A_51 = arith.constant 0 : i32
        %dma_start3A_52 = tpu.memref_slice %arg10[%add3A_47, %dma_start3A_51] : memref<10240x128xf32, #tpu.memory_space<vmem_shared>> -> memref<128x128xf32, #tpu.memory_space<vmem_shared>>
        tpu.enqueue_dma source(%dma_start3A_52 : memref<128x128xf32, #tpu.memory_space<vmem_shared>>) target(%dma_start3A_50 : memref<128x128xf32, #tpu.memory_space<hbm>>) target_semaphore(%run_scoped3A : memref<!tpu.dma_semaphore, #tpu.memory_space<semaphore_mem>>)
        %dma_wait3A = arith.constant 0 : i32
        %dma_wait3A_53 = tpu.memref_slice %arg5[%arg0, %add3A_47, %dma_wait3A] : memref<2x10240x128xf32, #tpu.memory_space<hbm>> -> memref<1x128x128xf32, #tpu.memory_space<hbm>>
        %dma_wait3A_54 = tpu.memref_squeeze %dma_wait3A_53 : memref<1x128x128xf32, #tpu.memory_space<hbm>> -> memref<128x128xf32, #tpu.memory_space<hbm>>
        %dma_wait3A_55 = arith.constant 0 : i32
        %dma_wait3A_56 = tpu.memref_slice %arg10[%add3A_47, %dma_wait3A_55] : memref<10240x128xf32, #tpu.memory_space<vmem_shared>> -> memref<128x128xf32, #tpu.memory_space<vmem_shared>>
        tpu.wait_dma2 semaphore(%run_scoped3A : memref<!tpu.dma_semaphore, #tpu.memory_space<semaphore_mem>>) src(%dma_wait3A_56 : memref<128x128xf32, #tpu.memory_space<vmem_shared>>) dst(%dma_wait3A_54 : memref<128x128xf32, #tpu.memory_space<hbm>>)
        tpu.yield
      }) : () -> ()
      %scan3A_48 = arith.constant 0 : i32
      scf.yield %scan3A_48 : i32
    }
    %scan3A_40 = arith.constant 5 : i32
    return
  }
}

#map = affine_map<(d0, d1) -> (0, 0)>
#map1 = affine_map<(d0, d1) -> (0, 0, 0)>
module attributes {stable_mosaic.version = 14 : i64} {
  func.func @body(%arg0: i32, %arg1: i32, %arg2: memref<10240x128xf32, #tpu.memory_space<hbm>>, %arg3: memref<2560x128xi32, #tpu.memory_space<hbm>>, %arg4: memref<2560x128xi32, #tpu.memory_space<hbm>>, %arg5: memref<2x10240x128xf32, #tpu.memory_space<hbm>>, %arg6: memref<32x128xi32, #tpu.memory_space<vmem>>, %arg7: memref<32x128xi32, #tpu.memory_space<vmem>>, %arg8: memref<128x128xf32, #tpu.memory_space<vmem>>, %arg9: memref<128x128xf32, #tpu.memory_space<vmem>>, %arg10: memref<10240x128xf32, #tpu.memory_space<vmem_shared>>, %arg11: memref<!tpu.dma_semaphore, #tpu.memory_space<semaphore_mem>>, %arg12: memref<!tpu.dma_semaphore, #tpu.memory_space<semaphore_mem>>, %arg13: memref<!tpu.dma_semaphore, #tpu.memory_space<semaphore_mem>>, %arg14: memref<!tpu.dma_semaphore, #tpu.memory_space<semaphore_mem>>) attributes {dimension_semantics = [#tpu.dimension_semantics<core_parallel>, #tpu.dimension_semantics<subcore_parallel>], iteration_bounds = array<i64: 2, 16>, scalar_prefetch = 0 : i64, scratch_operands = 9 : i64, tpu.core_type = #tpu.core_type<sc_vector_subcore>, window_params = [{transform_indices = #map}, {transform_indices = #map}, {transform_indices = #map}, {transform_indices = #map1}]} {
    %scan3A = arith.constant 0 : i32
    %scan3A_0 = arith.constant 0 : i32
    %scan3A_1 = arith.constant 128 : i32
    %scan3A_2 = arith.addi %scan3A_0, %scan3A_1 : i32
    %scan3A_3 = arith.constant 1 : i32
    %scan3A_4 = scf.for %scan3A_41 = %scan3A_0 to %scan3A_2 step %scan3A_3 iter_args(%scan3A_42 = %scan3A) -> (i32)  : i32 {
      %broadcast_in_dim3A = arith.constant 0.000000e+00 : f32
      %broadcast_in_dim3A_43 = vector.broadcast %broadcast_in_dim3A : f32 to vector<16xf32>
      %swap3A = arith.index_cast %scan3A_41 : i32 to index
      %swap3A_44 = arith.constant 0 : index
      %swap3A_45 = tpu.vector_load %arg8[%swap3A, %swap3A_44] {strides = array<i32>} : memref<128x128xf32, #tpu.memory_space<vmem>>, vector<1x16xf32>,
      %swap3A_46 = vector.shape_cast %swap3A_45 : vector<1x16xf32> to vector<16xf32>
      %swap3A_47 = vector.shape_cast %broadcast_in_dim3A_43 : vector<16xf32> to vector<1x16xf32>
      tpu.vector_store %arg8[%swap3A, %swap3A_44], %swap3A_47 {strides = array<i32>} : memref<128x128xf32, #tpu.memory_space<vmem>>, vector<1x16xf32>,
      %broadcast_in_dim3A_48 = arith.constant 0.000000e+00 : f32
      %broadcast_in_dim3A_49 = vector.broadcast %broadcast_in_dim3A_48 : f32 to vector<16xf32>
      %swap3A_50 = arith.index_cast %scan3A_41 : i32 to index
      %swap3A_51 = arith.constant 16 : index
      %swap3A_52 = tpu.vector_load %arg8[%swap3A_50, %swap3A_51] {strides = array<i32>} : memref<128x128xf32, #tpu.memory_space<vmem>>, vector<1x16xf32>,
      %swap3A_53 = vector.shape_cast %swap3A_52 : vector<1x16xf32> to vector<16xf32>
      %swap3A_54 = vector.shape_cast %broadcast_in_dim3A_49 : vector<16xf32> to vector<1x16xf32>
      tpu.vector_store %arg8[%swap3A_50, %swap3A_51], %swap3A_54 {strides = array<i32>} : memref<128x128xf32, #tpu.memory_space<vmem>>, vector<1x16xf32>,
      %broadcast_in_dim3A_55 = arith.constant 0.000000e+00 : f32
      %broadcast_in_dim3A_56 = vector.broadcast %broadcast_in_dim3A_55 : f32 to vector<16xf32>
      %swap3A_57 = arith.index_cast %scan3A_41 : i32 to index
      %swap3A_58 = arith.constant 32 : index
      %swap3A_59 = tpu.vector_load %arg8[%swap3A_57, %swap3A_58] {strides = array<i32>} : memref<128x128xf32, #tpu.memory_space<vmem>>, vector<1x16xf32>,
      %swap3A_60 = vector.shape_cast %swap3A_59 : vector<1x16xf32> to vector<16xf32>
      %swap3A_61 = vector.shape_cast %broadcast_in_dim3A_56 : vector<16xf32> to vector<1x16xf32>
      tpu.vector_store %arg8[%swap3A_57, %swap3A_58], %swap3A_61 {strides = array<i32>} : memref<128x128xf32, #tpu.memory_space<vmem>>, vector<1x16xf32>,
      %broadcast_in_dim3A_62 = arith.constant 0.000000e+00 : f32
      %broadcast_in_dim3A_63 = vector.broadcast %broadcast_in_dim3A_62 : f32 to vector<16xf32>
      %swap3A_64 = arith.index_cast %scan3A_41 : i32 to index
      %swap3A_65 = arith.constant 48 : index
      %swap3A_66 = tpu.vector_load %arg8[%swap3A_64, %swap3A_65] {strides = array<i32>} : memref<128x128xf32, #tpu.memory_space<vmem>>, vector<1x16xf32>,
      %swap3A_67 = vector.shape_cast %swap3A_66 : vector<1x16xf32> to vector<16xf32>
      %swap3A_68 = vector.shape_cast %broadcast_in_dim3A_63 : vector<16xf32> to vector<1x16xf32>
      tpu.vector_store %arg8[%swap3A_64, %swap3A_65], %swap3A_68 {strides = array<i32>} : memref<128x128xf32, #tpu.memory_space<vmem>>, vector<1x16xf32>,
      %broadcast_in_dim3A_69 = arith.constant 0.000000e+00 : f32
      %broadcast_in_dim3A_70 = vector.broadcast %broadcast_in_dim3A_69 : f32 to vector<16xf32>
      %swap3A_71 = arith.index_cast %scan3A_41 : i32 to index
      %swap3A_72 = arith.constant 64 : index
      %swap3A_73 = tpu.vector_load %arg8[%swap3A_71, %swap3A_72] {strides = array<i32>} : memref<128x128xf32, #tpu.memory_space<vmem>>, vector<1x16xf32>,
      %swap3A_74 = vector.shape_cast %swap3A_73 : vector<1x16xf32> to vector<16xf32>
      %swap3A_75 = vector.shape_cast %broadcast_in_dim3A_70 : vector<16xf32> to vector<1x16xf32>
      tpu.vector_store %arg8[%swap3A_71, %swap3A_72], %swap3A_75 {strides = array<i32>} : memref<128x128xf32, #tpu.memory_space<vmem>>, vector<1x16xf32>,
      %broadcast_in_dim3A_76 = arith.constant 0.000000e+00 : f32
      %broadcast_in_dim3A_77 = vector.broadcast %broadcast_in_dim3A_76 : f32 to vector<16xf32>
      %swap3A_78 = arith.index_cast %scan3A_41 : i32 to index
      %swap3A_79 = arith.constant 80 : index
      %swap3A_80 = tpu.vector_load %arg8[%swap3A_78, %swap3A_79] {strides = array<i32>} : memref<128x128xf32, #tpu.memory_space<vmem>>, vector<1x16xf32>,
      %swap3A_81 = vector.shape_cast %swap3A_80 : vector<1x16xf32> to vector<16xf32>
      %swap3A_82 = vector.shape_cast %broadcast_in_dim3A_77 : vector<16xf32> to vector<1x16xf32>
      tpu.vector_store %arg8[%swap3A_78, %swap3A_79], %swap3A_82 {strides = array<i32>} : memref<128x128xf32, #tpu.memory_space<vmem>>, vector<1x16xf32>,
      %broadcast_in_dim3A_83 = arith.constant 0.000000e+00 : f32
      %broadcast_in_dim3A_84 = vector.broadcast %broadcast_in_dim3A_83 : f32 to vector<16xf32>
      %swap3A_85 = arith.index_cast %scan3A_41 : i32 to index
      %swap3A_86 = arith.constant 96 : index
      %swap3A_87 = tpu.vector_load %arg8[%swap3A_85, %swap3A_86] {strides = array<i32>} : memref<128x128xf32, #tpu.memory_space<vmem>>, vector<1x16xf32>,
      %swap3A_88 = vector.shape_cast %swap3A_87 : vector<1x16xf32> to vector<16xf32>
      %swap3A_89 = vector.shape_cast %broadcast_in_dim3A_84 : vector<16xf32> to vector<1x16xf32>
      tpu.vector_store %arg8[%swap3A_85, %swap3A_86], %swap3A_89 {strides = array<i32>} : memref<128x128xf32, #tpu.memory_space<vmem>>, vector<1x16xf32>,
      %broadcast_in_dim3A_90 = arith.constant 0.000000e+00 : f32
      %broadcast_in_dim3A_91 = vector.broadcast %broadcast_in_dim3A_90 : f32 to vector<16xf32>
      %swap3A_92 = arith.index_cast %scan3A_41 : i32 to index
      %swap3A_93 = arith.constant 112 : index
      %swap3A_94 = tpu.vector_load %arg8[%swap3A_92, %swap3A_93] {strides = array<i32>} : memref<128x128xf32, #tpu.memory_space<vmem>>, vector<1x16xf32>,
      %swap3A_95 = vector.shape_cast %swap3A_94 : vector<1x16xf32> to vector<16xf32>
      %swap3A_96 = vector.shape_cast %broadcast_in_dim3A_91 : vector<16xf32> to vector<1x16xf32>
      tpu.vector_store %arg8[%swap3A_92, %swap3A_93], %swap3A_96 {strides = array<i32>} : memref<128x128xf32, #tpu.memory_space<vmem>>, vector<1x16xf32>,
      %scan3A_97 = arith.constant 0 : i32
      scf.yield %scan3A_97 : i32
    }
    %scan3A_5 = arith.constant 128 : i32
    %scan3A_6 = arith.constant 0 : i32
    %scan3A_7 = arith.constant 0 : i32
    %scan3A_8 = arith.constant 5 : i32
    %scan3A_9 = arith.addi %scan3A_7, %scan3A_8 : i32
    %scan3A_10 = arith.constant 1 : i32
    %scan3A_11 = scf.for %scan3A_41 = %scan3A_7 to %scan3A_9 step %scan3A_10 iter_args(%scan3A_42 = %scan3A_6) -> (i32)  : i32 {
      %mul3A_43 = arith.constant 640 : i32
      %mul3A_44 = arith.muli %arg1, %mul3A_43 : i32
      %mul3A_45 = arith.constant 128 : i32
      %mul3A_46 = arith.muli %scan3A_41, %mul3A_45 : i32
      %add3A_47 = arith.addi %mul3A_44, %mul3A_46 : i32
      "tpu.region"() ({
        %run_scoped3A = tpu.sem_alloc : memref<!tpu.dma_semaphore, #tpu.memory_space<semaphore_mem>>
        %dma_start3A = arith.constant 0 : i32
        %dma_start3A_49 = tpu.memref_slice %arg10[%add3A_47, %dma_start3A] : memref<10240x128xf32, #tpu.memory_space<vmem_shared>> -> memref<128x128xf32, #tpu.memory_space<vmem_shared>>
        %dma_start3A_50 = arith.constant 0 : i32
        %dma_start3A_51 = tpu.memref_slice %arg10[%add3A_47, %dma_start3A_50] : memref<10240x128xf32, #tpu.memory_space<vmem_shared>> -> memref<128x128xf32, #tpu.memory_space<vmem_shared>>
        tpu.enqueue_dma source(%arg8 : memref<128x128xf32, #tpu.memory_space<vmem>>) target(%dma_start3A_51 : memref<128x128xf32, #tpu.memory_space<vmem_shared>>) target_semaphore(%run_scoped3A : memref<!tpu.dma_semaphore, #tpu.memory_space<semaphore_mem>>)
        %dma_wait3A = arith.constant 0 : i32
        %dma_wait3A_52 = tpu.memref_slice %arg10[%add3A_47, %dma_wait3A] : memref<10240x128xf32, #tpu.memory_space<vmem_shared>> -> memref<128x128xf32, #tpu.memory_space<vmem_shared>>
        %dma_wait3A_53 = arith.constant 0 : i32
        %dma_wait3A_54 = tpu.memref_slice %arg10[%add3A_47, %dma_wait3A_53] : memref<10240x128xf32, #tpu.memory_space<vmem_shared>> -> memref<128x128xf32, #tpu.memory_space<vmem_shared>>
        tpu.wait_dma2 semaphore(%run_scoped3A : memref<!tpu.dma_semaphore, #tpu.memory_space<semaphore_mem>>) src(%arg8 : memref<128x128xf32, #tpu.memory_space<vmem>>) dst(%dma_wait3A_54 : memref<128x128xf32, #tpu.memory_space<vmem_shared>>)
        tpu.yield
      }) : () -> ()
      %scan3A_48 = arith.constant 0 : i32
      scf.yield %scan3A_48 : i32
    }
    %scan3A_12 = arith.constant 5 : i32
    %barrier3A = arith.constant 0 : index
    tpu.barrier barrier_id(%barrier3A)
    %eq3A = arith.constant 0 : i32
    %eq3A_13 = arith.cmpi eq, %arg0, %eq3A : i32
    %jit3A = arith.constant 4 : i32
    %jit3A_14 = arith.constant 1 : i32
    %select_n3A = arith.select %eq3A_13, %jit3A, %jit3A_14 : i32
    %eq3A_15 = arith.constant 0 : i32
    %eq3A_16 = arith.cmpi eq, %arg0, %eq3A_15 : i32
    %mul3A = arith.constant 128 : i32
    %mul3A_17 = arith.muli %arg1, %mul3A : i32
    %mul3A_18 = arith.constant 32 : i32
    %mul3A_19 = arith.muli %arg1, %mul3A_18 : i32
    %add3A = arith.constant 2048 : i32
    %add3A_20 = arith.addi %add3A, %mul3A_19 : i32
    %select_n3A_21 = arith.select %eq3A_16, %mul3A_17, %add3A_20 : i32
    %while3A = arith.constant 0 : i32
    %while3A_22 = arith.constant 0 : i32
    %while3A_23 = arith.subi %select_n3A, %while3A : i32
    %while3A_24 = arith.addi %while3A, %while3A_23 : i32
    %while3A_25 = arith.constant 1 : i32
    %while3A_26 = arith.divsi %while3A_23, %while3A_25 : i32
    %while3A_27 = arith.muli %while3A_26, %while3A_25 : i32
    %while3A_28 = arith.addi %while3A, %while3A_27 : i32
    %while3A_29 = arith.constant 1 : i32
    %while3A_30 = scf.for %while3A_41 = %while3A to %while3A_28 step %while3A_29 iter_args(%while3A_42 = %while3A_22) -> (i32)  : i32 {
      %mul3A_43 = arith.constant 32 : i32
      %mul3A_44 = arith.muli %while3A_41, %mul3A_43 : i32
      %add3A_45 = arith.addi %select_n3A_21, %mul3A_44 : i32
      "tpu.region"() ({
        %run_scoped3A = tpu.sem_alloc : memref<!tpu.dma_semaphore, #tpu.memory_space<semaphore_mem>>
        %dma_start3A_108 = arith.constant 0 : i32
        %dma_start3A_109 = tpu.memref_slice %arg3[%add3A_45, %dma_start3A_108] : memref<2560x128xi32, #tpu.memory_space<hbm>> -> memref<32x128xi32, #tpu.memory_space<hbm>>
        %dma_start3A_110 = arith.constant 0 : i32
        %dma_start3A_111 = tpu.memref_slice %arg3[%add3A_45, %dma_start3A_110] : memref<2560x128xi32, #tpu.memory_space<hbm>> -> memref<32x128xi32, #tpu.memory_space<hbm>>
        tpu.enqueue_dma source(%dma_start3A_111 : memref<32x128xi32, #tpu.memory_space<hbm>>) target(%arg6 : memref<32x128xi32, #tpu.memory_space<vmem>>) target_semaphore(%run_scoped3A : memref<!tpu.dma_semaphore, #tpu.memory_space<semaphore_mem>>)
        %dma_wait3A_112 = arith.constant 0 : i32
        %dma_wait3A_113 = tpu.memref_slice %arg3[%add3A_45, %dma_wait3A_112] : memref<2560x128xi32, #tpu.memory_space<hbm>> -> memref<32x128xi32, #tpu.memory_space<hbm>>
        %dma_wait3A_114 = arith.constant 0 : i32
        %dma_wait3A_115 = tpu.memref_slice %arg3[%add3A_45, %dma_wait3A_114] : memref<2560x128xi32, #tpu.memory_space<hbm>> -> memref<32x128xi32, #tpu.memory_space<hbm>>
        tpu.wait_dma2 semaphore(%run_scoped3A : memref<!tpu.dma_semaphore, #tpu.memory_space<semaphore_mem>>) src(%dma_wait3A_115 : memref<32x128xi32, #tpu.memory_space<hbm>>) dst(%arg6 : memref<32x128xi32, #tpu.memory_space<vmem>>)
        tpu.yield
      }) : () -> ()
      "tpu.region"() ({
        %run_scoped3A = tpu.sem_alloc : memref<!tpu.dma_semaphore, #tpu.memory_space<semaphore_mem>>
        %dma_start3A_108 = arith.constant 0 : i32
        %dma_start3A_109 = tpu.memref_slice %arg4[%add3A_45, %dma_start3A_108] : memref<2560x128xi32, #tpu.memory_space<hbm>> -> memref<32x128xi32, #tpu.memory_space<hbm>>
        %dma_start3A_110 = arith.constant 0 : i32
        %dma_start3A_111 = tpu.memref_slice %arg4[%add3A_45, %dma_start3A_110] : memref<2560x128xi32, #tpu.memory_space<hbm>> -> memref<32x128xi32, #tpu.memory_space<hbm>>
        tpu.enqueue_dma source(%dma_start3A_111 : memref<32x128xi32, #tpu.memory_space<hbm>>) target(%arg7 : memref<32x128xi32, #tpu.memory_space<vmem>>) target_semaphore(%run_scoped3A : memref<!tpu.dma_semaphore, #tpu.memory_space<semaphore_mem>>)
        %dma_wait3A_112 = arith.constant 0 : i32
        %dma_wait3A_113 = tpu.memref_slice %arg4[%add3A_45, %dma_wait3A_112] : memref<2560x128xi32, #tpu.memory_space<hbm>> -> memref<32x128xi32, #tpu.memory_space<hbm>>
        %dma_wait3A_114 = arith.constant 0 : i32
        %dma_wait3A_115 = tpu.memref_slice %arg4[%add3A_45, %dma_wait3A_114] : memref<2560x128xi32, #tpu.memory_space<hbm>> -> memref<32x128xi32, #tpu.memory_space<hbm>>
        tpu.wait_dma2 semaphore(%run_scoped3A : memref<!tpu.dma_semaphore, #tpu.memory_space<semaphore_mem>>) src(%dma_wait3A_115 : memref<32x128xi32, #tpu.memory_space<hbm>>) dst(%arg7 : memref<32x128xi32, #tpu.memory_space<vmem>>)
        tpu.yield
      }) : () -> ()
      %dma_start3A = arith.constant 0 : i32
      %dma_start3A_46 = arith.constant 0 : i32
      %dma_start3A_47 = tpu.memref_slice %arg6[%dma_start3A, %dma_start3A_46] : memref<32x128xi32, #tpu.memory_space<vmem>> -> memref<1x128xi32, #tpu.memory_space<vmem>>
      %dma_start3A_48 = tpu.memref_squeeze %dma_start3A_47 : memref<1x128xi32, #tpu.memory_space<vmem>> -> memref<128xi32, #tpu.memory_space<vmem>>
      %dma_start3A_49 = arith.constant 0 : i32
      %dma_start3A_50 = arith.constant 0 : i32
      %dma_start3A_51 = tpu.memref_slice %arg2[%dma_start3A_49, %dma_start3A_50] : memref<10240x128xf32, #tpu.memory_space<hbm>> -> memref<10240x128xf32, #tpu.memory_space<hbm>>
      tpu.enqueue_indirect_dma source(%dma_start3A_51 : memref<10240x128xf32, #tpu.memory_space<hbm>>) target(%arg8 : memref<128x128xf32, #tpu.memory_space<vmem>>) offsets(%dma_start3A_48 : memref<128xi32, #tpu.memory_space<vmem>>) semaphore(%arg11 : memref<!tpu.dma_semaphore, #tpu.memory_space<semaphore_mem>>)
      %dma_start3A_52 = arith.constant 1 : i32
      %dma_start3A_53 = arith.constant 0 : i32
      %dma_start3A_54 = tpu.memref_slice %arg6[%dma_start3A_52, %dma_start3A_53] : memref<32x128xi32, #tpu.memory_space<vmem>> -> memref<1x128xi32, #tpu.memory_space<vmem>>
      %dma_start3A_55 = tpu.memref_squeeze %dma_start3A_54 : memref<1x128xi32, #tpu.memory_space<vmem>> -> memref<128xi32, #tpu.memory_space<vmem>>
      %dma_start3A_56 = arith.constant 0 : i32
      %dma_start3A_57 = arith.constant 0 : i32
      %dma_start3A_58 = tpu.memref_slice %arg2[%dma_start3A_56, %dma_start3A_57] : memref<10240x128xf32, #tpu.memory_space<hbm>> -> memref<10240x128xf32, #tpu.memory_space<hbm>>
      tpu.enqueue_indirect_dma source(%dma_start3A_58 : memref<10240x128xf32, #tpu.memory_space<hbm>>) target(%arg9 : memref<128x128xf32, #tpu.memory_space<vmem>>) offsets(%dma_start3A_55 : memref<128xi32, #tpu.memory_space<vmem>>) semaphore(%arg12 : memref<!tpu.dma_semaphore, #tpu.memory_space<semaphore_mem>>)
      %scan3A_59 = arith.constant 0 : i32
      %scan3A_60 = arith.constant 0 : i32
      %scan3A_61 = arith.constant 15 : i32
      %scan3A_62 = arith.addi %scan3A_60, %scan3A_61 : i32
      %scan3A_63 = arith.constant 1 : i32
      %scan3A_64 = scf.for %scan3A_108 = %scan3A_60 to %scan3A_62 step %scan3A_63 iter_args(%scan3A_109 = %scan3A_59) -> (i32)  : i32 {
        %mul3A_110 = arith.constant 2 : i32
        %mul3A_111 = arith.muli %mul3A_110, %scan3A_108 : i32
        %add3A_112 = arith.constant 1 : i32
        %add3A_113 = arith.addi %mul3A_111, %add3A_112 : i32
        %dma_wait3A_114 = arith.constant 0 : i32
        %dma_wait3A_115 = tpu.memref_slice %arg6[%mul3A_111, %dma_wait3A_114] : memref<32x128xi32, #tpu.memory_space<vmem>> -> memref<1x128xi32, #tpu.memory_space<vmem>>
        %dma_wait3A_116 = tpu.memref_squeeze %dma_wait3A_115 : memref<1x128xi32, #tpu.memory_space<vmem>> -> memref<128xi32, #tpu.memory_space<vmem>>
        %dma_wait3A_117 = arith.constant 0 : i32
        %dma_wait3A_118 = arith.constant 0 : i32
        %dma_wait3A_119 = tpu.memref_slice %arg2[%dma_wait3A_117, %dma_wait3A_118] : memref<10240x128xf32, #tpu.memory_space<hbm>> -> memref<10240x128xf32, #tpu.memory_space<hbm>>
        tpu.wait_indirect_dma semaphore(%arg11 : memref<!tpu.dma_semaphore, #tpu.memory_space<semaphore_mem>>) src(%dma_wait3A_119 : memref<10240x128xf32, #tpu.memory_space<hbm>>) dst(%arg8 : memref<128x128xf32, #tpu.memory_space<vmem>>)
        %dma_start3A_120 = arith.constant 0 : i32
        %dma_start3A_121 = tpu.memref_slice %arg7[%mul3A_111, %dma_start3A_120] : memref<32x128xi32, #tpu.memory_space<vmem>> -> memref<1x128xi32, #tpu.memory_space<vmem>>
        %dma_start3A_122 = tpu.memref_squeeze %dma_start3A_121 : memref<1x128xi32, #tpu.memory_space<vmem>> -> memref<128xi32, #tpu.memory_space<vmem>>
        %dma_start3A_123 = arith.constant 0 : i32
        %dma_start3A_124 = arith.constant 0 : i32
        %dma_start3A_125 = tpu.memref_slice %arg10[%dma_start3A_123, %dma_start3A_124] : memref<10240x128xf32, #tpu.memory_space<vmem_shared>> -> memref<10240x128xf32, #tpu.memory_space<vmem_shared>>
        tpu.enqueue_indirect_dma source(%arg8 : memref<128x128xf32, #tpu.memory_space<vmem>>) target(%dma_start3A_125 : memref<10240x128xf32, #tpu.memory_space<vmem_shared>>) offsets(%dma_start3A_122 : memref<128xi32, #tpu.memory_space<vmem>>) semaphore(%arg13 : memref<!tpu.dma_semaphore, #tpu.memory_space<semaphore_mem>>) {add = true}
        %dma_wait3A_126 = arith.constant 0 : i32
        %dma_wait3A_127 = tpu.memref_slice %arg6[%add3A_113, %dma_wait3A_126] : memref<32x128xi32, #tpu.memory_space<vmem>> -> memref<1x128xi32, #tpu.memory_space<vmem>>
        %dma_wait3A_128 = tpu.memref_squeeze %dma_wait3A_127 : memref<1x128xi32, #tpu.memory_space<vmem>> -> memref<128xi32, #tpu.memory_space<vmem>>
        %dma_wait3A_129 = arith.constant 0 : i32
        %dma_wait3A_130 = arith.constant 0 : i32
        %dma_wait3A_131 = tpu.memref_slice %arg2[%dma_wait3A_129, %dma_wait3A_130] : memref<10240x128xf32, #tpu.memory_space<hbm>> -> memref<10240x128xf32, #tpu.memory_space<hbm>>
        tpu.wait_indirect_dma semaphore(%arg12 : memref<!tpu.dma_semaphore, #tpu.memory_space<semaphore_mem>>) src(%dma_wait3A_131 : memref<10240x128xf32, #tpu.memory_space<hbm>>) dst(%arg9 : memref<128x128xf32, #tpu.memory_space<vmem>>)
        %dma_start3A_132 = arith.constant 0 : i32
        %dma_start3A_133 = tpu.memref_slice %arg7[%add3A_113, %dma_start3A_132] : memref<32x128xi32, #tpu.memory_space<vmem>> -> memref<1x128xi32, #tpu.memory_space<vmem>>
        %dma_start3A_134 = tpu.memref_squeeze %dma_start3A_133 : memref<1x128xi32, #tpu.memory_space<vmem>> -> memref<128xi32, #tpu.memory_space<vmem>>
        %dma_start3A_135 = arith.constant 0 : i32
        %dma_start3A_136 = arith.constant 0 : i32
        %dma_start3A_137 = tpu.memref_slice %arg10[%dma_start3A_135, %dma_start3A_136] : memref<10240x128xf32, #tpu.memory_space<vmem_shared>> -> memref<10240x128xf32, #tpu.memory_space<vmem_shared>>
        tpu.enqueue_indirect_dma source(%arg9 : memref<128x128xf32, #tpu.memory_space<vmem>>) target(%dma_start3A_137 : memref<10240x128xf32, #tpu.memory_space<vmem_shared>>) offsets(%dma_start3A_134 : memref<128xi32, #tpu.memory_space<vmem>>) semaphore(%arg14 : memref<!tpu.dma_semaphore, #tpu.memory_space<semaphore_mem>>) {add = true}
        %dma_wait3A_138 = arith.constant 0 : i32
        %dma_wait3A_139 = tpu.memref_slice %arg7[%mul3A_111, %dma_wait3A_138] : memref<32x128xi32, #tpu.memory_space<vmem>> -> memref<1x128xi32, #tpu.memory_space<vmem>>
        %dma_wait3A_140 = tpu.memref_squeeze %dma_wait3A_139 : memref<1x128xi32, #tpu.memory_space<vmem>> -> memref<128xi32, #tpu.memory_space<vmem>>
        %dma_wait3A_141 = arith.constant 0 : i32
        %dma_wait3A_142 = arith.constant 0 : i32
        %dma_wait3A_143 = tpu.memref_slice %arg10[%dma_wait3A_141, %dma_wait3A_142] : memref<10240x128xf32, #tpu.memory_space<vmem_shared>> -> memref<10240x128xf32, #tpu.memory_space<vmem_shared>>
        tpu.wait_indirect_dma semaphore(%arg13 : memref<!tpu.dma_semaphore, #tpu.memory_space<semaphore_mem>>) src(%arg8 : memref<128x128xf32, #tpu.memory_space<vmem>>) dst(%dma_wait3A_143 : memref<10240x128xf32, #tpu.memory_space<vmem_shared>>)
        %add3A_144 = arith.constant 2 : i32
        %add3A_145 = arith.addi %mul3A_111, %add3A_144 : i32
        %dma_start3A_146 = arith.constant 0 : i32
        %dma_start3A_147 = tpu.memref_slice %arg6[%add3A_145, %dma_start3A_146] : memref<32x128xi32, #tpu.memory_space<vmem>> -> memref<1x128xi32, #tpu.memory_space<vmem>>
        %dma_start3A_148 = tpu.memref_squeeze %dma_start3A_147 : memref<1x128xi32, #tpu.memory_space<vmem>> -> memref<128xi32, #tpu.memory_space<vmem>>
        %dma_start3A_149 = arith.constant 0 : i32
        %dma_start3A_150 = arith.constant 0 : i32
        %dma_start3A_151 = tpu.memref_slice %arg2[%dma_start3A_149, %dma_start3A_150] : memref<10240x128xf32, #tpu.memory_space<hbm>> -> memref<10240x128xf32, #tpu.memory_space<hbm>>
        tpu.enqueue_indirect_dma source(%dma_start3A_151 : memref<10240x128xf32, #tpu.memory_space<hbm>>) target(%arg8 : memref<128x128xf32, #tpu.memory_space<vmem>>) offsets(%dma_start3A_148 : memref<128xi32, #tpu.memory_space<vmem>>) semaphore(%arg11 : memref<!tpu.dma_semaphore, #tpu.memory_space<semaphore_mem>>)
        %dma_wait3A_152 = arith.constant 0 : i32
        %dma_wait3A_153 = tpu.memref_slice %arg7[%add3A_113, %dma_wait3A_152] : memref<32x128xi32, #tpu.memory_space<vmem>> -> memref<1x128xi32, #tpu.memory_space<vmem>>
        %dma_wait3A_154 = tpu.memref_squeeze %dma_wait3A_153 : memref<1x128xi32, #tpu.memory_space<vmem>> -> memref<128xi32, #tpu.memory_space<vmem>>
        %dma_wait3A_155 = arith.constant 0 : i32
        %dma_wait3A_156 = arith.constant 0 : i32
        %dma_wait3A_157 = tpu.memref_slice %arg10[%dma_wait3A_155, %dma_wait3A_156] : memref<10240x128xf32, #tpu.memory_space<vmem_shared>> -> memref<10240x128xf32, #tpu.memory_space<vmem_shared>>
        tpu.wait_indirect_dma semaphore(%arg14 : memref<!tpu.dma_semaphore, #tpu.memory_space<semaphore_mem>>) src(%arg9 : memref<128x128xf32, #tpu.memory_space<vmem>>) dst(%dma_wait3A_157 : memref<10240x128xf32, #tpu.memory_space<vmem_shared>>)
        %add3A_158 = arith.constant 2 : i32
        %add3A_159 = arith.addi %add3A_113, %add3A_158 : i32
        %dma_start3A_160 = arith.constant 0 : i32
        %dma_start3A_161 = tpu.memref_slice %arg6[%add3A_159, %dma_start3A_160] : memref<32x128xi32, #tpu.memory_space<vmem>> -> memref<1x128xi32, #tpu.memory_space<vmem>>
        %dma_start3A_162 = tpu.memref_squeeze %dma_start3A_161 : memref<1x128xi32, #tpu.memory_space<vmem>> -> memref<128xi32, #tpu.memory_space<vmem>>
        %dma_start3A_163 = arith.constant 0 : i32
        %dma_start3A_164 = arith.constant 0 : i32
        %dma_start3A_165 = tpu.memref_slice %arg2[%dma_start3A_163, %dma_start3A_164] : memref<10240x128xf32, #tpu.memory_space<hbm>> -> memref<10240x128xf32, #tpu.memory_space<hbm>>
        tpu.enqueue_indirect_dma source(%dma_start3A_165 : memref<10240x128xf32, #tpu.memory_space<hbm>>) target(%arg9 : memref<128x128xf32, #tpu.memory_space<vmem>>) offsets(%dma_start3A_162 : memref<128xi32, #tpu.memory_space<vmem>>) semaphore(%arg12 : memref<!tpu.dma_semaphore, #tpu.memory_space<semaphore_mem>>)
        %scan3A_166 = arith.constant 0 : i32
        scf.yield %scan3A_166 : i32
      }
      %scan3A_65 = arith.constant 15 : i32
      %dma_wait3A = arith.constant 30 : i32
      %dma_wait3A_66 = arith.constant 0 : i32
      %dma_wait3A_67 = tpu.memref_slice %arg6[%dma_wait3A, %dma_wait3A_66] : memref<32x128xi32, #tpu.memory_space<vmem>> -> memref<1x128xi32, #tpu.memory_space<vmem>>
      %dma_wait3A_68 = tpu.memref_squeeze %dma_wait3A_67 : memref<1x128xi32, #tpu.memory_space<vmem>> -> memref<128xi32, #tpu.memory_space<vmem>>
      %dma_wait3A_69 = arith.constant 0 : i32
      %dma_wait3A_70 = arith.constant 0 : i32
      %dma_wait3A_71 = tpu.memref_slice %arg2[%dma_wait3A_69, %dma_wait3A_70] : memref<10240x128xf32, #tpu.memory_space<hbm>> -> memref<10240x128xf32, #tpu.memory_space<hbm>>
      tpu.wait_indirect_dma semaphore(%arg11 : memref<!tpu.dma_semaphore, #tpu.memory_space<semaphore_mem>>) src(%dma_wait3A_71 : memref<10240x128xf32, #tpu.memory_space<hbm>>) dst(%arg8 : memref<128x128xf32, #tpu.memory_space<vmem>>)
      %dma_start3A_72 = arith.constant 30 : i32
      %dma_start3A_73 = arith.constant 0 : i32
      %dma_start3A_74 = tpu.memref_slice %arg7[%dma_start3A_72, %dma_start3A_73] : memref<32x128xi32, #tpu.memory_space<vmem>> -> memref<1x128xi32, #tpu.memory_space<vmem>>
      %dma_start3A_75 = tpu.memref_squeeze %dma_start3A_74 : memref<1x128xi32, #tpu.memory_space<vmem>> -> memref<128xi32, #tpu.memory_space<vmem>>
      %dma_start3A_76 = arith.constant 0 : i32
      %dma_start3A_77 = arith.constant 0 : i32
      %dma_start3A_78 = tpu.memref_slice %arg10[%dma_start3A_76, %dma_start3A_77] : memref<10240x128xf32, #tpu.memory_space<vmem_shared>> -> memref<10240x128xf32, #tpu.memory_space<vmem_shared>>
      tpu.enqueue_indirect_dma source(%arg8 : memref<128x128xf32, #tpu.memory_space<vmem>>) target(%dma_start3A_78 : memref<10240x128xf32, #tpu.memory_space<vmem_shared>>) offsets(%dma_start3A_75 : memref<128xi32, #tpu.memory_space<vmem>>) semaphore(%arg13 : memref<!tpu.dma_semaphore, #tpu.memory_space<semaphore_mem>>) {add = true}
      %dma_wait3A_79 = arith.constant 30 : i32
      %dma_wait3A_80 = arith.constant 0 : i32
      %dma_wait3A_81 = tpu.memref_slice %arg7[%dma_wait3A_79, %dma_wait3A_80] : memref<32x128xi32, #tpu.memory_space<vmem>> -> memref<1x128xi32, #tpu.memory_space<vmem>>
      %dma_wait3A_82 = tpu.memref_squeeze %dma_wait3A_81 : memref<1x128xi32, #tpu.memory_space<vmem>> -> memref<128xi32, #tpu.memory_space<vmem>>
      %dma_wait3A_83 = arith.constant 0 : i32
      %dma_wait3A_84 = arith.constant 0 : i32
      %dma_wait3A_85 = tpu.memref_slice %arg10[%dma_wait3A_83, %dma_wait3A_84] : memref<10240x128xf32, #tpu.memory_space<vmem_shared>> -> memref<10240x128xf32, #tpu.memory_space<vmem_shared>>
      tpu.wait_indirect_dma semaphore(%arg13 : memref<!tpu.dma_semaphore, #tpu.memory_space<semaphore_mem>>) src(%arg8 : memref<128x128xf32, #tpu.memory_space<vmem>>) dst(%dma_wait3A_85 : memref<10240x128xf32, #tpu.memory_space<vmem_shared>>)
      %dma_wait3A_86 = arith.constant 31 : i32
      %dma_wait3A_87 = arith.constant 0 : i32
      %dma_wait3A_88 = tpu.memref_slice %arg6[%dma_wait3A_86, %dma_wait3A_87] : memref<32x128xi32, #tpu.memory_space<vmem>> -> memref<1x128xi32, #tpu.memory_space<vmem>>
      %dma_wait3A_89 = tpu.memref_squeeze %dma_wait3A_88 : memref<1x128xi32, #tpu.memory_space<vmem>> -> memref<128xi32, #tpu.memory_space<vmem>>
      %dma_wait3A_90 = arith.constant 0 : i32
      %dma_wait3A_91 = arith.constant 0 : i32
      %dma_wait3A_92 = tpu.memref_slice %arg2[%dma_wait3A_90, %dma_wait3A_91] : memref<10240x128xf32, #tpu.memory_space<hbm>> -> memref<10240x128xf32, #tpu.memory_space<hbm>>
      tpu.wait_indirect_dma semaphore(%arg12 : memref<!tpu.dma_semaphore, #tpu.memory_space<semaphore_mem>>) src(%dma_wait3A_92 : memref<10240x128xf32, #tpu.memory_space<hbm>>) dst(%arg9 : memref<128x128xf32, #tpu.memory_space<vmem>>)
      %dma_start3A_93 = arith.constant 31 : i32
      %dma_start3A_94 = arith.constant 0 : i32
      %dma_start3A_95 = tpu.memref_slice %arg7[%dma_start3A_93, %dma_start3A_94] : memref<32x128xi32, #tpu.memory_space<vmem>> -> memref<1x128xi32, #tpu.memory_space<vmem>>
      %dma_start3A_96 = tpu.memref_squeeze %dma_start3A_95 : memref<1x128xi32, #tpu.memory_space<vmem>> -> memref<128xi32, #tpu.memory_space<vmem>>
      %dma_start3A_97 = arith.constant 0 : i32
      %dma_start3A_98 = arith.constant 0 : i32
      %dma_start3A_99 = tpu.memref_slice %arg10[%dma_start3A_97, %dma_start3A_98] : memref<10240x128xf32, #tpu.memory_space<vmem_shared>> -> memref<10240x128xf32, #tpu.memory_space<vmem_shared>>
      tpu.enqueue_indirect_dma source(%arg9 : memref<128x128xf32, #tpu.memory_space<vmem>>) target(%dma_start3A_99 : memref<10240x128xf32, #tpu.memory_space<vmem_shared>>) offsets(%dma_start3A_96 : memref<128xi32, #tpu.memory_space<vmem>>) semaphore(%arg14 : memref<!tpu.dma_semaphore, #tpu.memory_space<semaphore_mem>>) {add = true}
      %dma_wait3A_100 = arith.constant 31 : i32
      %dma_wait3A_101 = arith.constant 0 : i32
      %dma_wait3A_102 = tpu.memref_slice %arg7[%dma_wait3A_100, %dma_wait3A_101] : memref<32x128xi32, #tpu.memory_space<vmem>> -> memref<1x128xi32, #tpu.memory_space<vmem>>
      %dma_wait3A_103 = tpu.memref_squeeze %dma_wait3A_102 : memref<1x128xi32, #tpu.memory_space<vmem>> -> memref<128xi32, #tpu.memory_space<vmem>>
      %dma_wait3A_104 = arith.constant 0 : i32
      %dma_wait3A_105 = arith.constant 0 : i32
      %dma_wait3A_106 = tpu.memref_slice %arg10[%dma_wait3A_104, %dma_wait3A_105] : memref<10240x128xf32, #tpu.memory_space<vmem_shared>> -> memref<10240x128xf32, #tpu.memory_space<vmem_shared>>
      tpu.wait_indirect_dma semaphore(%arg14 : memref<!tpu.dma_semaphore, #tpu.memory_space<semaphore_mem>>) src(%arg9 : memref<128x128xf32, #tpu.memory_space<vmem>>) dst(%dma_wait3A_106 : memref<10240x128xf32, #tpu.memory_space<vmem_shared>>)
      %while3A_107 = arith.constant 0 : i32
      scf.yield %while3A_107 : i32
    }
    %while3A_31 = arith.constant 1 : i32
    %while3A_32 = scf.for %while3A_41 = %while3A_28 to %while3A_24 step %while3A_31 iter_args(%while3A_42 = %while3A_30) -> (i32)  : i32 {
      %mul3A_43 = arith.constant 32 : i32
      %mul3A_44 = arith.muli %while3A_41, %mul3A_43 : i32
      %add3A_45 = arith.addi %select_n3A_21, %mul3A_44 : i32
      "tpu.region"() ({
        %run_scoped3A = tpu.sem_alloc : memref<!tpu.dma_semaphore, #tpu.memory_space<semaphore_mem>>
        %dma_start3A_108 = arith.constant 0 : i32
        %dma_start3A_109 = tpu.memref_slice %arg3[%add3A_45, %dma_start3A_108] : memref<2560x128xi32, #tpu.memory_space<hbm>> -> memref<32x128xi32, #tpu.memory_space<hbm>>
        %dma_start3A_110 = arith.constant 0 : i32
        %dma_start3A_111 = tpu.memref_slice %arg3[%add3A_45, %dma_start3A_110] : memref<2560x128xi32, #tpu.memory_space<hbm>> -> memref<32x128xi32, #tpu.memory_space<hbm>>
        tpu.enqueue_dma source(%dma_start3A_111 : memref<32x128xi32, #tpu.memory_space<hbm>>) target(%arg6 : memref<32x128xi32, #tpu.memory_space<vmem>>) target_semaphore(%run_scoped3A : memref<!tpu.dma_semaphore, #tpu.memory_space<semaphore_mem>>)
        %dma_wait3A_112 = arith.constant 0 : i32
        %dma_wait3A_113 = tpu.memref_slice %arg3[%add3A_45, %dma_wait3A_112] : memref<2560x128xi32, #tpu.memory_space<hbm>> -> memref<32x128xi32, #tpu.memory_space<hbm>>
        %dma_wait3A_114 = arith.constant 0 : i32
        %dma_wait3A_115 = tpu.memref_slice %arg3[%add3A_45, %dma_wait3A_114] : memref<2560x128xi32, #tpu.memory_space<hbm>> -> memref<32x128xi32, #tpu.memory_space<hbm>>
        tpu.wait_dma2 semaphore(%run_scoped3A : memref<!tpu.dma_semaphore, #tpu.memory_space<semaphore_mem>>) src(%dma_wait3A_115 : memref<32x128xi32, #tpu.memory_space<hbm>>) dst(%arg6 : memref<32x128xi32, #tpu.memory_space<vmem>>)
        tpu.yield
      }) : () -> ()
      "tpu.region"() ({
        %run_scoped3A = tpu.sem_alloc : memref<!tpu.dma_semaphore, #tpu.memory_space<semaphore_mem>>
        %dma_start3A_108 = arith.constant 0 : i32
        %dma_start3A_109 = tpu.memref_slice %arg4[%add3A_45, %dma_start3A_108] : memref<2560x128xi32, #tpu.memory_space<hbm>> -> memref<32x128xi32, #tpu.memory_space<hbm>>
        %dma_start3A_110 = arith.constant 0 : i32
        %dma_start3A_111 = tpu.memref_slice %arg4[%add3A_45, %dma_start3A_110] : memref<2560x128xi32, #tpu.memory_space<hbm>> -> memref<32x128xi32, #tpu.memory_space<hbm>>
        tpu.enqueue_dma source(%dma_start3A_111 : memref<32x128xi32, #tpu.memory_space<hbm>>) target(%arg7 : memref<32x128xi32, #tpu.memory_space<vmem>>) target_semaphore(%run_scoped3A : memref<!tpu.dma_semaphore, #tpu.memory_space<semaphore_mem>>)
        %dma_wait3A_112 = arith.constant 0 : i32
        %dma_wait3A_113 = tpu.memref_slice %arg4[%add3A_45, %dma_wait3A_112] : memref<2560x128xi32, #tpu.memory_space<hbm>> -> memref<32x128xi32, #tpu.memory_space<hbm>>
        %dma_wait3A_114 = arith.constant 0 : i32
        %dma_wait3A_115 = tpu.memref_slice %arg4[%add3A_45, %dma_wait3A_114] : memref<2560x128xi32, #tpu.memory_space<hbm>> -> memref<32x128xi32, #tpu.memory_space<hbm>>
        tpu.wait_dma2 semaphore(%run_scoped3A : memref<!tpu.dma_semaphore, #tpu.memory_space<semaphore_mem>>) src(%dma_wait3A_115 : memref<32x128xi32, #tpu.memory_space<hbm>>) dst(%arg7 : memref<32x128xi32, #tpu.memory_space<vmem>>)
        tpu.yield
      }) : () -> ()
      %dma_start3A = arith.constant 0 : i32
      %dma_start3A_46 = arith.constant 0 : i32
      %dma_start3A_47 = tpu.memref_slice %arg6[%dma_start3A, %dma_start3A_46] : memref<32x128xi32, #tpu.memory_space<vmem>> -> memref<1x128xi32, #tpu.memory_space<vmem>>
      %dma_start3A_48 = tpu.memref_squeeze %dma_start3A_47 : memref<1x128xi32, #tpu.memory_space<vmem>> -> memref<128xi32, #tpu.memory_space<vmem>>
      %dma_start3A_49 = arith.constant 0 : i32
      %dma_start3A_50 = arith.constant 0 : i32
      %dma_start3A_51 = tpu.memref_slice %arg2[%dma_start3A_49, %dma_start3A_50] : memref<10240x128xf32, #tpu.memory_space<hbm>> -> memref<10240x128xf32, #tpu.memory_space<hbm>>
      tpu.enqueue_indirect_dma source(%dma_start3A_51 : memref<10240x128xf32, #tpu.memory_space<hbm>>) target(%arg8 : memref<128x128xf32, #tpu.memory_space<vmem>>) offsets(%dma_start3A_48 : memref<128xi32, #tpu.memory_space<vmem>>) semaphore(%arg11 : memref<!tpu.dma_semaphore, #tpu.memory_space<semaphore_mem>>)
      %dma_start3A_52 = arith.constant 1 : i32
      %dma_start3A_53 = arith.constant 0 : i32
      %dma_start3A_54 = tpu.memref_slice %arg6[%dma_start3A_52, %dma_start3A_53] : memref<32x128xi32, #tpu.memory_space<vmem>> -> memref<1x128xi32, #tpu.memory_space<vmem>>
      %dma_start3A_55 = tpu.memref_squeeze %dma_start3A_54 : memref<1x128xi32, #tpu.memory_space<vmem>> -> memref<128xi32, #tpu.memory_space<vmem>>
      %dma_start3A_56 = arith.constant 0 : i32
      %dma_start3A_57 = arith.constant 0 : i32
      %dma_start3A_58 = tpu.memref_slice %arg2[%dma_start3A_56, %dma_start3A_57] : memref<10240x128xf32, #tpu.memory_space<hbm>> -> memref<10240x128xf32, #tpu.memory_space<hbm>>
      tpu.enqueue_indirect_dma source(%dma_start3A_58 : memref<10240x128xf32, #tpu.memory_space<hbm>>) target(%arg9 : memref<128x128xf32, #tpu.memory_space<vmem>>) offsets(%dma_start3A_55 : memref<128xi32, #tpu.memory_space<vmem>>) semaphore(%arg12 : memref<!tpu.dma_semaphore, #tpu.memory_space<semaphore_mem>>)
      %scan3A_59 = arith.constant 0 : i32
      %scan3A_60 = arith.constant 0 : i32
      %scan3A_61 = arith.constant 15 : i32
      %scan3A_62 = arith.addi %scan3A_60, %scan3A_61 : i32
      %scan3A_63 = arith.constant 1 : i32
      %scan3A_64 = scf.for %scan3A_108 = %scan3A_60 to %scan3A_62 step %scan3A_63 iter_args(%scan3A_109 = %scan3A_59) -> (i32)  : i32 {
        %mul3A_110 = arith.constant 2 : i32
        %mul3A_111 = arith.muli %mul3A_110, %scan3A_108 : i32
        %add3A_112 = arith.constant 1 : i32
        %add3A_113 = arith.addi %mul3A_111, %add3A_112 : i32
        %dma_wait3A_114 = arith.constant 0 : i32
        %dma_wait3A_115 = tpu.memref_slice %arg6[%mul3A_111, %dma_wait3A_114] : memref<32x128xi32, #tpu.memory_space<vmem>> -> memref<1x128xi32, #tpu.memory_space<vmem>>
        %dma_wait3A_116 = tpu.memref_squeeze %dma_wait3A_115 : memref<1x128xi32, #tpu.memory_space<vmem>> -> memref<128xi32, #tpu.memory_space<vmem>>
        %dma_wait3A_117 = arith.constant 0 : i32
        %dma_wait3A_118 = arith.constant 0 : i32
        %dma_wait3A_119 = tpu.memref_slice %arg2[%dma_wait3A_117, %dma_wait3A_118] : memref<10240x128xf32, #tpu.memory_space<hbm>> -> memref<10240x128xf32, #tpu.memory_space<hbm>>
        tpu.wait_indirect_dma semaphore(%arg11 : memref<!tpu.dma_semaphore, #tpu.memory_space<semaphore_mem>>) src(%dma_wait3A_119 : memref<10240x128xf32, #tpu.memory_space<hbm>>) dst(%arg8 : memref<128x128xf32, #tpu.memory_space<vmem>>)
        %dma_start3A_120 = arith.constant 0 : i32
        %dma_start3A_121 = tpu.memref_slice %arg7[%mul3A_111, %dma_start3A_120] : memref<32x128xi32, #tpu.memory_space<vmem>> -> memref<1x128xi32, #tpu.memory_space<vmem>>
        %dma_start3A_122 = tpu.memref_squeeze %dma_start3A_121 : memref<1x128xi32, #tpu.memory_space<vmem>> -> memref<128xi32, #tpu.memory_space<vmem>>
        %dma_start3A_123 = arith.constant 0 : i32
        %dma_start3A_124 = arith.constant 0 : i32
        %dma_start3A_125 = tpu.memref_slice %arg10[%dma_start3A_123, %dma_start3A_124] : memref<10240x128xf32, #tpu.memory_space<vmem_shared>> -> memref<10240x128xf32, #tpu.memory_space<vmem_shared>>
        tpu.enqueue_indirect_dma source(%arg8 : memref<128x128xf32, #tpu.memory_space<vmem>>) target(%dma_start3A_125 : memref<10240x128xf32, #tpu.memory_space<vmem_shared>>) offsets(%dma_start3A_122 : memref<128xi32, #tpu.memory_space<vmem>>) semaphore(%arg13 : memref<!tpu.dma_semaphore, #tpu.memory_space<semaphore_mem>>) {add = true}
        %dma_wait3A_126 = arith.constant 0 : i32
        %dma_wait3A_127 = tpu.memref_slice %arg6[%add3A_113, %dma_wait3A_126] : memref<32x128xi32, #tpu.memory_space<vmem>> -> memref<1x128xi32, #tpu.memory_space<vmem>>
        %dma_wait3A_128 = tpu.memref_squeeze %dma_wait3A_127 : memref<1x128xi32, #tpu.memory_space<vmem>> -> memref<128xi32, #tpu.memory_space<vmem>>
        %dma_wait3A_129 = arith.constant 0 : i32
        %dma_wait3A_130 = arith.constant 0 : i32
        %dma_wait3A_131 = tpu.memref_slice %arg2[%dma_wait3A_129, %dma_wait3A_130] : memref<10240x128xf32, #tpu.memory_space<hbm>> -> memref<10240x128xf32, #tpu.memory_space<hbm>>
        tpu.wait_indirect_dma semaphore(%arg12 : memref<!tpu.dma_semaphore, #tpu.memory_space<semaphore_mem>>) src(%dma_wait3A_131 : memref<10240x128xf32, #tpu.memory_space<hbm>>) dst(%arg9 : memref<128x128xf32, #tpu.memory_space<vmem>>)
        %dma_start3A_132 = arith.constant 0 : i32
        %dma_start3A_133 = tpu.memref_slice %arg7[%add3A_113, %dma_start3A_132] : memref<32x128xi32, #tpu.memory_space<vmem>> -> memref<1x128xi32, #tpu.memory_space<vmem>>
        %dma_start3A_134 = tpu.memref_squeeze %dma_start3A_133 : memref<1x128xi32, #tpu.memory_space<vmem>> -> memref<128xi32, #tpu.memory_space<vmem>>
        %dma_start3A_135 = arith.constant 0 : i32
        %dma_start3A_136 = arith.constant 0 : i32
        %dma_start3A_137 = tpu.memref_slice %arg10[%dma_start3A_135, %dma_start3A_136] : memref<10240x128xf32, #tpu.memory_space<vmem_shared>> -> memref<10240x128xf32, #tpu.memory_space<vmem_shared>>
        tpu.enqueue_indirect_dma source(%arg9 : memref<128x128xf32, #tpu.memory_space<vmem>>) target(%dma_start3A_137 : memref<10240x128xf32, #tpu.memory_space<vmem_shared>>) offsets(%dma_start3A_134 : memref<128xi32, #tpu.memory_space<vmem>>) semaphore(%arg14 : memref<!tpu.dma_semaphore, #tpu.memory_space<semaphore_mem>>) {add = true}
        %dma_wait3A_138 = arith.constant 0 : i32
        %dma_wait3A_139 = tpu.memref_slice %arg7[%mul3A_111, %dma_wait3A_138] : memref<32x128xi32, #tpu.memory_space<vmem>> -> memref<1x128xi32, #tpu.memory_space<vmem>>
        %dma_wait3A_140 = tpu.memref_squeeze %dma_wait3A_139 : memref<1x128xi32, #tpu.memory_space<vmem>> -> memref<128xi32, #tpu.memory_space<vmem>>
        %dma_wait3A_141 = arith.constant 0 : i32
        %dma_wait3A_142 = arith.constant 0 : i32
        %dma_wait3A_143 = tpu.memref_slice %arg10[%dma_wait3A_141, %dma_wait3A_142] : memref<10240x128xf32, #tpu.memory_space<vmem_shared>> -> memref<10240x128xf32, #tpu.memory_space<vmem_shared>>
        tpu.wait_indirect_dma semaphore(%arg13 : memref<!tpu.dma_semaphore, #tpu.memory_space<semaphore_mem>>) src(%arg8 : memref<128x128xf32, #tpu.memory_space<vmem>>) dst(%dma_wait3A_143 : memref<10240x128xf32, #tpu.memory_space<vmem_shared>>)
        %add3A_144 = arith.constant 2 : i32
        %add3A_145 = arith.addi %mul3A_111, %add3A_144 : i32
        %dma_start3A_146 = arith.constant 0 : i32
        %dma_start3A_147 = tpu.memref_slice %arg6[%add3A_145, %dma_start3A_146] : memref<32x128xi32, #tpu.memory_space<vmem>> -> memref<1x128xi32, #tpu.memory_space<vmem>>
        %dma_start3A_148 = tpu.memref_squeeze %dma_start3A_147 : memref<1x128xi32, #tpu.memory_space<vmem>> -> memref<128xi32, #tpu.memory_space<vmem>>
        %dma_start3A_149 = arith.constant 0 : i32
        %dma_start3A_150 = arith.constant 0 : i32
        %dma_start3A_151 = tpu.memref_slice %arg2[%dma_start3A_149, %dma_start3A_150] : memref<10240x128xf32, #tpu.memory_space<hbm>> -> memref<10240x128xf32, #tpu.memory_space<hbm>>
        tpu.enqueue_indirect_dma source(%dma_start3A_151 : memref<10240x128xf32, #tpu.memory_space<hbm>>) target(%arg8 : memref<128x128xf32, #tpu.memory_space<vmem>>) offsets(%dma_start3A_148 : memref<128xi32, #tpu.memory_space<vmem>>) semaphore(%arg11 : memref<!tpu.dma_semaphore, #tpu.memory_space<semaphore_mem>>)
        %dma_wait3A_152 = arith.constant 0 : i32
        %dma_wait3A_153 = tpu.memref_slice %arg7[%add3A_113, %dma_wait3A_152] : memref<32x128xi32, #tpu.memory_space<vmem>> -> memref<1x128xi32, #tpu.memory_space<vmem>>
        %dma_wait3A_154 = tpu.memref_squeeze %dma_wait3A_153 : memref<1x128xi32, #tpu.memory_space<vmem>> -> memref<128xi32, #tpu.memory_space<vmem>>
        %dma_wait3A_155 = arith.constant 0 : i32
        %dma_wait3A_156 = arith.constant 0 : i32
        %dma_wait3A_157 = tpu.memref_slice %arg10[%dma_wait3A_155, %dma_wait3A_156] : memref<10240x128xf32, #tpu.memory_space<vmem_shared>> -> memref<10240x128xf32, #tpu.memory_space<vmem_shared>>
        tpu.wait_indirect_dma semaphore(%arg14 : memref<!tpu.dma_semaphore, #tpu.memory_space<semaphore_mem>>) src(%arg9 : memref<128x128xf32, #tpu.memory_space<vmem>>) dst(%dma_wait3A_157 : memref<10240x128xf32, #tpu.memory_space<vmem_shared>>)
        %add3A_158 = arith.constant 2 : i32
        %add3A_159 = arith.addi %add3A_113, %add3A_158 : i32
        %dma_start3A_160 = arith.constant 0 : i32
        %dma_start3A_161 = tpu.memref_slice %arg6[%add3A_159, %dma_start3A_160] : memref<32x128xi32, #tpu.memory_space<vmem>> -> memref<1x128xi32, #tpu.memory_space<vmem>>
        %dma_start3A_162 = tpu.memref_squeeze %dma_start3A_161 : memref<1x128xi32, #tpu.memory_space<vmem>> -> memref<128xi32, #tpu.memory_space<vmem>>
        %dma_start3A_163 = arith.constant 0 : i32
        %dma_start3A_164 = arith.constant 0 : i32
        %dma_start3A_165 = tpu.memref_slice %arg2[%dma_start3A_163, %dma_start3A_164] : memref<10240x128xf32, #tpu.memory_space<hbm>> -> memref<10240x128xf32, #tpu.memory_space<hbm>>
        tpu.enqueue_indirect_dma source(%dma_start3A_165 : memref<10240x128xf32, #tpu.memory_space<hbm>>) target(%arg9 : memref<128x128xf32, #tpu.memory_space<vmem>>) offsets(%dma_start3A_162 : memref<128xi32, #tpu.memory_space<vmem>>) semaphore(%arg12 : memref<!tpu.dma_semaphore, #tpu.memory_space<semaphore_mem>>)
        %scan3A_166 = arith.constant 0 : i32
        scf.yield %scan3A_166 : i32
      }
      %scan3A_65 = arith.constant 15 : i32
      %dma_wait3A = arith.constant 30 : i32
      %dma_wait3A_66 = arith.constant 0 : i32
      %dma_wait3A_67 = tpu.memref_slice %arg6[%dma_wait3A, %dma_wait3A_66] : memref<32x128xi32, #tpu.memory_space<vmem>> -> memref<1x128xi32, #tpu.memory_space<vmem>>
      %dma_wait3A_68 = tpu.memref_squeeze %dma_wait3A_67 : memref<1x128xi32, #tpu.memory_space<vmem>> -> memref<128xi32, #tpu.memory_space<vmem>>
      %dma_wait3A_69 = arith.constant 0 : i32
      %dma_wait3A_70 = arith.constant 0 : i32
      %dma_wait3A_71 = tpu.memref_slice %arg2[%dma_wait3A_69, %dma_wait3A_70] : memref<10240x128xf32, #tpu.memory_space<hbm>> -> memref<10240x128xf32, #tpu.memory_space<hbm>>
      tpu.wait_indirect_dma semaphore(%arg11 : memref<!tpu.dma_semaphore, #tpu.memory_space<semaphore_mem>>) src(%dma_wait3A_71 : memref<10240x128xf32, #tpu.memory_space<hbm>>) dst(%arg8 : memref<128x128xf32, #tpu.memory_space<vmem>>)
      %dma_start3A_72 = arith.constant 30 : i32
      %dma_start3A_73 = arith.constant 0 : i32
      %dma_start3A_74 = tpu.memref_slice %arg7[%dma_start3A_72, %dma_start3A_73] : memref<32x128xi32, #tpu.memory_space<vmem>> -> memref<1x128xi32, #tpu.memory_space<vmem>>
      %dma_start3A_75 = tpu.memref_squeeze %dma_start3A_74 : memref<1x128xi32, #tpu.memory_space<vmem>> -> memref<128xi32, #tpu.memory_space<vmem>>
      %dma_start3A_76 = arith.constant 0 : i32
      %dma_start3A_77 = arith.constant 0 : i32
      %dma_start3A_78 = tpu.memref_slice %arg10[%dma_start3A_76, %dma_start3A_77] : memref<10240x128xf32, #tpu.memory_space<vmem_shared>> -> memref<10240x128xf32, #tpu.memory_space<vmem_shared>>
      tpu.enqueue_indirect_dma source(%arg8 : memref<128x128xf32, #tpu.memory_space<vmem>>) target(%dma_start3A_78 : memref<10240x128xf32, #tpu.memory_space<vmem_shared>>) offsets(%dma_start3A_75 : memref<128xi32, #tpu.memory_space<vmem>>) semaphore(%arg13 : memref<!tpu.dma_semaphore, #tpu.memory_space<semaphore_mem>>) {add = true}
      %dma_wait3A_79 = arith.constant 30 : i32
      %dma_wait3A_80 = arith.constant 0 : i32
      %dma_wait3A_81 = tpu.memref_slice %arg7[%dma_wait3A_79, %dma_wait3A_80] : memref<32x128xi32, #tpu.memory_space<vmem>> -> memref<1x128xi32, #tpu.memory_space<vmem>>
      %dma_wait3A_82 = tpu.memref_squeeze %dma_wait3A_81 : memref<1x128xi32, #tpu.memory_space<vmem>> -> memref<128xi32, #tpu.memory_space<vmem>>
      %dma_wait3A_83 = arith.constant 0 : i32
      %dma_wait3A_84 = arith.constant 0 : i32
      %dma_wait3A_85 = tpu.memref_slice %arg10[%dma_wait3A_83, %dma_wait3A_84] : memref<10240x128xf32, #tpu.memory_space<vmem_shared>> -> memref<10240x128xf32, #tpu.memory_space<vmem_shared>>
      tpu.wait_indirect_dma semaphore(%arg13 : memref<!tpu.dma_semaphore, #tpu.memory_space<semaphore_mem>>) src(%arg8 : memref<128x128xf32, #tpu.memory_space<vmem>>) dst(%dma_wait3A_85 : memref<10240x128xf32, #tpu.memory_space<vmem_shared>>)
      %dma_wait3A_86 = arith.constant 31 : i32
      %dma_wait3A_87 = arith.constant 0 : i32
      %dma_wait3A_88 = tpu.memref_slice %arg6[%dma_wait3A_86, %dma_wait3A_87] : memref<32x128xi32, #tpu.memory_space<vmem>> -> memref<1x128xi32, #tpu.memory_space<vmem>>
      %dma_wait3A_89 = tpu.memref_squeeze %dma_wait3A_88 : memref<1x128xi32, #tpu.memory_space<vmem>> -> memref<128xi32, #tpu.memory_space<vmem>>
      %dma_wait3A_90 = arith.constant 0 : i32
      %dma_wait3A_91 = arith.constant 0 : i32
      %dma_wait3A_92 = tpu.memref_slice %arg2[%dma_wait3A_90, %dma_wait3A_91] : memref<10240x128xf32, #tpu.memory_space<hbm>> -> memref<10240x128xf32, #tpu.memory_space<hbm>>
      tpu.wait_indirect_dma semaphore(%arg12 : memref<!tpu.dma_semaphore, #tpu.memory_space<semaphore_mem>>) src(%dma_wait3A_92 : memref<10240x128xf32, #tpu.memory_space<hbm>>) dst(%arg9 : memref<128x128xf32, #tpu.memory_space<vmem>>)
      %dma_start3A_93 = arith.constant 31 : i32
      %dma_start3A_94 = arith.constant 0 : i32
      %dma_start3A_95 = tpu.memref_slice %arg7[%dma_start3A_93, %dma_start3A_94] : memref<32x128xi32, #tpu.memory_space<vmem>> -> memref<1x128xi32, #tpu.memory_space<vmem>>
      %dma_start3A_96 = tpu.memref_squeeze %dma_start3A_95 : memref<1x128xi32, #tpu.memory_space<vmem>> -> memref<128xi32, #tpu.memory_space<vmem>>
      %dma_start3A_97 = arith.constant 0 : i32
      %dma_start3A_98 = arith.constant 0 : i32
      %dma_start3A_99 = tpu.memref_slice %arg10[%dma_start3A_97, %dma_start3A_98] : memref<10240x128xf32, #tpu.memory_space<vmem_shared>> -> memref<10240x128xf32, #tpu.memory_space<vmem_shared>>
      tpu.enqueue_indirect_dma source(%arg9 : memref<128x128xf32, #tpu.memory_space<vmem>>) target(%dma_start3A_99 : memref<10240x128xf32, #tpu.memory_space<vmem_shared>>) offsets(%dma_start3A_96 : memref<128xi32, #tpu.memory_space<vmem>>) semaphore(%arg14 : memref<!tpu.dma_semaphore, #tpu.memory_space<semaphore_mem>>) {add = true}
      %dma_wait3A_100 = arith.constant 31 : i32
      %dma_wait3A_101 = arith.constant 0 : i32
      %dma_wait3A_102 = tpu.memref_slice %arg7[%dma_wait3A_100, %dma_wait3A_101] : memref<32x128xi32, #tpu.memory_space<vmem>> -> memref<1x128xi32, #tpu.memory_space<vmem>>
      %dma_wait3A_103 = tpu.memref_squeeze %dma_wait3A_102 : memref<1x128xi32, #tpu.memory_space<vmem>> -> memref<128xi32, #tpu.memory_space<vmem>>
      %dma_wait3A_104 = arith.constant 0 : i32
      %dma_wait3A_105 = arith.constant 0 : i32
      %dma_wait3A_106 = tpu.memref_slice %arg10[%dma_wait3A_104, %dma_wait3A_105] : memref<10240x128xf32, #tpu.memory_space<vmem_shared>> -> memref<10240x128xf32, #tpu.memory_space<vmem_shared>>
      tpu.wait_indirect_dma semaphore(%arg14 : memref<!tpu.dma_semaphore, #tpu.memory_space<semaphore_mem>>) src(%arg9 : memref<128x128xf32, #tpu.memory_space<vmem>>) dst(%dma_wait3A_106 : memref<10240x128xf32, #tpu.memory_space<vmem_shared>>)
      %while3A_107 = arith.constant 0 : i32
      scf.yield %while3A_107 : i32
    }
    %barrier3A_33 = arith.constant 0 : index
    tpu.barrier barrier_id(%barrier3A_33)
    %scan3A_34 = arith.constant 0 : i32
    %scan3A_35 = arith.constant 0 : i32
    %scan3A_36 = arith.constant 5 : i32
    %scan3A_37 = arith.addi %scan3A_35, %scan3A_36 : i32
    %scan3A_38 = arith.constant 1 : i32
    %scan3A_39 = scf.for %scan3A_41 = %scan3A_35 to %scan3A_37 step %scan3A_38 iter_args(%scan3A_42 = %scan3A_34) -> (i32)  : i32 {
      %mul3A_43 = arith.constant 640 : i32
      %mul3A_44 = arith.muli %arg1, %mul3A_43 : i32
      %mul3A_45 = arith.constant 128 : i32
      %mul3A_46 = arith.muli %scan3A_41, %mul3A_45 : i32
      %add3A_47 = arith.addi %mul3A_44, %mul3A_46 : i32
      "tpu.region"() ({
        %run_scoped3A = tpu.sem_alloc : memref<!tpu.dma_semaphore, #tpu.memory_space<semaphore_mem>>
        %dma_start3A = arith.constant 0 : i32
        %dma_start3A_49 = tpu.memref_slice %arg5[%arg0, %add3A_47, %dma_start3A] : memref<2x10240x128xf32, #tpu.memory_space<hbm>> -> memref<1x128x128xf32, #tpu.memory_space<hbm>>
        %dma_start3A_50 = tpu.memref_squeeze %dma_start3A_49 : memref<1x128x128xf32, #tpu.memory_space<hbm>> -> memref<128x128xf32, #tpu.memory_space<hbm>>
        %dma_start3A_51 = arith.constant 0 : i32
        %dma_start3A_52 = tpu.memref_slice %arg10[%add3A_47, %dma_start3A_51] : memref<10240x128xf32, #tpu.memory_space<vmem_shared>> -> memref<128x128xf32, #tpu.memory_space<vmem_shared>>
        tpu.enqueue_dma source(%dma_start3A_52 : memref<128x128xf32, #tpu.memory_space<vmem_shared>>) target(%dma_start3A_50 : memref<128x128xf32, #tpu.memory_space<hbm>>) target_semaphore(%run_scoped3A : memref<!tpu.dma_semaphore, #tpu.memory_space<semaphore_mem>>)
        %dma_wait3A = arith.constant 0 : i32
        %dma_wait3A_53 = tpu.memref_slice %arg5[%arg0, %add3A_47, %dma_wait3A] : memref<2x10240x128xf32, #tpu.memory_space<hbm>> -> memref<1x128x128xf32, #tpu.memory_space<hbm>>
        %dma_wait3A_54 = tpu.memref_squeeze %dma_wait3A_53 : memref<1x128x128xf32, #tpu.memory_space<hbm>> -> memref<128x128xf32, #tpu.memory_space<hbm>>
        %dma_wait3A_55 = arith.constant 0 : i32
        %dma_wait3A_56 = tpu.memref_slice %arg10[%add3A_47, %dma_wait3A_55] : memref<10240x128xf32, #tpu.memory_space<vmem_shared>> -> memref<128x128xf32, #tpu.memory_space<vmem_shared>>
        tpu.wait_dma2 semaphore(%run_scoped3A : memref<!tpu.dma_semaphore, #tpu.memory_space<semaphore_mem>>) src(%dma_wait3A_56 : memref<128x128xf32, #tpu.memory_space<vmem_shared>>) dst(%dma_wait3A_54 : memref<128x128xf32, #tpu.memory_space<hbm>>)
        tpu.yield
      }) : () -> ()
      %scan3A_48 = arith.constant 0 : i32
      scf.yield %scan3A_48 : i32
    }
    %scan3A_40 = arith.constant 5 : i32
    return
  }
}

module attributes {stable_mosaic.version = 14 : i64} {
  func.func @body(%arg0: i32, %arg1: memref<1024x128xf32, #tpu.memory_space<vmem>>, %arg2: memref<128x128xf32, #tpu.memory_space<vmem>>, %arg3: memref<1024x1xf32, #tpu.memory_space<vmem>>, %arg4: memref<1024x128xf32, #tpu.memory_space<vmem>>) attributes {dimension_semantics = [#tpu.dimension_semantics<arbitrary>], iteration_bounds = array<i64: 10>, scalar_prefetch = 0 : i64, scratch_operands = 0 : i64, tpu.core_type = #tpu.core_type<tc>, window_params = [{transform_indices = @transform_0, window_bounds = array<i64: 1024, 128>}, {pipeline_mode = #tpu.pipeline_mode<synchronous>, transform_indices = @transform_1, window_bounds = array<i64: 128, 128>}, {transform_indices = @transform_2, window_bounds = array<i64: 1024, 1>}, {transform_indices = @transform_3, window_bounds = array<i64: 1024, 128>}]} {
    %get3A = arith.constant 0 : index
    %get3A_0 = arith.constant 0 : index
    %get3A_1 = vector.load %arg1[%get3A, %get3A_0] : memref<1024x128xf32, #tpu.memory_space<vmem>>, vector<1024x128xf32>
    %get3A_2 = arith.constant 0 : index
    %get3A_3 = arith.constant 0 : index
    %get3A_4 = vector.load %arg2[%get3A_2, %get3A_3] : memref<128x128xf32, #tpu.memory_space<vmem>>, vector<128x128xf32>
    %dot_general3A = arith.constant dense<0.000000e+00> : vector<1024x128xf32>
    %dot_general3A_5 = tpu.matmul %get3A_1, %get3A_4, %dot_general3A {dimension_numbers = #tpu.dot_dimension_numbers<[1], [0], [0], [1], [0, 0, 1, 1], [], []>, transpose_lhs_hint = false} : vector<1024x128xf32>, vector<128x128xf32>, vector<1024x128xf32> -> vector<1024x128xf32>
    %get3A_6 = arith.constant 0 : index
    %get3A_7 = arith.constant 0 : index
    %get3A_8 = vector.load %arg3[%get3A_6, %get3A_7] : memref<1024x1xf32, #tpu.memory_space<vmem>>, vector<1024x1xf32>
    %max3A = arith.constant 1.000000e+00 : f32
    %max3A_9 = vector.broadcast %max3A : f32 to vector<1024x1xf32>
    %max3A_10 = arith.maximumf %get3A_8, %max3A_9 : vector<1024x1xf32>
    %rsqrt3A = math.rsqrt %max3A_10 : vector<1024x1xf32>
    %mul3A = vector.broadcast %rsqrt3A : vector<1024x1xf32> to vector<1024x128xf32>
    %mul3A_11 = arith.mulf %dot_general3A_5, %mul3A : vector<1024x128xf32>
    %swap3A = arith.constant 0 : index
    %swap3A_12 = arith.constant 0 : index
    %swap3A_13 = vector.load %arg4[%swap3A, %swap3A_12] : memref<1024x128xf32, #tpu.memory_space<vmem>>, vector<1024x128xf32>
    tpu.vector_store %arg4[%swap3A, %swap3A_12], %mul3A_11 {strides = array<i32>} : memref<1024x128xf32, #tpu.memory_space<vmem>>, vector<1024x128xf32>,
    return
  }
  func.func @transform_0(%arg0: i32) -> (i32, i32) {
    %c0_i32 = arith.constant 0 : i32
    %c0_i32_0 = arith.constant 0 : i32
    return %arg0, %c0_i32 : i32, i32
  }
  func.func @transform_1(%arg0: i32) -> (i32, i32) {
    %c0_i32 = arith.constant 0 : i32
    %c0_i32_0 = arith.constant 0 : i32
    %c0_i32_1 = arith.constant 0 : i32
    return %c0_i32, %c0_i32_0 : i32, i32
  }
  func.func @transform_2(%arg0: i32) -> (i32, i32) {
    %c0_i32 = arith.constant 0 : i32
    %c0_i32_0 = arith.constant 0 : i32
    return %arg0, %c0_i32 : i32, i32
  }
  func.func @transform_3(%arg0: i32) -> (i32, i32) {
    %c0_i32 = arith.constant 0 : i32
    %c0_i32_0 = arith.constant 0 : i32
    return %arg0, %c0_i32 : i32, i32
  }
}

module attributes {stable_mosaic.version = 14 : i64} {
  func.func @body(%arg0: i32, %arg1: memref<2x1024x128xf32, #tpu.memory_space<vmem>>, %arg2: memref<1024x1xf32, #tpu.memory_space<vmem>>, %arg3: memref<1x128xf32, #tpu.memory_space<vmem>>, %arg4: memref<128x128xf32, #tpu.memory_space<vmem>>, %arg5: memref<1024x1xf32, #tpu.memory_space<vmem>>, %arg6: memref<1024x128xf32, #tpu.memory_space<vmem>>) attributes {dimension_semantics = [#tpu.dimension_semantics<arbitrary>], iteration_bounds = array<i64: 10>, scalar_prefetch = 0 : i64, scratch_operands = 0 : i64, tpu.core_type = #tpu.core_type<tc>, window_params = [{transform_indices = @transform_0, window_bounds = array<i64: 2, 1024, 128>}, {transform_indices = @transform_1, window_bounds = array<i64: 1024, 1>}, {pipeline_mode = #tpu.pipeline_mode<synchronous>, transform_indices = @transform_2, window_bounds = array<i64: 1, 128>}, {pipeline_mode = #tpu.pipeline_mode<synchronous>, transform_indices = @transform_3, window_bounds = array<i64: 128, 128>}, {transform_indices = @transform_4, window_bounds = array<i64: 1024, 1>}, {transform_indices = @transform_5, window_bounds = array<i64: 1024, 128>}]} {
    %get3A = arith.constant 0 : index
    %get3A_0 = arith.constant 0 : index
    %get3A_1 = arith.constant 0 : index
    %get3A_2 = vector.load %arg1[%get3A, %get3A_0, %get3A_1] : memref<2x1024x128xf32, #tpu.memory_space<vmem>>, vector<1x1024x128xf32>
    %get3A_3 = vector.shape_cast %get3A_2 : vector<1x1024x128xf32> to vector<1024x128xf32>
    %get3A_4 = arith.constant 1 : index
    %get3A_5 = arith.constant 0 : index
    %get3A_6 = arith.constant 0 : index
    %get3A_7 = vector.load %arg1[%get3A_4, %get3A_5, %get3A_6] : memref<2x1024x128xf32, #tpu.memory_space<vmem>>, vector<1x1024x128xf32>
    %get3A_8 = vector.shape_cast %get3A_7 : vector<1x1024x128xf32> to vector<1024x128xf32>
    %add3A = arith.addf %get3A_3, %get3A_8 : vector<1024x128xf32>
    %get3A_9 = arith.constant 0 : index
    %get3A_10 = arith.constant 0 : index
    %get3A_11 = vector.load %arg2[%get3A_9, %get3A_10] : memref<1024x1xf32, #tpu.memory_space<vmem>>, vector<1024x1xf32>
    %max3A = arith.constant 1.000000e+00 : f32
    %max3A_12 = vector.broadcast %max3A : f32 to vector<1024x1xf32>
    %max3A_13 = arith.maximumf %get3A_11, %max3A_12 : vector<1024x1xf32>
    %rsqrt3A = math.rsqrt %max3A_13 : vector<1024x1xf32>
    %mul3A = vector.broadcast %rsqrt3A : vector<1024x1xf32> to vector<1024x128xf32>
    %mul3A_14 = arith.mulf %add3A, %mul3A : vector<1024x128xf32>
    %get3A_15 = arith.constant 0 : index
    %get3A_16 = arith.constant 0 : index
    %get3A_17 = vector.load %arg3[%get3A_15, %get3A_16] : memref<1x128xf32, #tpu.memory_space<vmem>>, vector<1x128xf32>
    %add3A_18 = vector.broadcast %get3A_17 : vector<1x128xf32> to vector<1024x128xf32>
    %add3A_19 = arith.addf %mul3A_14, %add3A_18 : vector<1024x128xf32>
    %max3A_20 = arith.constant 0.000000e+00 : f32
    %max3A_21 = vector.broadcast %max3A_20 : f32 to vector<1024x128xf32>
    %max3A_22 = arith.maximumf %add3A_19, %max3A_21 : vector<1024x128xf32>
    %get3A_23 = arith.constant 0 : index
    %get3A_24 = arith.constant 0 : index
    %get3A_25 = vector.load %arg4[%get3A_23, %get3A_24] : memref<128x128xf32, #tpu.memory_space<vmem>>, vector<128x128xf32>
    %dot_general3A = arith.constant dense<0.000000e+00> : vector<1024x128xf32>
    %dot_general3A_26 = tpu.matmul %max3A_22, %get3A_25, %dot_general3A {dimension_numbers = #tpu.dot_dimension_numbers<[1], [0], [0], [1], [0, 0, 1, 1], [], []>, transpose_lhs_hint = false} : vector<1024x128xf32>, vector<128x128xf32>, vector<1024x128xf32> -> vector<1024x128xf32>
    %get3A_27 = arith.constant 0 : index
    %get3A_28 = arith.constant 0 : index
    %get3A_29 = vector.load %arg5[%get3A_27, %get3A_28] : memref<1024x1xf32, #tpu.memory_space<vmem>>, vector<1024x1xf32>
    %max3A_30 = arith.constant 1.000000e+00 : f32
    %max3A_31 = vector.broadcast %max3A_30 : f32 to vector<1024x1xf32>
    %max3A_32 = arith.maximumf %get3A_29, %max3A_31 : vector<1024x1xf32>
    %rsqrt3A_33 = math.rsqrt %max3A_32 : vector<1024x1xf32>
    %mul3A_34 = vector.broadcast %rsqrt3A_33 : vector<1024x1xf32> to vector<1024x128xf32>
    %mul3A_35 = arith.mulf %dot_general3A_26, %mul3A_34 : vector<1024x128xf32>
    %swap3A = arith.constant 0 : index
    %swap3A_36 = arith.constant 0 : index
    %swap3A_37 = vector.load %arg6[%swap3A, %swap3A_36] : memref<1024x128xf32, #tpu.memory_space<vmem>>, vector<1024x128xf32>
    tpu.vector_store %arg6[%swap3A, %swap3A_36], %mul3A_35 {strides = array<i32>} : memref<1024x128xf32, #tpu.memory_space<vmem>>, vector<1024x128xf32>,
    return
  }
  func.func @transform_0(%arg0: i32) -> (i32, i32, i32) {
    %c0_i32 = arith.constant 0 : i32
    %c0_i32_0 = arith.constant 0 : i32
    %c0_i32_1 = arith.constant 0 : i32
    return %c0_i32, %arg0, %c0_i32_0 : i32, i32, i32
  }
  func.func @transform_1(%arg0: i32) -> (i32, i32) {
    %c0_i32 = arith.constant 0 : i32
    %c0_i32_0 = arith.constant 0 : i32
    return %arg0, %c0_i32 : i32, i32
  }
  func.func @transform_2(%arg0: i32) -> (i32, i32) {
    %c0_i32 = arith.constant 0 : i32
    %c0_i32_0 = arith.constant 0 : i32
    %c0_i32_1 = arith.constant 0 : i32
    return %c0_i32, %c0_i32_0 : i32, i32
  }
  func.func @transform_3(%arg0: i32) -> (i32, i32) {
    %c0_i32 = arith.constant 0 : i32
    %c0_i32_0 = arith.constant 0 : i32
    %c0_i32_1 = arith.constant 0 : i32
    return %c0_i32, %c0_i32_0 : i32, i32
  }
  func.func @transform_4(%arg0: i32) -> (i32, i32) {
    %c0_i32 = arith.constant 0 : i32
    %c0_i32_0 = arith.constant 0 : i32
    return %arg0, %c0_i32 : i32, i32
  }
  func.func @transform_5(%arg0: i32) -> (i32, i32) {
    %c0_i32 = arith.constant 0 : i32
    %c0_i32_0 = arith.constant 0 : i32
    return %arg0, %c0_i32 : i32, i32
  }
}

module attributes {stable_mosaic.version = 14 : i64} {
  func.func @body(%arg0: i32, %arg1: memref<2x1024x128xf32, #tpu.memory_space<vmem>>, %arg2: memref<1024x1xf32, #tpu.memory_space<vmem>>, %arg3: memref<1x128xf32, #tpu.memory_space<vmem>>, %arg4: memref<1024x128xf32, #tpu.memory_space<vmem>>) attributes {dimension_semantics = [#tpu.dimension_semantics<arbitrary>], iteration_bounds = array<i64: 10>, scalar_prefetch = 0 : i64, scratch_operands = 0 : i64, tpu.core_type = #tpu.core_type<tc>, window_params = [{transform_indices = @transform_0, window_bounds = array<i64: 2, 1024, 128>}, {transform_indices = @transform_1, window_bounds = array<i64: 1024, 1>}, {pipeline_mode = #tpu.pipeline_mode<synchronous>, transform_indices = @transform_2, window_bounds = array<i64: 1, 128>}, {transform_indices = @transform_3, window_bounds = array<i64: 1024, 128>}]} {
    %get3A = arith.constant 0 : index
    %get3A_0 = arith.constant 0 : index
    %get3A_1 = arith.constant 0 : index
    %get3A_2 = vector.load %arg1[%get3A, %get3A_0, %get3A_1] : memref<2x1024x128xf32, #tpu.memory_space<vmem>>, vector<1x1024x128xf32>
    %get3A_3 = vector.shape_cast %get3A_2 : vector<1x1024x128xf32> to vector<1024x128xf32>
    %get3A_4 = arith.constant 1 : index
    %get3A_5 = arith.constant 0 : index
    %get3A_6 = arith.constant 0 : index
    %get3A_7 = vector.load %arg1[%get3A_4, %get3A_5, %get3A_6] : memref<2x1024x128xf32, #tpu.memory_space<vmem>>, vector<1x1024x128xf32>
    %get3A_8 = vector.shape_cast %get3A_7 : vector<1x1024x128xf32> to vector<1024x128xf32>
    %add3A = arith.addf %get3A_3, %get3A_8 : vector<1024x128xf32>
    %get3A_9 = arith.constant 0 : index
    %get3A_10 = arith.constant 0 : index
    %get3A_11 = vector.load %arg2[%get3A_9, %get3A_10] : memref<1024x1xf32, #tpu.memory_space<vmem>>, vector<1024x1xf32>
    %max3A = arith.constant 1.000000e+00 : f32
    %max3A_12 = vector.broadcast %max3A : f32 to vector<1024x1xf32>
    %max3A_13 = arith.maximumf %get3A_11, %max3A_12 : vector<1024x1xf32>
    %rsqrt3A = math.rsqrt %max3A_13 : vector<1024x1xf32>
    %mul3A = vector.broadcast %rsqrt3A : vector<1024x1xf32> to vector<1024x128xf32>
    %mul3A_14 = arith.mulf %add3A, %mul3A : vector<1024x128xf32>
    %get3A_15 = arith.constant 0 : index
    %get3A_16 = arith.constant 0 : index
    %get3A_17 = vector.load %arg3[%get3A_15, %get3A_16] : memref<1x128xf32, #tpu.memory_space<vmem>>, vector<1x128xf32>
    %add3A_18 = vector.broadcast %get3A_17 : vector<1x128xf32> to vector<1024x128xf32>
    %add3A_19 = arith.addf %mul3A_14, %add3A_18 : vector<1024x128xf32>
    %swap3A = arith.constant 0 : index
    %swap3A_20 = arith.constant 0 : index
    %swap3A_21 = vector.load %arg4[%swap3A, %swap3A_20] : memref<1024x128xf32, #tpu.memory_space<vmem>>, vector<1024x128xf32>
    tpu.vector_store %arg4[%swap3A, %swap3A_20], %add3A_19 {strides = array<i32>} : memref<1024x128xf32, #tpu.memory_space<vmem>>, vector<1024x128xf32>,
    return
  }
  func.func @transform_0(%arg0: i32) -> (i32, i32, i32) {
    %c0_i32 = arith.constant 0 : i32
    %c0_i32_0 = arith.constant 0 : i32
    %c0_i32_1 = arith.constant 0 : i32
    return %c0_i32, %arg0, %c0_i32_0 : i32, i32, i32
  }
  func.func @transform_1(%arg0: i32) -> (i32, i32) {
    %c0_i32 = arith.constant 0 : i32
    %c0_i32_0 = arith.constant 0 : i32
    return %arg0, %c0_i32 : i32, i32
  }
  func.func @transform_2(%arg0: i32) -> (i32, i32) {
    %c0_i32 = arith.constant 0 : i32
    %c0_i32_0 = arith.constant 0 : i32
    %c0_i32_1 = arith.constant 0 : i32
    return %c0_i32, %c0_i32_0 : i32, i32
  }
  func.func @transform_3(%arg0: i32) -> (i32, i32) {
    %c0_i32 = arith.constant 0 : i32
    %c0_i32_0 = arith.constant 0 : i32
    return %arg0, %c0_i32 : i32, i32
  }
}

</mosaic_0001>

<sc_bundles>
// kernel: kernel.10.cloned.1.call-start
scs
__scs_entry_jumppad:
0x0: {  	(pc) =	sbr.rel $0x88, $3  }
0x1: {  	(tag) =	ssettag $0x0;
	lr =	simm.s32 $0x1  }
0x2: {  	[smem:$0x3F99] =	sst lr;
	_ =	strace $0xD0000000  }
0x3: {  	_ = 	snop  }
0x4: {  	_ = 	snop  }
0x5: {  	_ = 	snop  }
0x6: {  	_ = 	snop  }
0x7: {  	_ = 	snop  }
__scs_overlays_trampoline_lowered:
0x8: {  	[smem:$0x3FA8] =	sst s0  }
0x9: {  	[smem:$0x3FA9] =	sst s1  }
0xa: {  	[smem:$0x3FAA] =	sst s2  }
0xb: {  	[smem:$0x3FAB] =	sst s3  }
0xc: {  	[smem:$0x3FAC] =	sst s4  }
0xd: {  	[smem:$0x3FAD] =	sst s5  }
0xe: {  	[smem:$0x3FAE] =	sst s6  }
0xf: {  	[smem:$0x3FAF] =	sst s7  }
0x10: {  	[smem:$0x3FB0] =	sst s8  }
0x11: {  	[smem:$0x3FB1] =	sst s9;
	s0 =	simm.s32 @!p0 $0x0  }
0x12: {  	s1 =	sld [smem:$0x3F97];
	s0 =	simm.s32 @p0 $0x1  }
0x13: {  	[smem:$0x3FB2] =	sst s0;
	s0 =	simm.s32 @!p1 $0x0  }
0x14: {  	s2 =	sld [smem:$0x3F96];
	s0 =	simm.s32 @p1 $0x1  }
0x15: {  	[smem:$0x3FB3] =	sst s0;
	s0 =	simm.s32 @!p2 $0x0  }
0x16: {  	s3 =	sld [smem:$0x3FDB];
	s0 =	simm.s32 @p2 $0x1  }
0x17: {  	s4 =	simm.s32 $0x1BF5;
	[smem:$0x3FB5] =	sst s0  }
0x18: {  	s0 =	sld [smem:$0x3F98];
	_ =	swait.ge [sflag:s4], $0x0  }
0x19: {  	s7 =	sld [smem:$0x3F99]  }
0x1a: {  	s8 =	sadd.s32 $0xFFFFE003, lr  }
0x1b: {  	s9 =	sadd.s32 $0xFFFFFEF7, lr;
	s5 =	simm.s32 $0xFFFFFFFF;
	p2 =	slt.u32 s8, $0xFFFFF086  }
0x1c: {  	p1 =	slt.u32 s9, $0xF7A;
	s5 =	simm.s32 @!p2 $0x0  }
0x1d: {  	s5 =	simm.s32 @p1 $0x1;
	p0 =	seq.s32 s7, s2  }
0x1e: {  	s7 =	smul.u32 @!p0 $0xF7A, s2;
	p2 =	seq.s32 @!p0 s5, $0x0  }
0x1f: {  	s9 =	smul.u32 $0xF7A, s1;
	s8 =	simm.s32 @!p0 $0x1BF5;
	p2 =	por !p2, p0  }
0x20: {  	[sflag:s8] =	ssyncset.s32 @!p0 $0xFFFFF086;
	s6 =	sadd.s32 @!p0 s3, s7;
	s7 =	simm.s32 @!p0 $0x108  }
0x21: {  	s3 =	sadd.s32 s3, s9;
	s6 =	sadd.s32 @!p0 $0x88, s6;
	s7 =	simm.s32 @p2 $0x1082  }
0x22: {  	[simem:s7], [sflag:s8] =	dma.local @!p0 [hbm:s6], $0xF7A  }
0x23: {  	s9 =	sor.u32 $0xD0000000, s2;
	s6 =	simm.s32 $0x108;
	_ =	swait.ge @!p0 [sflag:s8], $0x0  }
0x24: {  	s3 =	sadd.s32 $0x88, s3;
	s6 =	simm.s32 @!p1 $0x1082;
	[sflag:s4] =	ssyncset.s32 $0xFFFFF086  }
0x25: {  	[simem:s6], [sflag:s4] =	dma.local [hbm:s3], $0xF7A  }
0x26: {  	[smem:$0x3F99] =	sst s1;
	(tag) =	ssettag s2;
	_ =	strace s9  }
0x27: {  	s1 =	sld [smem:$0x3FA9]  }
0x28: {  	s2 =	sld [smem:$0x3FAA]  }
0x29: {  	s4 =	sld [smem:$0x3FAC]  }
0x2a: {  	p0 =	seq.s32 s5, $0x0;
	s5 =	sld [smem:$0x3FAD]  }
0x2b: {  	s6 =	sld [smem:$0x3FAE]  }
0x2c: {  	s7 =	sld [smem:$0x3FAF]  }
0x2d: {  	s3 =	simm.s32 $0x108;
	s8 =	sld [smem:$0x3FB0]  }
0x2e: {  	s3 =	simm.s32 @!p0 $0x1082;
	s9 =	sld [smem:$0x3FB1]  }
0x2f: {  	lr =	sadd.s32 s0, s3;
	s0 =	sld [smem:$0x3FA8]  }
0x30: {  	s3 =	sld [smem:$0x3FAB]  }
0x31: {  	[smem:$0x3FB4] =	sst s10  }
0x32: {  	s10 =	sld [smem:$0x3FB2];
	_ =	sdelay $0x3  }
0x33: {  	p0 =	seq.s32 s10, $0x1;
	s10 =	sld [smem:$0x3FB4];
	_ =	sdelay $0x3  }
0x34: {  	[smem:$0x3FB4] =	sst s10  }
0x35: {  	s10 =	sld [smem:$0x3FB3];
	_ =	sdelay $0x3  }
0x36: {  	p1 =	seq.s32 s10, $0x1;
	s10 =	sld [smem:$0x3FB4];
	_ =	sdelay $0x3  }
0x37: {  	[smem:$0x3FB4] =	sst s10  }
0x38: {  	s10 =	sld [smem:$0x3FB5]  }
0x39: {  	_ = 	snop;
	(pc) =	sbr.ind lr, $3  }
0x3a: {  	_ = 	snop  }
0x3b: {  	_ = 	snop  }
0x3c: {  	p2 =	seq.s32 s10, $0x1;
	s10 =	sld [smem:$0x3FB4]  }
0x3d: {  	_ =	shalt  }
0x3e: {  	_ =	shalt  }
0x3f: {  	_ =	shalt  }
0x40: {  	_ =	shalt  }
0x41: {  	_ =	shalt  }
0x42: {  	_ =	shalt  }
0x43: {  	_ =	shalt  }
0x44: {  	_ =	shalt  }
0x45: {  	_ =	shalt  }
0x46: {  	_ =	shalt  }
0x47: {  	_ =	shalt  }
0x48: {  	_ =	shalt  }
0x49: {  	_ =	shalt  }
0x4a: {  	_ =	shalt  }
0x4b: {  	_ =	shalt  }
0x4c: {  	_ =	shalt  }
0x4d: {  	_ =	shalt  }
0x4e: {  	_ =	shalt  }
0x4f: {  	_ =	shalt  }
0x50: {  	_ =	shalt  }
0x51: {  	_ =	shalt  }
0x52: {  	_ =	shalt  }
0x53: {  	_ =	shalt  }
0x54: {  	_ =	shalt  }
0x55: {  	_ =	shalt  }
0x56: {  	_ =	shalt  }
0x57: {  	_ =	shalt  }
0x58: {  	_ =	shalt  }
0x59: {  	_ =	shalt  }
0x5a: {  	_ =	shalt  }
0x5b: {  	_ =	shalt  }
0x5c: {  	_ =	shalt  }
0x5d: {  	_ =	shalt  }
0x5e: {  	_ =	shalt  }
0x5f: {  	_ =	shalt  }
0x60: {  	_ =	shalt  }
0x61: {  	_ =	shalt  }
0x62: {  	_ =	shalt  }
0x63: {  	_ =	shalt  }
0x64: {  	_ =	shalt  }
0x65: {  	_ =	shalt  }
0x66: {  	_ =	shalt  }
0x67: {  	_ =	shalt  }
0x68: {  	_ =	shalt  }
0x69: {  	_ =	shalt  }
0x6a: {  	_ =	shalt  }
0x6b: {  	_ =	shalt  }
0x6c: {  	_ =	shalt  }
0x6d: {  	_ =	shalt  }
0x6e: {  	_ =	shalt  }
0x6f: {  	_ =	shalt  }
0x70: {  	_ =	shalt  }
0x71: {  	_ =	shalt  }
0x72: {  	_ =	shalt  }
0x73: {  	_ =	shalt  }
0x74: {  	_ =	shalt  }
0x75: {  	_ =	shalt  }
0x76: {  	_ =	shalt  }
0x77: {  	_ =	shalt  }
0x78: {  	_ =	shalt  }
0x79: {  	_ =	shalt  }
0x7a: {  	_ =	shalt  }
0x7b: {  	_ =	shalt  }
0x7c: {  	_ =	shalt  }
0x7d: {  	_ =	shalt  }
0x7e: {  	_ =	shalt  }
0x7f: {  	_ =	shalt  }
0x80: {  	_ =	shalt  }
0x81: {  	_ =	shalt  }
0x82: {  	_ =	shalt  }
0x83: {  	_ =	shalt  }
0x84: {  	_ =	shalt  }
0x85: {  	_ =	shalt  }
0x86: {  	_ =	shalt  }
0x87: {  	_ =	shalt  }
.Lfunc_end0:
.L_simem_size_0:
called_computation_lowered:
.L_overlay_start_0:
0x88: {  	s2 =	sld [smem:$0x3FD9]  }
0x89: {  	s3 =	sld [smem:$0x3FFE];
	_ =	sdelay $0x1  }
0x8a: {  	s1 =	srdreg.scid  }
0x8b: {  	s0 =	sand.u32 $0x1, s1  }
0x8c: {  	s17 =	sshll.u32 s0, $0xA;
	s2 =	sadd.s32 s3, s2  }
0x8d: {  	s2 =	sadd.s32 s2, s17  }
0x8e: {  	[smem:$0x3FC0] =	sst s2  }
0x8f: {  	_ = 	snop  }
0x90: {  	s2 =	sld [smem:$0x3FD0];
	(tm) =	ssettm $0x1  }
0x91: {  	s18 =	sld [smem:$0x3FFB];
	_ =	sdelay $0x3  }
0x92: {  	_ =	strace s18  }
0x93: {  	s3 =	sld [smem:$0x3FFC];
	_ =	sdelay $0x3  }
0x94: {  	_ =	strace s3  }
0x95: {  	s3 =	sld [smem:$0x3FFD];
	_ =	sdelay $0x3  }
0x96: {  	_ =	strace s3  }
0x97: {  	_ =	strace $0x8FFFFFFF  }
0x98: {  	s19 =	sld [smem:$0x3FDB];
	_ =	sdelay $0x1  }
0x99: {  	s4 =	simm.s32 $_scs_section_size  }
0x9a: {  	s5 =	simm.s32 $_size__tile_overlayer_lowered;
	s6 =	simm.s32 $_tile_overlayer_lowered  }
0x9b: {  	s22 =	simm.s32 $0x1BFF;
	s21 =	sshll.u32 s6, $0x1;
	s3 =	sadd.s32 s4, s19  }
0x9c: {  	s7 =	simm.s32 $0x0;
	s20 =	sshll.u32 s5, $0x1;
	s5 =	sadd.s32 s21, s3  }
0x9d: {  	[timem:s7], [sflag:s22] =	dma.local [hbm:s5], s20  }
0x9e: {  	_ =	swait.ge [sflag:s22], s20  }
0x9f: {  	s4 =	ssub.s32 $0x0, s20;
	[sflag:s22] =	ssyncset.done $0x0  }
0xa0: {  	[sflag:s22] =	ssyncadd.s32 s4;
	_ =	sdelay $0x1  }
0xa1: {  	s23 =	simm.s32 $0x1B8B  }
0xa2: {  	_ =	swait.ge [sflag:s23], $0x1  }
0xa3: {  	[sflag:s23] =	ssyncset.done $0x0  }
0xa4: {  	s25 =	simm.s32 $0x1B8E;
	s24 =	sld [smem:$0x3FFE];
	[sflag:s23] =	ssyncadd.s32 $0xFFFFFFFF  }
0xa5: {  	s26 =	simm.s32 $execute0_lowered;
	[smem:$0x3FD2] =	sst s25  }
0xa6: {  	s5 =	sshll.u32 s26, $0x1;
	_ =	strace $0x80000046;
	[dreg:$0x1] =	wrdreg $0xFFFFFFFF  }
0xa7: {  	s28 =	simm.s32 $_size_execute0_lowered;
	s3 =	sadd.s32 s3, s5;
	[dreg:$0x0] =	wrdreg $0x0  }
0xa8: {  	s5 =	sshll.u32 s28, $0x1;
	[dreg:$0x2] =	wrdreg s3  }
0xa9: {  	[dreg:$0x3] =	wrdreg s5  }
0xaa: {  	[dreg:$0x4] =	wrdreg $0xC0  }
0xab: {  	_ =	task [dreg:s7], $0x5FFFF  }
0xac: {  	[dreg:$0x1] =	wrdreg $0xFFFFFFFF  }
0xad: {  	[dreg:$0x0] =	wrdreg $0x60  }
0xae: {  	[dreg:$0x2] =	wrdreg s2  }
0xaf: {  	[dreg:$0x3] =	wrdreg s24  }
0xb0: {  	[dreg:$0x4] =	wrdreg $0x90000  }
0xb1: {  	[dreg:$0x5] =	wrdreg $0x9  }
0xb2: {  	_ =	task.clear_ibuf [dreg:s7], $0x6FFFF;
	_ =	strace $0x90000046  }
0xb3: {  	s29 =	simm.s32 $0x9;
	_ =	strace $0x80000048  }
0xb4: {  	_ =	swait.ge [sflag:s29], $0x1  }
0xb5: {  	[sflag:s29] =	ssyncadd.s32 $0xFFFFFFFF  }
0xb6: {  	_ =	strace $0x90000048  }
0xb7: {  	_ =	sfence  }
0xb8: {  	s30 =	sld [smem:$0x0];
	_ =	sdelay $0x2  }
0xb9: {  	s31 =	sshll.u32 s1, $0xD;
	s1 =	sshrl.u32 s1, $0x2  }
0xba: {  	s3 =	sand.u32 $0x4000, s31;
	s1 =	sadd.s32 s1, s30  }
0xbb: {  	s0 =	sor.u32 s3, s0;
	s1 =	sshll.u32 s1, $0x11  }
0xbc: {  	s0 =	sor.u32 s1, s0  }
0xbd: {  	s0 =	sadd.s32 $0x8F2B, s0  }
0xbe: {  	[sflag:s0] =	ssyncadd.remote.s32 $0x1  }
0xbf: {  	_ =	sfence.sel $0xFFFF  }
0xc0: {  	[dreg:$0x0] =	wrdreg $0xFFFFFFFF;
	(pc) =	sbr.abs _section_cstart, $3  }
0xc1: {  	[dreg:$0x1] =	wrdreg $0xFFFFFFFF  }
0xc2: {  	_ =	task.clear_ibuf [dreg:s7], $0x2FFFF;
	_ =	strace $0x9FFFFFFF  }
0xc3: {  	(tm) =	ssettm $0x7FFFFFFF  }
tec
execute0_lowered:
.L_overlay_start_1:
0x0: {  	(tag) =	ssettag $0x1  }
0x1: {  	s5 =	rddreg [dreg:$0x0]  }
0x2: {  	s1 =	srdreg.scid;
	s0 =	stileid.u32  }
0x3: {  	s4 =	rddreg [dreg:$0x1];
	s7 =	smul.u32 $0x50000, s0  }
0x4: {  	s2 =	rddreg [dreg:$0x2];
	s3 =	simm.s32 $0x0;
	s9 =	smul.u32 $0xA00, s0  }
0x5: {  	s6 =	sand.u32 $0x1, s1;
	s1 =	rddreg [dreg:$0x3];
	s15 =	smul.u32 $0x14000, s0  }
0x6: {  	[smem:$0x7FF] =	sst s3;
	s8 =	smul.u32 $0xA000, s6  }
0x7: {  	s16 =	sadd.s32 $0x16A00, s4;
	s10 =	ssub.s32 $0x2, s6;
	s14 =	smul.u32 $0x140000, s6  }
0x8: {  	_ =	strace $0x80000047;
	s21 =	sshrl.u32 s10, $0x1;
	s22 =	sshrl.u32 s7, $0x2  }
0x9: {  	s13 =	sadd.s32 $0x4000, s15;
	s17 =	sadd.s32 $0x8000, s15;
	s28 =	sadd.s32 $0xC000, s15  }
0xa: {  	s10 =	ssub.s32 s10, s21;
	s23 =	sadd.s32 s9, s8;
	s24 =	sadd.s32 s14, s15  }
0xb: {  	s4 =	sadd.s32 s22, s2;
	s11 =	sadd.s32 s14, s13;
	s18 =	sadd.s32 s14, s17  }
0xc: {  	s19 =	sadd.s32 s13, s2;
	s20 =	sadd.s32 s14, s28;
	s21 =	sadd.s32 $0x10000, s15  }
0xd: {  	s22 =	sadd.s32 s17, s2;
	s17 =	simm.s32 $0x1;
	s5 =	sadd.s32 s5, s23  }
0xe: {  	s25 =	sshrl.u32 s24, $0x3;
	s7 =	smax.u32 s10, $0x1;
	s8 =	sadd.s32 $0x4000, s4  }
0xf: {  	s9 =	sadd.s32 $0x8000, s4;
	s10 =	sadd.s32 $0xC000, s4;
	s12 =	sshrl.u32 s11, $0x3  }
0x10: {  	s11 =	sadd.s32 $0x10000, s4;
	s26 =	sshrl.u32 s18, $0x3;
	s29 =	sshrl.u32 s20, $0x3  }
0x11: {  	s30 =	sadd.s32 s14, s21;
	s23 =	sadd.s32 s28, s2;
	s24 =	sadd.s32 s21, s2  }
0x12: {  	s18 =	simm.s32 $0x80;
	s19 =	sshrl.u32 s19, $0x3;
	s20 =	sshrl.u32 s22, $0x3  }
0x13: {  	s6 =	sadd.s32 s16, s25;
	s12 =	sadd.s32 s16, s12;
	s13 =	sadd.s32 s16, s26  }
0x14: {  	s14 =	sadd.s32 s16, s29;
	s31 =	sshrl.u32 s30, $0x3;
	s21 =	sshrl.u32 s23, $0x3  }
0x15: {  	v0 =	vimm.f32 $0.0e+00;
	v1 =	vimm.f32 $1.000000000e+00;
	s22 =	sshrl.u32 s24, $0x3;
	s15 =	sadd.s32 s16, s31;
	s16 =	simm.s32 $0x5000  }
.LBB2_1:
0x16: {  	s23 =	simm.s32 $0x0;
	s24 =	simm.s32 $0x200  }
.LBB2_2:
0x17: {  	p0 =	sne.s32 s24, $0xFE00;
	[tilespmem:s23+$0x5070] =	vst v0  }
0x18: {  	[tilespmem:s23+$0x5000] =	vst v0  }
0x19: {  	[tilespmem:s23+$0x5010] =	vst v0  }
.Ltmp0:
0x1a: {  	[tilespmem:s23+$0x5020] =	vst v0;
	(pc) =	sbr.rel @p0 .LBB2_2-.Ltmp0, $4  }
0x1b: {  	[tilespmem:s23+$0x5030] =	vst v0  }
0x1c: {  	[tilespmem:s23+$0x5040] =	vst v0  }
0x1d: {  	[tilespmem:s23+$0x5050] =	vst v0  }
0x1e: {  	[tilespmem:s23+$0x5060] =	vst v0;
	s23 =	sshra.s32 s24, $0x2;
	s24 =	sadd.s32 $0x200, s24  }
0x1f: {  	[tilespmem:s23+$0x5070] =	vst v0  }
0x20: {  	[tilespmem:s23+$0x5000] =	vst v0  }
0x21: {  	[tilespmem:s23+$0x5010] =	vst v0  }
0x22: {  	[tilespmem:s23+$0x5020] =	vst v0  }
0x23: {  	[tilespmem:s23+$0x5030] =	vst v0  }
0x24: {  	[tilespmem:s23+$0x5040] =	vst v0  }
0x25: {  	[tilespmem:s23+$0x5050] =	vst v0  }
0x26: {  	[tilespmem:s23+$0x5060] =	vst v0  }
0x27: {  	[spmem:s4] =	stream.linear.scatter [tilespmem:s16], [sflag:$0x1], $0x4000, $0x38;
	[tilespmem:$0x1D000] =	vst v63  }
0x28: {  	_ =	swait.ge [sflag:s17], $0x4000  }
0x29: {  	[sflag:s17] =	ssyncset.done $0x0  }
0x2a: {  	[sflag:s17] =	ssyncadd.s32 $0xFFFFC000  }
0x2b: {  	[spmem:s8] =	stream.linear.scatter [tilespmem:s16], [sflag:$0x1], $0x4000, $0x38;
	[tilespmem:$0x1D000] =	vst v63  }
0x2c: {  	_ =	swait.ge [sflag:s17], $0x4000  }
0x2d: {  	[sflag:s17] =	ssyncset.done $0x0  }
0x2e: {  	[sflag:s17] =	ssyncadd.s32 $0xFFFFC000  }
0x2f: {  	[spmem:s9] =	stream.linear.scatter [tilespmem:s16], [sflag:$0x1], $0x4000, $0x38;
	[tilespmem:$0x1D000] =	vst v63  }
0x30: {  	_ =	swait.ge [sflag:s17], $0x4000  }
0x31: {  	[sflag:s17] =	ssyncset.done $0x0  }
0x32: {  	[sflag:s17] =	ssyncadd.s32 $0xFFFFC000  }
0x33: {  	[spmem:s10] =	stream.linear.scatter [tilespmem:s16], [sflag:$0x1], $0x4000, $0x38;
	[tilespmem:$0x1D000] =	vst v63  }
0x34: {  	_ =	swait.ge [sflag:s17], $0x4000  }
0x35: {  	[sflag:s17] =	ssyncset.done $0x0  }
0x36: {  	[sflag:s17] =	ssyncadd.s32 $0xFFFFC000  }
0x37: {  	[spmem:s11] =	stream.linear.scatter [tilespmem:s16], [sflag:$0x1], $0x4000, $0x38;
	[tilespmem:$0x1D000] =	vst v63  }
0x38: {  	_ =	swait.ge [sflag:s17], $0x4000  }
0x39: {  	[sflag:s17] =	ssyncset.done $0x0  }
0x3a: {  	s23 =	simm.s32 $0x0;
	s24 =	simm.s32 $0x200;
	[sflag:s17] =	ssyncadd.s32 $0xFFFFC000  }
.LBB2_4:
0x3b: {  	p0 =	sne.s32 s24, $0xFE00;
	[tilespmem:s23+$0x5070] =	vst v1  }
0x3c: {  	[tilespmem:s23+$0x5000] =	vst v1  }
0x3d: {  	[tilespmem:s23+$0x5010] =	vst v1  }
.Ltmp1:
0x3e: {  	[tilespmem:s23+$0x5020] =	vst v1;
	(pc) =	sbr.rel @p0 .LBB2_4-.Ltmp1, $4  }
0x3f: {  	[tilespmem:s23+$0x5030] =	vst v1  }
0x40: {  	[tilespmem:s23+$0x5040] =	vst v1  }
0x41: {  	[tilespmem:s23+$0x5050] =	vst v1  }
0x42: {  	[tilespmem:s23+$0x5060] =	vst v1;
	s23 =	sshra.s32 s24, $0x2;
	s24 =	sadd.s32 $0x200, s24  }
0x43: {  	[tilespmem:s23+$0x5070] =	vst v1  }
0x44: {  	[tilespmem:s23+$0x5000] =	vst v1  }
0x45: {  	[tilespmem:s23+$0x5010] =	vst v1  }
0x46: {  	[tilespmem:s23+$0x5020] =	vst v1  }
0x47: {  	[tilespmem:s23+$0x5030] =	vst v1  }
0x48: {  	[tilespmem:s23+$0x5040] =	vst v1  }
0x49: {  	[tilespmem:s23+$0x5050] =	vst v1  }
0x4a: {  	[tilespmem:s23+$0x5060] =	vst v1;
	s30 =	simm.s32 $0x0  }
0x4b: {  	[tilespmem:s30], [sflag:$0x1] =	stream.linear.gather [hbm4b:s5+s30], $0x5000, $0x38;
	[tilespmem:$0x1D000] =	vst v63  }
0x4c: {  	_ =	swait.ge [sflag:s17], $0x5000  }
0x4d: {  	[sflag:s17] =	ssyncset.done $0x0  }
0x4e: {  	[sflag:s17] =	ssyncadd.s32 $0xFFFFB000  }
0x4f: {  	s31 =	simm.s32 $0x0;
	[bflag:$0x0] =	sbarrier.arrive $0xFFFF  }
0x50: {  	[spmem:s2] =	stream.indirect.scatter.add.f32 [tilespmem:s16], [sflag:$0x1], $0x80, s31, s18, $0xb8;
	[tilespmem:$0x1D000] =	vst v63  }
0x51: {  	_ =	swait.ge [sflag:s17], $0x4000  }
0x52: {  	s23 =	simm.s32 $0x200;
	[sflag:s17] =	ssyncset.done $0x0  }
.LBB2_6:
0x53: {  	s24 =	sshra.s32 s23, $0x2;
	[sflag:s17] =	ssyncadd.s32 $0xFFFFC000;
	p0 =	sne.s32 s23, $0x13E00  }
0x54: {  	[spmem:s2] =	stream.indirect.scatter.add.f32 [tilespmem:s16], [sflag:$0x1], $0x80, s24, s18, $0xb8;
	[tilespmem:$0x1D000] =	vst v63  }
.Ltmp2:
0x55: {  	_ = 	snop;
	(pc) =	sbr.rel @p0 .LBB2_6-.Ltmp2, $4  }
0x56: {  	_ = 	snop  }
0x57: {  	s23 =	sadd.s32 $0x200, s23  }
0x58: {  	_ =	swait.ge [sflag:s17], $0x4000  }
0x59: {  	[sflag:s17] =	ssyncset.done $0x0  }
0x5a: {  	[sflag:s17] =	ssyncadd.s32 $0xFFFFC000;
	s23 =	sshll.u32 s0, $0x6  }
0x5b: {  	s24 =	sshrl.u32 s4, $0x3;
	[bflag:$0x0] =	sbarrier.arrive $0xFFFF;
	s23 =	sor.u32 $0x1C01, s23  }
0x5c: {  	[hbm:s6], [sflag:s23] =	dma.local [spmem:s24], $0x800  }
0x5d: {  	_ =	swait.ge [sflag:s17], $0x800  }
0x5e: {  	[sflag:s17] =	ssyncset.done $0x0  }
0x5f: {  	[sflag:s17] =	ssyncadd.s32 $0xFFFFF800  }
0x60: {  	[hbm:s12], [sflag:s23] =	dma.local [spmem:s19], $0x800  }
0x61: {  	_ =	swait.ge [sflag:s17], $0x800  }
0x62: {  	[sflag:s17] =	ssyncset.done $0x0  }
0x63: {  	[sflag:s17] =	ssyncadd.s32 $0xFFFFF800  }
0x64: {  	[hbm:s13], [sflag:s23] =	dma.local [spmem:s20], $0x800  }
0x65: {  	_ =	swait.ge [sflag:s17], $0x800  }
0x66: {  	[sflag:s17] =	ssyncset.done $0x0  }
0x67: {  	[sflag:s17] =	ssyncadd.s32 $0xFFFFF800  }
0x68: {  	[hbm:s14], [sflag:s23] =	dma.local [spmem:s21], $0x800  }
0x69: {  	s3 =	sadd.s32 $0x1, s3;
	_ =	swait.ge [sflag:s17], $0x800  }
0x6a: {  	p0 =	sne.s32 s3, s7;
	[sflag:s17] =	ssyncset.done $0x0  }
.Ltmp3:
0x6b: {  	[sflag:s17] =	ssyncadd.s32 $0xFFFFF800;
	(pc) =	sbr.rel @p0 .LBB2_1-.Ltmp3, $4  }
0x6c: {  	[hbm:s15], [sflag:s23] =	dma.local [spmem:s22], $0x800  }
0x6d: {  	_ =	swait.ge [sflag:s17], $0x800  }
0x6e: {  	[sflag:s17] =	ssyncset.done $0x0  }
0x6f: {  	[sflag:s17] =	ssyncadd.s32 $0xFFFFF800  }
0x70: {  	_ =	sfence.sel $0x180000  }
0x71: {  	[bflag:$0x0] =	sbarrier.arrive $0xFFFF  }
0x72: {  	p0 =	sne.s32 s0, $0x0;
	_ =	strace $0x90000047  }
0x73: {  	s0 =	sadd.s32 @!p0 $0x100000, s1;
	[bflag:$0x2] =	sbarrier.arrive $0xFFFF  }
0x74: {  	[sflag:s0] =	ssyncadd.tile.s32 @!p0 $0x1;
	_ =	shalt  }
.Lfunc_end2:
_tile_overlayer_lowered:
.L_overlay_start_2:
0x75: {  	(tag) =	ssettag $0x2  }
0x76: {  	s0 =	rddreg [dreg:$0x0];
	s2 =	stileid.u32  }
0x77: {  	s1 =	rddreg [dreg:$0x1];
	p0 =	sne.s32 s2, $0x0  }
0x78: {  	s3 =	rddreg [dreg:$0x2];
	[bflag:$0x3] =	sbarrier.arrive $0xFFFF;
	s2 =	simm.s32 @!p0 $0x1C01  }
0x79: {  	[timem:s3], [sflag:s2] =	dma.local @!p0 [hbm:s0], s1  }
0x7a: {  	s0 =	simm.s32 @!p0 $0x1  }
0x7b: {  	_ =	swait.ge @!p0 [sflag:s0], s1  }
0x7c: {  	s1 =	ssub.s32 @!p0 $0x0, s1;
	[sflag:s0] =	ssyncset.done @!p0 $0x0  }
0x7d: {  	[sflag:s0] =	ssyncadd.s32 @!p0 s1  }
0x7e: {  	[bflag:$0x3] =	sbarrier.arrive $0xFFFF  }
0x7f: {  	_ =	shalt  }

// kernel: kernel.13.cloned.1.call-start
scs
__scs_entry_jumppad:
0x0: {  	(pc) =	sbr.rel $0x88, $3  }
0x1: {  	(tag) =	ssettag $0x0;
	lr =	simm.s32 $0x1  }
0x2: {  	[smem:$0x3F99] =	sst lr;
	_ =	strace $0xD0000000  }
0x3: {  	_ = 	snop  }
0x4: {  	_ = 	snop  }
0x5: {  	_ = 	snop  }
0x6: {  	_ = 	snop  }
0x7: {  	_ = 	snop  }
__scs_overlays_trampoline_lowered:
0x8: {  	[smem:$0x3FA8] =	sst s0  }
0x9: {  	[smem:$0x3FA9] =	sst s1  }
0xa: {  	[smem:$0x3FAA] =	sst s2  }
0xb: {  	[smem:$0x3FAB] =	sst s3  }
0xc: {  	[smem:$0x3FAC] =	sst s4  }
0xd: {  	[smem:$0x3FAD] =	sst s5  }
0xe: {  	[smem:$0x3FAE] =	sst s6  }
0xf: {  	[smem:$0x3FAF] =	sst s7  }
0x10: {  	[smem:$0x3FB0] =	sst s8  }
0x11: {  	[smem:$0x3FB1] =	sst s9;
	s0 =	simm.s32 @!p0 $0x0  }
0x12: {  	s1 =	sld [smem:$0x3F97];
	s0 =	simm.s32 @p0 $0x1  }
0x13: {  	[smem:$0x3FB2] =	sst s0;
	s0 =	simm.s32 @!p1 $0x0  }
0x14: {  	s2 =	sld [smem:$0x3F96];
	s0 =	simm.s32 @p1 $0x1  }
0x15: {  	[smem:$0x3FB3] =	sst s0;
	s0 =	simm.s32 @!p2 $0x0  }
0x16: {  	s3 =	sld [smem:$0x3FDB];
	s0 =	simm.s32 @p2 $0x1  }
0x17: {  	s4 =	simm.s32 $0x1BF5;
	[smem:$0x3FB5] =	sst s0  }
0x18: {  	s0 =	sld [smem:$0x3F98];
	_ =	swait.ge [sflag:s4], $0x0  }
0x19: {  	s7 =	sld [smem:$0x3F99]  }
0x1a: {  	s8 =	sadd.s32 $0xFFFFE003, lr  }
0x1b: {  	s9 =	sadd.s32 $0xFFFFFEF7, lr;
	s5 =	simm.s32 $0xFFFFFFFF;
	p2 =	slt.u32 s8, $0xFFFFF086  }
0x1c: {  	p1 =	slt.u32 s9, $0xF7A;
	s5 =	simm.s32 @!p2 $0x0  }
0x1d: {  	s5 =	simm.s32 @p1 $0x1;
	p0 =	seq.s32 s7, s2  }
0x1e: {  	s7 =	smul.u32 @!p0 $0xF7A, s2;
	p2 =	seq.s32 @!p0 s5, $0x0  }
0x1f: {  	s9 =	smul.u32 $0xF7A, s1;
	s8 =	simm.s32 @!p0 $0x1BF5;
	p2 =	por !p2, p0  }
0x20: {  	[sflag:s8] =	ssyncset.s32 @!p0 $0xFFFFF086;
	s6 =	sadd.s32 @!p0 s3, s7;
	s7 =	simm.s32 @!p0 $0x108  }
0x21: {  	s3 =	sadd.s32 s3, s9;
	s6 =	sadd.s32 @!p0 $0x88, s6;
	s7 =	simm.s32 @p2 $0x1082  }
0x22: {  	[simem:s7], [sflag:s8] =	dma.local @!p0 [hbm:s6], $0xF7A  }
0x23: {  	s9 =	sor.u32 $0xD0000000, s2;
	s6 =	simm.s32 $0x108;
	_ =	swait.ge @!p0 [sflag:s8], $0x0  }
0x24: {  	s3 =	sadd.s32 $0x88, s3;
	s6 =	simm.s32 @!p1 $0x1082;
	[sflag:s4] =	ssyncset.s32 $0xFFFFF086  }
0x25: {  	[simem:s6], [sflag:s4] =	dma.local [hbm:s3], $0xF7A  }
0x26: {  	[smem:$0x3F99] =	sst s1;
	(tag) =	ssettag s2;
	_ =	strace s9  }
0x27: {  	s1 =	sld [smem:$0x3FA9]  }
0x28: {  	s2 =	sld [smem:$0x3FAA]  }
0x29: {  	s4 =	sld [smem:$0x3FAC]  }
0x2a: {  	p0 =	seq.s32 s5, $0x0;
	s5 =	sld [smem:$0x3FAD]  }
0x2b: {  	s6 =	sld [smem:$0x3FAE]  }
0x2c: {  	s7 =	sld [smem:$0x3FAF]  }
0x2d: {  	s3 =	simm.s32 $0x108;
	s8 =	sld [smem:$0x3FB0]  }
0x2e: {  	s3 =	simm.s32 @!p0 $0x1082;
	s9 =	sld [smem:$0x3FB1]  }
0x2f: {  	lr =	sadd.s32 s0, s3;
	s0 =	sld [smem:$0x3FA8]  }
0x30: {  	s3 =	sld [smem:$0x3FAB]  }
0x31: {  	[smem:$0x3FB4] =	sst s10  }
0x32: {  	s10 =	sld [smem:$0x3FB2];
	_ =	sdelay $0x3  }
0x33: {  	p0 =	seq.s32 s10, $0x1;
	s10 =	sld [smem:$0x3FB4];
	_ =	sdelay $0x3  }
0x34: {  	[smem:$0x3FB4] =	sst s10  }
0x35: {  	s10 =	sld [smem:$0x3FB3];
	_ =	sdelay $0x3  }
0x36: {  	p1 =	seq.s32 s10, $0x1;
	s10 =	sld [smem:$0x3FB4];
	_ =	sdelay $0x3  }
0x37: {  	[smem:$0x3FB4] =	sst s10  }
0x38: {  	s10 =	sld [smem:$0x3FB5]  }
0x39: {  	_ = 	snop;
	(pc) =	sbr.ind lr, $3  }
0x3a: {  	_ = 	snop  }
0x3b: {  	_ = 	snop  }
0x3c: {  	p2 =	seq.s32 s10, $0x1;
	s10 =	sld [smem:$0x3FB4]  }
0x3d: {  	_ =	shalt  }
0x3e: {  	_ =	shalt  }
0x3f: {  	_ =	shalt  }
0x40: {  	_ =	shalt  }
0x41: {  	_ =	shalt  }
0x42: {  	_ =	shalt  }
0x43: {  	_ =	shalt  }
0x44: {  	_ =	shalt  }
0x45: {  	_ =	shalt  }
0x46: {  	_ =	shalt  }
0x47: {  	_ =	shalt  }
0x48: {  	_ =	shalt  }
0x49: {  	_ =	shalt  }
0x4a: {  	_ =	shalt  }
0x4b: {  	_ =	shalt  }
0x4c: {  	_ =	shalt  }
0x4d: {  	_ =	shalt  }
0x4e: {  	_ =	shalt  }
0x4f: {  	_ =	shalt  }
0x50: {  	_ =	shalt  }
0x51: {  	_ =	shalt  }
0x52: {  	_ =	shalt  }
0x53: {  	_ =	shalt  }
0x54: {  	_ =	shalt  }
0x55: {  	_ =	shalt  }
0x56: {  	_ =	shalt  }
0x57: {  	_ =	shalt  }
0x58: {  	_ =	shalt  }
0x59: {  	_ =	shalt  }
0x5a: {  	_ =	shalt  }
0x5b: {  	_ =	shalt  }
0x5c: {  	_ =	shalt  }
0x5d: {  	_ =	shalt  }
0x5e: {  	_ =	shalt  }
0x5f: {  	_ =	shalt  }
0x60: {  	_ =	shalt  }
0x61: {  	_ =	shalt  }
0x62: {  	_ =	shalt  }
0x63: {  	_ =	shalt  }
0x64: {  	_ =	shalt  }
0x65: {  	_ =	shalt  }
0x66: {  	_ =	shalt  }
0x67: {  	_ =	shalt  }
0x68: {  	_ =	shalt  }
0x69: {  	_ =	shalt  }
0x6a: {  	_ =	shalt  }
0x6b: {  	_ =	shalt  }
0x6c: {  	_ =	shalt  }
0x6d: {  	_ =	shalt  }
0x6e: {  	_ =	shalt  }
0x6f: {  	_ =	shalt  }
0x70: {  	_ =	shalt  }
0x71: {  	_ =	shalt  }
0x72: {  	_ =	shalt  }
0x73: {  	_ =	shalt  }
0x74: {  	_ =	shalt  }
0x75: {  	_ =	shalt  }
0x76: {  	_ =	shalt  }
0x77: {  	_ =	shalt  }
0x78: {  	_ =	shalt  }
0x79: {  	_ =	shalt  }
0x7a: {  	_ =	shalt  }
0x7b: {  	_ =	shalt  }
0x7c: {  	_ =	shalt  }
0x7d: {  	_ =	shalt  }
0x7e: {  	_ =	shalt  }
0x7f: {  	_ =	shalt  }
0x80: {  	_ =	shalt  }
0x81: {  	_ =	shalt  }
0x82: {  	_ =	shalt  }
0x83: {  	_ =	shalt  }
0x84: {  	_ =	shalt  }
0x85: {  	_ =	shalt  }
0x86: {  	_ =	shalt  }
0x87: {  	_ =	shalt  }
.Lfunc_end0:
.L_simem_size_0:
called_computation.1_lowered:
.L_overlay_start_0:
0x88: {  	s2 =	sld [smem:$0x3FD9]  }
0x89: {  	s3 =	sld [smem:$0x3FFE];
	_ =	sdelay $0x1  }
0x8a: {  	s1 =	srdreg.scid  }
0x8b: {  	s0 =	sand.u32 $0x1, s1  }
0x8c: {  	s16 =	sshll.u32 s0, $0xA;
	s2 =	sadd.s32 s3, s2  }
0x8d: {  	s2 =	sadd.s32 s2, s16  }
0x8e: {  	[smem:$0x3FC0] =	sst s2  }
0x8f: {  	_ = 	snop  }
0x90: {  	(tm) =	ssettm $0x1  }
0x91: {  	s17 =	sld [smem:$0x3FFB];
	_ =	sdelay $0x3  }
0x92: {  	_ =	strace s17  }
0x93: {  	s2 =	sld [smem:$0x3FFC];
	_ =	sdelay $0x3  }
0x94: {  	_ =	strace s2  }
0x95: {  	s2 =	sld [smem:$0x3FFD];
	_ =	sdelay $0x3  }
0x96: {  	_ =	strace s2  }
0x97: {  	_ =	strace $0x8FFFFFFF  }
0x98: {  	s18 =	sld [smem:$0x3FDB];
	_ =	sdelay $0x1  }
0x99: {  	s19 =	simm.s32 $_scs_section_size  }
0x9a: {  	s4 =	simm.s32 $_size__tile_overlayer_lowered;
	s5 =	simm.s32 $_tile_overlayer_lowered  }
0x9b: {  	s22 =	simm.s32 $0x1BFF;
	s21 =	sshll.u32 s5, $0x1;
	s2 =	sadd.s32 s19, s18  }
0x9c: {  	s6 =	simm.s32 $0x0;
	s20 =	sshll.u32 s4, $0x1;
	s4 =	sadd.s32 s21, s2  }
0x9d: {  	[timem:s6], [sflag:s22] =	dma.local [hbm:s4], s20  }
0x9e: {  	_ =	swait.ge [sflag:s22], s20  }
0x9f: {  	s3 =	ssub.s32 $0x0, s20;
	[sflag:s22] =	ssyncset.done $0x0  }
0xa0: {  	[sflag:s22] =	ssyncadd.s32 s3;
	_ =	sdelay $0x1  }
0xa1: {  	s23 =	simm.s32 $0x1B8B  }
0xa2: {  	_ =	swait.ge [sflag:s23], $0x1  }
0xa3: {  	[sflag:s23] =	ssyncset.done $0x0  }
0xa4: {  	s25 =	simm.s32 $0x1B8E;
	s24 =	sld [smem:$0x3FFE];
	[sflag:s23] =	ssyncadd.s32 $0xFFFFFFFF  }
0xa5: {  	s26 =	simm.s32 $execute0_lowered;
	[smem:$0x3FD2] =	sst s25  }
0xa6: {  	s4 =	sshll.u32 s26, $0x1;
	_ =	strace $0x80000049;
	[dreg:$0x1] =	wrdreg $0xFFFFFFFF  }
0xa7: {  	s28 =	simm.s32 $_size_execute0_lowered;
	s2 =	sadd.s32 s2, s4;
	[dreg:$0x0] =	wrdreg $0x0  }
0xa8: {  	s4 =	sshll.u32 s28, $0x1;
	[dreg:$0x2] =	wrdreg s2  }
0xa9: {  	[dreg:$0x3] =	wrdreg s4  }
0xaa: {  	[dreg:$0x4] =	wrdreg $0xC0  }
0xab: {  	_ =	task [dreg:s6], $0x5FFFF  }
0xac: {  	[dreg:$0x1] =	wrdreg $0xFFFFFFFF  }
0xad: {  	[dreg:$0x0] =	wrdreg $0x60  }
0xae: {  	[dreg:$0x2] =	wrdreg s24  }
0xaf: {  	[dreg:$0x3] =	wrdreg $0xA0000  }
0xb0: {  	[dreg:$0x4] =	wrdreg $0x9  }
0xb1: {  	_ =	task.clear_ibuf [dreg:s6], $0x5FFFF;
	_ =	strace $0x90000049  }
0xb2: {  	s29 =	simm.s32 $0x9;
	_ =	strace $0x8000004B  }
0xb3: {  	_ =	swait.ge [sflag:s29], $0x1  }
0xb4: {  	[sflag:s29] =	ssyncadd.s32 $0xFFFFFFFF  }
0xb5: {  	_ =	strace $0x9000004B  }
0xb6: {  	_ =	sfence  }
0xb7: {  	s30 =	sld [smem:$0x0];
	_ =	sdelay $0x2  }
0xb8: {  	s31 =	sshll.u32 s1, $0xD;
	s1 =	sshrl.u32 s1, $0x2  }
0xb9: {  	s3 =	sand.u32 $0x4000, s31;
	s1 =	sadd.s32 s1, s30  }
0xba: {  	s0 =	sor.u32 s3, s0;
	s1 =	sshll.u32 s1, $0x11  }
0xbb: {  	s0 =	sor.u32 s1, s0  }
0xbc: {  	s0 =	sadd.s32 $0x8F2B, s0  }
0xbd: {  	[sflag:s0] =	ssyncadd.remote.s32 $0x1  }
0xbe: {  	_ =	sfence.sel $0xFFFF  }
0xbf: {  	[dreg:$0x0] =	wrdreg $0xFFFFFFFF;
	(pc) =	sbr.abs _section_cstart, $3  }
0xc0: {  	[dreg:$0x1] =	wrdreg $0xFFFFFFFF  }
0xc1: {  	_ =	task.clear_ibuf [dreg:s6], $0x2FFFF;
	_ =	strace $0x9FFFFFFF  }
0xc2: {  	(tm) =	ssettm $0x7FFFFFFF  }
0xc3: {  	_ =	shalt  }
tec
execute0_lowered:
.L_overlay_start_1:
0x0: {  	(tag) =	ssettag $0x1  }
0x1: {  	s0 =	rddreg [dreg:$0x0]  }
0x2: {  	s1 =	rddreg [dreg:$0x1];
	s2 =	simm.s32 $0x0  }
0x3: {  	s3 =	srdreg.scid;
	s12 =	stileid.u32;
	s28 =	simm.s32 $0x6000  }
0x4: {  	s29 =	simm.s32 $0x1;
	s30 =	simm.s32 $0x2;
	s31 =	simm.s32 $0x3  }
0x5: {  	[smem:$0x7FF] =	sst s2;
	s4 =	sadd.s32 $0x16A00, s0;
	s3 =	sand.u32 $0x1, s3  }
0x6: {  	s5 =	sadd.s32 $0x2A00, s0;
	s8 =	smul.u32 $0x50000, s12;
	s6 =	sadd.s32 $0xCA00, s0  }
0x7: {  	s0 =	sadd.s32 $0x3EA00, s0;
	s11 =	smul.u32 $0x14000, s12;
	s15 =	sshll.u32 s12, $0xC  }
0x8: {  	s12 =	sshll.u32 s12, $0xE;
	_ =	strace $0x8000004A;
	s7 =	ssub.s32 $0x2, s3  }
0x9: {  	s10 =	smul.u32 $0x140000, s3;
	p0 =	seq.s32 s3, $0x0;
	s9 =	sshrl.u32 s7, $0x1  }
0xa: {  	s8 =	sshrl.u32 s8, $0x2;
	s17 =	sadd.s32 $0x4000, s11;
	s22 =	sadd.s32 $0x8000, s11  }
0xb: {  	s9 =	ssub.s32 s7, s9;
	s7 =	sor.u32 $0x40000, s15;
	s13 =	sadd.s32 s10, s11  }
0xc: {  	s8 =	sadd.s32 s8, s1;
	s20 =	sadd.s32 s10, s17;
	s23 =	sadd.s32 s10, s22  }
0xd: {  	s7 =	smov.u32 @p0 s12;
	s16 =	sshrl.u32 s13, $0x3;
	s9 =	smax.u32 s9, $0x1  }
0xe: {  	s18 =	sadd.s32 $0x4000, s8;
	s19 =	sadd.s32 $0x8000, s8;
	[dreg:$0x4] =	wrdreg s9  }
0xf: {  	s21 =	sadd.s32 $0xC000, s8;
	s14 =	sadd.s32 $0x10000, s8;
	[dreg:$0x5] =	wrdreg s18  }
0x10: {  	s13 =	sadd.s32 s22, s1;
	p0 =	sne.s32 s3, $0x0;
	[dreg:$0x6] =	wrdreg s19  }
0x11: {  	s3 =	simm.s32 $0x1F00;
	s12 =	sadd.s32 s0, s16;
	[dreg:$0x7] =	wrdreg s21  }
0x12: {  	[dreg:$0x8] =	wrdreg s14;
	s9 =	sadd.s32 s17, s1;
	s18 =	sadd.s32 $0xC000, s11  }
0x13: {  	s11 =	sadd.s32 $0x10000, s11;
	s19 =	simm.s32 $0x2000;
	s21 =	simm.s32 $0x1000  }
0x14: {  	[dreg:$0x3] =	wrdreg s12;
	s12 =	sshrl.u32 s20, $0x3;
	s24 =	sadd.s32 s10, s18  }
0x15: {  	s10 =	sadd.s32 s10, s11;
	s25 =	sadd.s32 s18, s1;
	s26 =	sadd.s32 s11, s1  }
0x16: {  	s20 =	simm.s32 $0x5;
	s22 =	sshrl.u32 s9, $0x3;
	s9 =	simm.s32 $0x1F80  }
0x17: {  	s15 =	sadd.s32 s0, s12;
	s12 =	sshrl.u32 s23, $0x3;
	s10 =	sshrl.u32 s10, $0x3  }
0x18: {  	s23 =	sshrl.u32 s13, $0x3;
	s16 =	sadd.s32 s0, s12;
	s12 =	sshrl.u32 s24, $0x3  }
0x19: {  	s18 =	sadd.s32 s0, s10;
	s24 =	sshrl.u32 s25, $0x3;
	s25 =	sshrl.u32 s26, $0x3  }
0x1a: {  	v0 =	vimm.f32 $0.0e+00;
	s26 =	simm.s32 $0x80;
	s17 =	sadd.s32 s0, s12;
	s0 =	simm.s32 $0x4  }
.LBB2_1:
0x1b: {  	s10 =	simm.s32 $0x0;
	s11 =	simm.s32 $0x200  }
.LBB2_2:
0x1c: {  	p1 =	sne.s32 s11, $0xFE00;
	[tilespmem:s10+$0x2070] =	vst v0  }
0x1d: {  	[tilespmem:s10+$0x2000] =	vst v0  }
0x1e: {  	[tilespmem:s10+$0x2010] =	vst v0  }
.Ltmp0:
0x1f: {  	[tilespmem:s10+$0x2020] =	vst v0;
	(pc) =	sbr.rel @p1 .LBB2_2-.Ltmp0, $4  }
0x20: {  	[tilespmem:s10+$0x2030] =	vst v0  }
0x21: {  	[tilespmem:s10+$0x2040] =	vst v0  }
0x22: {  	[tilespmem:s10+$0x2050] =	vst v0  }
0x23: {  	[tilespmem:s10+$0x2060] =	vst v0;
	s10 =	sshra.s32 s11, $0x2;
	s11 =	sadd.s32 $0x200, s11  }
0x24: {  	[tilespmem:s10+$0x2070] =	vst v0  }
0x25: {  	[tilespmem:s10+$0x2000] =	vst v0  }
0x26: {  	[tilespmem:s10+$0x2010] =	vst v0  }
0x27: {  	[tilespmem:s10+$0x2020] =	vst v0  }
0x28: {  	[tilespmem:s10+$0x2030] =	vst v0  }
0x29: {  	[tilespmem:s10+$0x2040] =	vst v0  }
0x2a: {  	[tilespmem:s10+$0x2050] =	vst v0  }
0x2b: {  	[tilespmem:s10+$0x2060] =	vst v0  }
0x2c: {  	[spmem:s8] =	stream.linear.scatter [tilespmem:s19], [sflag:$0x5], $0x4000, $0x38;
	[tilespmem:$0x1E000] =	vst v63  }
0x2d: {  	_ =	swait.ge [sflag:s20], $0x4000  }
0x2e: {  	[sflag:s20] =	ssyncset.done $0x0  }
0x2f: {  	s11 =	rddreg [dreg:$0x5];
	[sflag:s20] =	ssyncadd.s32 $0xFFFFC000  }
0x30: {  	[spmem:s11] =	stream.linear.scatter [tilespmem:s19], [sflag:$0x5], $0x4000, $0x38;
	[tilespmem:$0x1E000] =	vst v63  }
0x31: {  	_ =	swait.ge [sflag:s20], $0x4000  }
0x32: {  	[sflag:s20] =	ssyncset.done $0x0  }
0x33: {  	s12 =	rddreg [dreg:$0x6];
	[sflag:s20] =	ssyncadd.s32 $0xFFFFC000  }
0x34: {  	[spmem:s12] =	stream.linear.scatter [tilespmem:s19], [sflag:$0x5], $0x4000, $0x38;
	[tilespmem:$0x1E000] =	vst v63  }
0x35: {  	_ =	swait.ge [sflag:s20], $0x4000  }
0x36: {  	[sflag:s20] =	ssyncset.done $0x0  }
0x37: {  	s13 =	rddreg [dreg:$0x7];
	[sflag:s20] =	ssyncadd.s32 $0xFFFFC000  }
0x38: {  	[spmem:s13] =	stream.linear.scatter [tilespmem:s19], [sflag:$0x5], $0x4000, $0x38;
	[tilespmem:$0x1E000] =	vst v63  }
0x39: {  	_ =	swait.ge [sflag:s20], $0x4000  }
0x3a: {  	[sflag:s20] =	ssyncset.done $0x0  }
0x3b: {  	s14 =	rddreg [dreg:$0x8];
	[sflag:s20] =	ssyncadd.s32 $0xFFFFC000  }
0x3c: {  	[spmem:s14] =	stream.linear.scatter [tilespmem:s19], [sflag:$0x5], $0x4000, $0x38;
	[tilespmem:$0x1E000] =	vst v63  }
0x3d: {  	_ =	swait.ge [sflag:s20], $0x4000  }
0x3e: {  	[sflag:s20] =	ssyncset.done $0x0  }
0x3f: {  	[sflag:s20] =	ssyncadd.s32 $0xFFFFC000  }
0x40: {  	s10 =	simm.s32 $0x0;
	s11 =	simm.s32 $0x0;
	[bflag:$0x0] =	sbarrier.arrive $0xFFFF  }
.LBB2_4:
0x41: {  	s12 =	sshll.u32 s11, $0xC  }
0x42: {  	s12 =	sadd.s32 s7, s12  }
0x43: {  	s12 =	sshrl.u32 s12, $0x3  }
0x44: {  	s13 =	sadd.s32 s5, s12  }
0x45: {  	[tilespmem:s10], [sflag:$0x5] =	stream.linear.gather [hbm4b:s13+s10], $0x1000, $0x38;
	[tilespmem:$0x1E000] =	vst v63  }
0x46: {  	_ =	swait.ge [sflag:s20], $0x1000  }
0x47: {  	[sflag:s20] =	ssyncset.done $0x0  }
0x48: {  	s12 =	sadd.s32 s6, s12;
	[sflag:s20] =	ssyncadd.s32 $0xFFFFF000  }
0x49: {  	[tilespmem:s21], [sflag:$0x5] =	stream.linear.gather [hbm4b:s12+s10], $0x1000, $0x38;
	[tilespmem:$0x1E000] =	vst v63  }
0x4a: {  	_ =	swait.ge [sflag:s20], $0x1000  }
0x4b: {  	[sflag:s20] =	ssyncset.done $0x0  }
0x4c: {  	[sflag:s20] =	ssyncadd.s32 $0xFFFFF000  }
0x4d: {  	[tilespmem:s19], [sflag:$0x1] =	stream.indirect.gather [hbm4b:s4+s26], $0x80, s10, s26, $0xb8;
	[tilespmem:$0x1E000] =	vst v63  }
0x4e: {  	_ = 	snop  }
0x4f: {  	[tilespmem:s28], [sflag:$0x2] =	stream.indirect.gather [hbm4b:s4+s26], $0x80, s26, s26, $0xb8;
	[tilespmem:$0x1E000] =	vst v63  }
0x50: {  	_ =	swait.ge [sflag:s29], $0x4000  }
0x51: {  	[sflag:s29] =	ssyncset.done $0x0  }
0x52: {  	s14 =	simm.s32 $0x1000;
	[sflag:s29] =	ssyncadd.s32 $0xFFFFC000  }
0x53: {  	[spmem:s1] =	stream.indirect.scatter.add.f32 [tilespmem:s19], [sflag:$0x3], $0x80, s14, s26, $0xb8;
	[tilespmem:$0x1E000] =	vst v63  }
0x54: {  	_ =	swait.ge [sflag:s30], $0x4000  }
0x55: {  	[sflag:s30] =	ssyncset.done $0x0  }
0x56: {  	s13 =	simm.s32 $0x1080;
	[sflag:s30] =	ssyncadd.s32 $0xFFFFC000  }
0x57: {  	[spmem:s1] =	stream.indirect.scatter.add.f32 [tilespmem:s28], [sflag:$0x4], $0x80, s13, s26, $0xb8;
	[tilespmem:$0x1E000] =	vst v63  }
0x58: {  	_ =	swait.ge [sflag:s31], $0x4000  }
0x59: {  	[sflag:s31] =	ssyncset.done $0x0  }
0x5a: {  	s14 =	simm.s32 $0x100;
	[sflag:s31] =	ssyncadd.s32 $0xFFFFC000  }
0x5b: {  	[tilespmem:s19], [sflag:$0x1] =	stream.indirect.gather [hbm4b:s4+s26], $0x80, s14, s26, $0xb8;
	[tilespmem:$0x1E000] =	vst v63  }
0x5c: {  	_ =	swait.ge [sflag:s0], $0x4000  }
0x5d: {  	[sflag:s0] =	ssyncset.done $0x0  }
0x5e: {  	s12 =	simm.s32 $0x400;
	s13 =	simm.s32 $0x180;
	[sflag:s0] =	ssyncadd.s32 $0xFFFFC000  }
.LBB2_5:
0x5f: {  	[tilespmem:s28], [sflag:$0x2] =	stream.indirect.gather [hbm4b:s4+s26], $0x80, s13, s26, $0xb8;
	[tilespmem:$0x1E000] =	vst v63  }
0x60: {  	s13 =	smov.u32 s12  }
0x61: {  	p1 =	sne.s32 s12, $0x3800;
	s12 =	sadd.s32 $0x400, s12;
	_ =	swait.ge [sflag:s29], $0x4000  }
0x62: {  	s13 =	sshra.s32 s13, $0x2;
	[sflag:s29] =	ssyncset.done $0x0  }
0x63: {  	s14 =	sadd.s32 $0x1000, s13;
	[sflag:s29] =	ssyncadd.s32 $0xFFFFC000  }
0x64: {  	[spmem:s1] =	stream.indirect.scatter.add.f32 [tilespmem:s19], [sflag:$0x3], $0x80, s14, s26, $0xb8;
	[tilespmem:$0x1E000] =	vst v63  }
0x65: {  	_ =	swait.ge [sflag:s30], $0x4000  }
0x66: {  	[sflag:s30] =	ssyncset.done $0x0  }
0x67: {  	s14 =	sadd.s32 $0x1080, s13;
	[sflag:s30] =	ssyncadd.s32 $0xFFFFC000  }
0x68: {  	[spmem:s1] =	stream.indirect.scatter.add.f32 [tilespmem:s28], [sflag:$0x4], $0x80, s14, s26, $0xb8;
	[tilespmem:$0x1E000] =	vst v63  }
0x69: {  	_ =	swait.ge [sflag:s31], $0x4000  }
0x6a: {  	[sflag:s31] =	ssyncset.done $0x0  }
.Ltmp1:
0x6b: {  	s14 =	sadd.s32 $0x100, s13;
	[sflag:s31] =	ssyncadd.s32 $0xFFFFC000;
	(pc) =	sbr.rel @p1 .LBB2_5-.Ltmp1, $4  }
0x6c: {  	[tilespmem:s19], [sflag:$0x1] =	stream.indirect.gather [hbm4b:s4+s26], $0x80, s14, s26, $0xb8;
	[tilespmem:$0x1E000] =	vst v63  }
0x6d: {  	_ =	swait.ge [sflag:s0], $0x4000  }
0x6e: {  	[sflag:s0] =	ssyncset.done $0x0  }
0x6f: {  	s13 =	sadd.s32 $0x180, s13;
	[sflag:s0] =	ssyncadd.s32 $0xFFFFC000  }
0x70: {  	[tilespmem:s28], [sflag:$0x2] =	stream.indirect.gather [hbm4b:s4+s26], $0x80, s13, s26, $0xb8;
	[tilespmem:$0x1E000] =	vst v63  }
0x71: {  	_ =	swait.ge [sflag:s29], $0x4000  }
0x72: {  	[sflag:s29] =	ssyncset.done $0x0  }
0x73: {  	[sflag:s29] =	ssyncadd.s32 $0xFFFFC000  }
0x74: {  	[spmem:s1] =	stream.indirect.scatter.add.f32 [tilespmem:s19], [sflag:$0x3], $0x80, s3, s26, $0xb8;
	[tilespmem:$0x1E000] =	vst v63  }
0x75: {  	_ =	swait.ge [sflag:s31], $0x4000  }
0x76: {  	[sflag:s31] =	ssyncset.done $0x0  }
0x77: {  	[sflag:s31] =	ssyncadd.s32 $0xFFFFC000  }
0x78: {  	p1 =	slt.u32 @!p0 s11, $0x3;
	_ =	swait.ge [sflag:s30], $0x4000  }
0x79: {  	p1 =	por p0, !p1;
	[sflag:s30] =	ssyncset.done $0x0  }
.Ltmp2:
0x7a: {  	[sflag:s30] =	ssyncadd.s32 $0xFFFFC000;
	(pc) =	sbr.rel @!p1 .LBB2_4-.Ltmp2, $4  }
0x7b: {  	[spmem:s1] =	stream.indirect.scatter.add.f32 [tilespmem:s28], [sflag:$0x4], $0x80, s9, s26, $0xb8;
	[tilespmem:$0x1E000] =	vst v63  }
0x7c: {  	_ =	swait.ge [sflag:s0], $0x4000  }
0x7d: {  	[sflag:s0] =	ssyncset.done $0x0  }
0x7e: {  	s11 =	sadd.s32 $0x1, s11;
	[sflag:s0] =	ssyncadd.s32 $0xFFFFC000  }
0x7f: {  	s10 =	stileid.u32  }
0x80: {  	[bflag:$0x0] =	sbarrier.arrive $0xFFFF;
	s10 =	sshll.u32 s10, $0x6  }
0x81: {  	s11 =	sshrl.u32 s8, $0x3;
	s12 =	rddreg [dreg:$0x3];
	s10 =	sor.u32 $0x1C05, s10  }
0x82: {  	[hbm:s12], [sflag:s10] =	dma.local [spmem:s11], $0x800  }
0x83: {  	_ =	swait.ge [sflag:s20], $0x800  }
0x84: {  	[sflag:s20] =	ssyncset.done $0x0  }
0x85: {  	[sflag:s20] =	ssyncadd.s32 $0xFFFFF800  }
0x86: {  	[hbm:s15], [sflag:s10] =	dma.local [spmem:s22], $0x800  }
0x87: {  	_ =	swait.ge [sflag:s20], $0x800  }
0x88: {  	[sflag:s20] =	ssyncset.done $0x0  }
0x89: {  	[sflag:s20] =	ssyncadd.s32 $0xFFFFF800  }
0x8a: {  	[hbm:s16], [sflag:s10] =	dma.local [spmem:s23], $0x800  }
0x8b: {  	_ =	swait.ge [sflag:s20], $0x800  }
0x8c: {  	[sflag:s20] =	ssyncset.done $0x0  }
0x8d: {  	[sflag:s20] =	ssyncadd.s32 $0xFFFFF800  }
0x8e: {  	[hbm:s17], [sflag:s10] =	dma.local [spmem:s24], $0x800  }
0x8f: {  	_ =	swait.ge [sflag:s20], $0x800  }
0x90: {  	[sflag:s20] =	ssyncset.done $0x0  }
0x91: {  	[sflag:s20] =	ssyncadd.s32 $0xFFFFF800  }
0x92: {  	[hbm:s18], [sflag:s10] =	dma.local [spmem:s25], $0x800  }
0x93: {  	_ =	swait.ge [sflag:s20], $0x800  }
0x94: {  	s2 =	sadd.s32 $0x1, s2;
	s14 =	rddreg [dreg:$0x4]  }
0x95: {  	p1 =	sne.s32 s2, s14  }
.Ltmp3:
0x96: {  	_ = 	snop;
	(pc) =	sbr.rel @p1 .LBB2_1-.Ltmp3, $3  }
0x97: {  	_ =	sdelay $0x1  }
0x98: {  	[sflag:s20] =	ssyncset.done $0x0  }
0x99: {  	[sflag:s20] =	ssyncadd.s32 $0xFFFFF800  }
0x9a: {  	_ =	sfence.sel $0x180000  }
0x9b: {  	[bflag:$0x0] =	sbarrier.arrive $0xFFFF  }
0x9c: {  	_ =	strace $0x9000004A  }
0x9d: {  	s0 =	stileid.u32;
	[bflag:$0x2] =	sbarrier.arrive $0xFFFF  }
0x9e: {  	p0 =	sne.s32 s0, $0x0;
	s0 =	rddreg [dreg:$0x2]  }
0x9f: {  	s0 =	sadd.s32 @!p0 $0x100000, s0  }
0xa0: {  	[sflag:s0] =	ssyncadd.tile.s32 @!p0 $0x1;
	_ =	shalt  }
.Lfunc_end2:
_tile_overlayer_lowered:
.L_overlay_start_2:
0xa1: {  	(tag) =	ssettag $0x2  }
0xa2: {  	s0 =	rddreg [dreg:$0x0];
	s2 =	stileid.u32  }
0xa3: {  	s1 =	rddreg [dreg:$0x1];
	p0 =	sne.s32 s2, $0x0  }
0xa4: {  	s3 =	rddreg [dreg:$0x2];
	[bflag:$0x3] =	sbarrier.arrive $0xFFFF;
	s2 =	simm.s32 @!p0 $0x1C05  }
0xa5: {  	[timem:s3], [sflag:s2] =	dma.local @!p0 [hbm:s0], s1  }
0xa6: {  	s0 =	simm.s32 @!p0 $0x5  }
0xa7: {  	_ =	swait.ge @!p0 [sflag:s0], s1  }
0xa8: {  	s1 =	ssub.s32 @!p0 $0x0, s1;
	[sflag:s0] =	ssyncset.done @!p0 $0x0  }
0xa9: {  	[sflag:s0] =	ssyncadd.s32 @!p0 s1  }
0xaa: {  	[bflag:$0x3] =	sbarrier.arrive $0xFFFF  }
0xab: {  	_ =	shalt  }

// kernel: kernel.16.cloned.1.call-start
scs
__scs_entry_jumppad:
0x0: {  	(pc) =	sbr.rel $0x88, $3  }
0x1: {  	(tag) =	ssettag $0x0;
	lr =	simm.s32 $0x1  }
0x2: {  	[smem:$0x3F99] =	sst lr;
	_ =	strace $0xD0000000  }
0x3: {  	_ = 	snop  }
0x4: {  	_ = 	snop  }
0x5: {  	_ = 	snop  }
0x6: {  	_ = 	snop  }
0x7: {  	_ = 	snop  }
__scs_overlays_trampoline_lowered:
0x8: {  	[smem:$0x3FA8] =	sst s0  }
0x9: {  	[smem:$0x3FA9] =	sst s1  }
0xa: {  	[smem:$0x3FAA] =	sst s2  }
0xb: {  	[smem:$0x3FAB] =	sst s3  }
0xc: {  	[smem:$0x3FAC] =	sst s4  }
0xd: {  	[smem:$0x3FAD] =	sst s5  }
0xe: {  	[smem:$0x3FAE] =	sst s6  }
0xf: {  	[smem:$0x3FAF] =	sst s7  }
0x10: {  	[smem:$0x3FB0] =	sst s8  }
0x11: {  	[smem:$0x3FB1] =	sst s9;
	s0 =	simm.s32 @!p0 $0x0  }
0x12: {  	s1 =	sld [smem:$0x3F97];
	s0 =	simm.s32 @p0 $0x1  }
0x13: {  	[smem:$0x3FB2] =	sst s0;
	s0 =	simm.s32 @!p1 $0x0  }
0x14: {  	s2 =	sld [smem:$0x3F96];
	s0 =	simm.s32 @p1 $0x1  }
0x15: {  	[smem:$0x3FB3] =	sst s0;
	s0 =	simm.s32 @!p2 $0x0  }
0x16: {  	s3 =	sld [smem:$0x3FDB];
	s0 =	simm.s32 @p2 $0x1  }
0x17: {  	s4 =	simm.s32 $0x1BF5;
	[smem:$0x3FB5] =	sst s0  }
0x18: {  	s0 =	sld [smem:$0x3F98];
	_ =	swait.ge [sflag:s4], $0x0  }
0x19: {  	s7 =	sld [smem:$0x3F99]  }
0x1a: {  	s8 =	sadd.s32 $0xFFFFE003, lr  }
0x1b: {  	s9 =	sadd.s32 $0xFFFFFEF7, lr;
	s5 =	simm.s32 $0xFFFFFFFF;
	p2 =	slt.u32 s8, $0xFFFFF086  }
0x1c: {  	p1 =	slt.u32 s9, $0xF7A;
	s5 =	simm.s32 @!p2 $0x0  }
0x1d: {  	s5 =	simm.s32 @p1 $0x1;
	p0 =	seq.s32 s7, s2  }
0x1e: {  	s7 =	smul.u32 @!p0 $0xF7A, s2;
	p2 =	seq.s32 @!p0 s5, $0x0  }
0x1f: {  	s9 =	smul.u32 $0xF7A, s1;
	s8 =	simm.s32 @!p0 $0x1BF5;
	p2 =	por !p2, p0  }
0x20: {  	[sflag:s8] =	ssyncset.s32 @!p0 $0xFFFFF086;
	s6 =	sadd.s32 @!p0 s3, s7;
	s7 =	simm.s32 @!p0 $0x108  }
0x21: {  	s3 =	sadd.s32 s3, s9;
	s6 =	sadd.s32 @!p0 $0x88, s6;
	s7 =	simm.s32 @p2 $0x1082  }
0x22: {  	[simem:s7], [sflag:s8] =	dma.local @!p0 [hbm:s6], $0xF7A  }
0x23: {  	s9 =	sor.u32 $0xD0000000, s2;
	s6 =	simm.s32 $0x108;
	_ =	swait.ge @!p0 [sflag:s8], $0x0  }
0x24: {  	s3 =	sadd.s32 $0x88, s3;
	s6 =	simm.s32 @!p1 $0x1082;
	[sflag:s4] =	ssyncset.s32 $0xFFFFF086  }
0x25: {  	[simem:s6], [sflag:s4] =	dma.local [hbm:s3], $0xF7A  }
0x26: {  	[smem:$0x3F99] =	sst s1;
	(tag) =	ssettag s2;
	_ =	strace s9  }
0x27: {  	s1 =	sld [smem:$0x3FA9]  }
0x28: {  	s2 =	sld [smem:$0x3FAA]  }
0x29: {  	s4 =	sld [smem:$0x3FAC]  }
0x2a: {  	p0 =	seq.s32 s5, $0x0;
	s5 =	sld [smem:$0x3FAD]  }
0x2b: {  	s6 =	sld [smem:$0x3FAE]  }
0x2c: {  	s7 =	sld [smem:$0x3FAF]  }
0x2d: {  	s3 =	simm.s32 $0x108;
	s8 =	sld [smem:$0x3FB0]  }
0x2e: {  	s3 =	simm.s32 @!p0 $0x1082;
	s9 =	sld [smem:$0x3FB1]  }
0x2f: {  	lr =	sadd.s32 s0, s3;
	s0 =	sld [smem:$0x3FA8]  }
0x30: {  	s3 =	sld [smem:$0x3FAB]  }
0x31: {  	[smem:$0x3FB4] =	sst s10  }
0x32: {  	s10 =	sld [smem:$0x3FB2];
	_ =	sdelay $0x3  }
0x33: {  	p0 =	seq.s32 s10, $0x1;
	s10 =	sld [smem:$0x3FB4];
	_ =	sdelay $0x3  }
0x34: {  	[smem:$0x3FB4] =	sst s10  }
0x35: {  	s10 =	sld [smem:$0x3FB3];
	_ =	sdelay $0x3  }
0x36: {  	p1 =	seq.s32 s10, $0x1;
	s10 =	sld [smem:$0x3FB4];
	_ =	sdelay $0x3  }
0x37: {  	[smem:$0x3FB4] =	sst s10  }
0x38: {  	s10 =	sld [smem:$0x3FB5]  }
0x39: {  	_ = 	snop;
	(pc) =	sbr.ind lr, $3  }
0x3a: {  	_ = 	snop  }
0x3b: {  	_ = 	snop  }
0x3c: {  	p2 =	seq.s32 s10, $0x1;
	s10 =	sld [smem:$0x3FB4]  }
0x3d: {  	_ =	shalt  }
0x3e: {  	_ =	shalt  }
0x3f: {  	_ =	shalt  }
0x40: {  	_ =	shalt  }
0x41: {  	_ =	shalt  }
0x42: {  	_ =	shalt  }
0x43: {  	_ =	shalt  }
0x44: {  	_ =	shalt  }
0x45: {  	_ =	shalt  }
0x46: {  	_ =	shalt  }
0x47: {  	_ =	shalt  }
0x48: {  	_ =	shalt  }
0x49: {  	_ =	shalt  }
0x4a: {  	_ =	shalt  }
0x4b: {  	_ =	shalt  }
0x4c: {  	_ =	shalt  }
0x4d: {  	_ =	shalt  }
0x4e: {  	_ =	shalt  }
0x4f: {  	_ =	shalt  }
0x50: {  	_ =	shalt  }
0x51: {  	_ =	shalt  }
0x52: {  	_ =	shalt  }
0x53: {  	_ =	shalt  }
0x54: {  	_ =	shalt  }
0x55: {  	_ =	shalt  }
0x56: {  	_ =	shalt  }
0x57: {  	_ =	shalt  }
0x58: {  	_ =	shalt  }
0x59: {  	_ =	shalt  }
0x5a: {  	_ =	shalt  }
0x5b: {  	_ =	shalt  }
0x5c: {  	_ =	shalt  }
0x5d: {  	_ =	shalt  }
0x5e: {  	_ =	shalt  }
0x5f: {  	_ =	shalt  }
0x60: {  	_ =	shalt  }
0x61: {  	_ =	shalt  }
0x62: {  	_ =	shalt  }
0x63: {  	_ =	shalt  }
0x64: {  	_ =	shalt  }
0x65: {  	_ =	shalt  }
0x66: {  	_ =	shalt  }
0x67: {  	_ =	shalt  }
0x68: {  	_ =	shalt  }
0x69: {  	_ =	shalt  }
0x6a: {  	_ =	shalt  }
0x6b: {  	_ =	shalt  }
0x6c: {  	_ =	shalt  }
0x6d: {  	_ =	shalt  }
0x6e: {  	_ =	shalt  }
0x6f: {  	_ =	shalt  }
0x70: {  	_ =	shalt  }
0x71: {  	_ =	shalt  }
0x72: {  	_ =	shalt  }
0x73: {  	_ =	shalt  }
0x74: {  	_ =	shalt  }
0x75: {  	_ =	shalt  }
0x76: {  	_ =	shalt  }
0x77: {  	_ =	shalt  }
0x78: {  	_ =	shalt  }
0x79: {  	_ =	shalt  }
0x7a: {  	_ =	shalt  }
0x7b: {  	_ =	shalt  }
0x7c: {  	_ =	shalt  }
0x7d: {  	_ =	shalt  }
0x7e: {  	_ =	shalt  }
0x7f: {  	_ =	shalt  }
0x80: {  	_ =	shalt  }
0x81: {  	_ =	shalt  }
0x82: {  	_ =	shalt  }
0x83: {  	_ =	shalt  }
0x84: {  	_ =	shalt  }
0x85: {  	_ =	shalt  }
0x86: {  	_ =	shalt  }
0x87: {  	_ =	shalt  }
.Lfunc_end0:
.L_simem_size_0:
called_computation.2_lowered:
.L_overlay_start_0:
0x88: {  	s2 =	sld [smem:$0x3FD9]  }
0x89: {  	s3 =	sld [smem:$0x3FFE];
	_ =	sdelay $0x1  }
0x8a: {  	s1 =	srdreg.scid  }
0x8b: {  	s0 =	sand.u32 $0x1, s1  }
0x8c: {  	s16 =	sshll.u32 s0, $0xA;
	s2 =	sadd.s32 s3, s2  }
0x8d: {  	s2 =	sadd.s32 s2, s16  }
0x8e: {  	[smem:$0x3FC0] =	sst s2  }
0x8f: {  	_ = 	snop  }
0x90: {  	(tm) =	ssettm $0x1  }
0x91: {  	s17 =	sld [smem:$0x3FFB];
	_ =	sdelay $0x3  }
0x92: {  	_ =	strace s17  }
0x93: {  	s2 =	sld [smem:$0x3FFC];
	_ =	sdelay $0x3  }
0x94: {  	_ =	strace s2  }
0x95: {  	s2 =	sld [smem:$0x3FFD];
	_ =	sdelay $0x3  }
0x96: {  	_ =	strace s2  }
0x97: {  	_ =	strace $0x8FFFFFFF  }
0x98: {  	s18 =	sld [smem:$0x3FDB];
	_ =	sdelay $0x1  }
0x99: {  	s19 =	simm.s32 $_scs_section_size  }
0x9a: {  	s4 =	simm.s32 $_size__tile_overlayer_lowered;
	s5 =	simm.s32 $_tile_overlayer_lowered  }
0x9b: {  	s22 =	simm.s32 $0x1BFF;
	s21 =	sshll.u32 s5, $0x1;
	s2 =	sadd.s32 s19, s18  }
0x9c: {  	s6 =	simm.s32 $0x0;
	s20 =	sshll.u32 s4, $0x1;
	s4 =	sadd.s32 s21, s2  }
0x9d: {  	[timem:s6], [sflag:s22] =	dma.local [hbm:s4], s20  }
0x9e: {  	_ =	swait.ge [sflag:s22], s20  }
0x9f: {  	s3 =	ssub.s32 $0x0, s20;
	[sflag:s22] =	ssyncset.done $0x0  }
0xa0: {  	[sflag:s22] =	ssyncadd.s32 s3;
	_ =	sdelay $0x1  }
0xa1: {  	s23 =	simm.s32 $0x1B8B  }
0xa2: {  	_ =	swait.ge [sflag:s23], $0x1  }
0xa3: {  	[sflag:s23] =	ssyncset.done $0x0  }
0xa4: {  	s25 =	simm.s32 $0x1B8E;
	s24 =	sld [smem:$0x3FFE];
	[sflag:s23] =	ssyncadd.s32 $0xFFFFFFFF  }
0xa5: {  	s26 =	simm.s32 $execute0_lowered;
	[smem:$0x3FD2] =	sst s25  }
0xa6: {  	s4 =	sshll.u32 s26, $0x1;
	_ =	strace $0x8000004C;
	[dreg:$0x1] =	wrdreg $0xFFFFFFFF  }
0xa7: {  	s28 =	simm.s32 $_size_execute0_lowered;
	s2 =	sadd.s32 s2, s4;
	[dreg:$0x0] =	wrdreg $0x0  }
0xa8: {  	s4 =	sshll.u32 s28, $0x1;
	[dreg:$0x2] =	wrdreg s2  }
0xa9: {  	[dreg:$0x3] =	wrdreg s4  }
0xaa: {  	[dreg:$0x4] =	wrdreg $0xC0  }
0xab: {  	_ =	task [dreg:s6], $0x5FFFF  }
0xac: {  	[dreg:$0x1] =	wrdreg $0xFFFFFFFF  }
0xad: {  	[dreg:$0x0] =	wrdreg $0x60  }
0xae: {  	[dreg:$0x2] =	wrdreg s24  }
0xaf: {  	[dreg:$0x3] =	wrdreg $0xA0000  }
0xb0: {  	[dreg:$0x4] =	wrdreg $0x9  }
0xb1: {  	_ =	task.clear_ibuf [dreg:s6], $0x5FFFF;
	_ =	strace $0x9000004C  }
0xb2: {  	s29 =	simm.s32 $0x9;
	_ =	strace $0x8000004E  }
0xb3: {  	_ =	swait.ge [sflag:s29], $0x1  }
0xb4: {  	[sflag:s29] =	ssyncadd.s32 $0xFFFFFFFF  }
0xb5: {  	_ =	strace $0x9000004E  }
0xb6: {  	_ =	sfence  }
0xb7: {  	s30 =	sld [smem:$0x0];
	_ =	sdelay $0x2  }
0xb8: {  	s31 =	sshll.u32 s1, $0xD;
	s1 =	sshrl.u32 s1, $0x2  }
0xb9: {  	s3 =	sand.u32 $0x4000, s31;
	s1 =	sadd.s32 s1, s30  }
0xba: {  	s0 =	sor.u32 s3, s0;
	s1 =	sshll.u32 s1, $0x11  }
0xbb: {  	s0 =	sor.u32 s1, s0  }
0xbc: {  	s0 =	sadd.s32 $0x8F2B, s0  }
0xbd: {  	[sflag:s0] =	ssyncadd.remote.s32 $0x1  }
0xbe: {  	_ =	sfence.sel $0xFFFF  }
0xbf: {  	[dreg:$0x0] =	wrdreg $0xFFFFFFFF;
	(pc) =	sbr.abs _section_cstart, $3  }
0xc0: {  	[dreg:$0x1] =	wrdreg $0xFFFFFFFF  }
0xc1: {  	_ =	task.clear_ibuf [dreg:s6], $0x2FFFF;
	_ =	strace $0x9FFFFFFF  }
0xc2: {  	(tm) =	ssettm $0x7FFFFFFF  }
0xc3: {  	_ =	shalt  }
tec
execute0_lowered:
.L_overlay_start_1:
0x0: {  	(tag) =	ssettag $0x1  }
0x1: {  	s0 =	rddreg [dreg:$0x0]  }
0x2: {  	s1 =	rddreg [dreg:$0x1];
	s2 =	simm.s32 $0x0  }
0x3: {  	s3 =	srdreg.scid;
	s12 =	stileid.u32;
	s28 =	simm.s32 $0x6000  }
0x4: {  	s29 =	simm.s32 $0x1;
	s30 =	simm.s32 $0x2;
	s31 =	simm.s32 $0x3  }
0x5: {  	[smem:$0x7FF] =	sst s2;
	s4 =	sadd.s32 $0x16A00, s0;
	s3 =	sand.u32 $0x1, s3  }
0x6: {  	s5 =	sadd.s32 $0x2A00, s0;
	s8 =	smul.u32 $0x50000, s12;
	s6 =	sadd.s32 $0xCA00, s0  }
0x7: {  	s0 =	sadd.s32 $0x3EA00, s0;
	s11 =	smul.u32 $0x14000, s12;
	s15 =	sshll.u32 s12, $0xC  }
0x8: {  	s12 =	sshll.u32 s12, $0xE;
	_ =	strace $0x8000004D;
	s7 =	ssub.s32 $0x2, s3  }
0x9: {  	s10 =	smul.u32 $0x140000, s3;
	p0 =	seq.s32 s3, $0x0;
	s9 =	sshrl.u32 s7, $0x1  }
0xa: {  	s8 =	sshrl.u32 s8, $0x2;
	s17 =	sadd.s32 $0x4000, s11;
	s22 =	sadd.s32 $0x8000, s11  }
0xb: {  	s9 =	ssub.s32 s7, s9;
	s7 =	sor.u32 $0x40000, s15;
	s13 =	sadd.s32 s10, s11  }
0xc: {  	s8 =	sadd.s32 s8, s1;
	s20 =	sadd.s32 s10, s17;
	s23 =	sadd.s32 s10, s22  }
0xd: {  	s7 =	smov.u32 @p0 s12;
	s16 =	sshrl.u32 s13, $0x3;
	s9 =	smax.u32 s9, $0x1  }
0xe: {  	s18 =	sadd.s32 $0x4000, s8;
	s19 =	sadd.s32 $0x8000, s8;
	[dreg:$0x4] =	wrdreg s9  }
0xf: {  	s21 =	sadd.s32 $0xC000, s8;
	s14 =	sadd.s32 $0x10000, s8;
	[dreg:$0x5] =	wrdreg s18  }
0x10: {  	s13 =	sadd.s32 s22, s1;
	p0 =	sne.s32 s3, $0x0;
	[dreg:$0x6] =	wrdreg s19  }
0x11: {  	s3 =	simm.s32 $0x1F00;
	s12 =	sadd.s32 s0, s16;
	[dreg:$0x7] =	wrdreg s21  }
0x12: {  	[dreg:$0x8] =	wrdreg s14;
	s9 =	sadd.s32 s17, s1;
	s18 =	sadd.s32 $0xC000, s11  }
0x13: {  	s11 =	sadd.s32 $0x10000, s11;
	s19 =	simm.s32 $0x2000;
	s21 =	simm.s32 $0x1000  }
0x14: {  	[dreg:$0x3] =	wrdreg s12;
	s12 =	sshrl.u32 s20, $0x3;
	s24 =	sadd.s32 s10, s18  }
0x15: {  	s10 =	sadd.s32 s10, s11;
	s25 =	sadd.s32 s18, s1;
	s26 =	sadd.s32 s11, s1  }
0x16: {  	s20 =	simm.s32 $0x5;
	s22 =	sshrl.u32 s9, $0x3;
	s9 =	simm.s32 $0x1F80  }
0x17: {  	s15 =	sadd.s32 s0, s12;
	s12 =	sshrl.u32 s23, $0x3;
	s10 =	sshrl.u32 s10, $0x3  }
0x18: {  	s23 =	sshrl.u32 s13, $0x3;
	s16 =	sadd.s32 s0, s12;
	s12 =	sshrl.u32 s24, $0x3  }
0x19: {  	s18 =	sadd.s32 s0, s10;
	s24 =	sshrl.u32 s25, $0x3;
	s25 =	sshrl.u32 s26, $0x3  }
0x1a: {  	v0 =	vimm.f32 $0.0e+00;
	s26 =	simm.s32 $0x80;
	s17 =	sadd.s32 s0, s12;
	s0 =	simm.s32 $0x4  }
.LBB2_1:
0x1b: {  	s10 =	simm.s32 $0x0;
	s11 =	simm.s32 $0x200  }
.LBB2_2:
0x1c: {  	p1 =	sne.s32 s11, $0xFE00;
	[tilespmem:s10+$0x2070] =	vst v0  }
0x1d: {  	[tilespmem:s10+$0x2000] =	vst v0  }
0x1e: {  	[tilespmem:s10+$0x2010] =	vst v0  }
.Ltmp0:
0x1f: {  	[tilespmem:s10+$0x2020] =	vst v0;
	(pc) =	sbr.rel @p1 .LBB2_2-.Ltmp0, $4  }
0x20: {  	[tilespmem:s10+$0x2030] =	vst v0  }
0x21: {  	[tilespmem:s10+$0x2040] =	vst v0  }
0x22: {  	[tilespmem:s10+$0x2050] =	vst v0  }
0x23: {  	[tilespmem:s10+$0x2060] =	vst v0;
	s10 =	sshra.s32 s11, $0x2;
	s11 =	sadd.s32 $0x200, s11  }
0x24: {  	[tilespmem:s10+$0x2070] =	vst v0  }
0x25: {  	[tilespmem:s10+$0x2000] =	vst v0  }
0x26: {  	[tilespmem:s10+$0x2010] =	vst v0  }
0x27: {  	[tilespmem:s10+$0x2020] =	vst v0  }
0x28: {  	[tilespmem:s10+$0x2030] =	vst v0  }
0x29: {  	[tilespmem:s10+$0x2040] =	vst v0  }
0x2a: {  	[tilespmem:s10+$0x2050] =	vst v0  }
0x2b: {  	[tilespmem:s10+$0x2060] =	vst v0  }
0x2c: {  	[spmem:s8] =	stream.linear.scatter [tilespmem:s19], [sflag:$0x5], $0x4000, $0x38;
	[tilespmem:$0x1E000] =	vst v63  }
0x2d: {  	_ =	swait.ge [sflag:s20], $0x4000  }
0x2e: {  	[sflag:s20] =	ssyncset.done $0x0  }
0x2f: {  	s11 =	rddreg [dreg:$0x5];
	[sflag:s20] =	ssyncadd.s32 $0xFFFFC000  }
0x30: {  	[spmem:s11] =	stream.linear.scatter [tilespmem:s19], [sflag:$0x5], $0x4000, $0x38;
	[tilespmem:$0x1E000] =	vst v63  }
0x31: {  	_ =	swait.ge [sflag:s20], $0x4000  }
0x32: {  	[sflag:s20] =	ssyncset.done $0x0  }
0x33: {  	s12 =	rddreg [dreg:$0x6];
	[sflag:s20] =	ssyncadd.s32 $0xFFFFC000  }
0x34: {  	[spmem:s12] =	stream.linear.scatter [tilespmem:s19], [sflag:$0x5], $0x4000, $0x38;
	[tilespmem:$0x1E000] =	vst v63  }
0x35: {  	_ =	swait.ge [sflag:s20], $0x4000  }
0x36: {  	[sflag:s20] =	ssyncset.done $0x0  }
0x37: {  	s13 =	rddreg [dreg:$0x7];
	[sflag:s20] =	ssyncadd.s32 $0xFFFFC000  }
0x38: {  	[spmem:s13] =	stream.linear.scatter [tilespmem:s19], [sflag:$0x5], $0x4000, $0x38;
	[tilespmem:$0x1E000] =	vst v63  }
0x39: {  	_ =	swait.ge [sflag:s20], $0x4000  }
0x3a: {  	[sflag:s20] =	ssyncset.done $0x0  }
0x3b: {  	s14 =	rddreg [dreg:$0x8];
	[sflag:s20] =	ssyncadd.s32 $0xFFFFC000  }
0x3c: {  	[spmem:s14] =	stream.linear.scatter [tilespmem:s19], [sflag:$0x5], $0x4000, $0x38;
	[tilespmem:$0x1E000] =	vst v63  }
0x3d: {  	_ =	swait.ge [sflag:s20], $0x4000  }
0x3e: {  	[sflag:s20] =	ssyncset.done $0x0  }
0x3f: {  	[sflag:s20] =	ssyncadd.s32 $0xFFFFC000  }
0x40: {  	s10 =	simm.s32 $0x0;
	s11 =	simm.s32 $0x0;
	[bflag:$0x0] =	sbarrier.arrive $0xFFFF  }
.LBB2_4:
0x41: {  	s12 =	sshll.u32 s11, $0xC  }
0x42: {  	s12 =	sadd.s32 s7, s12  }
0x43: {  	s12 =	sshrl.u32 s12, $0x3  }
0x44: {  	s13 =	sadd.s32 s5, s12  }
0x45: {  	[tilespmem:s10], [sflag:$0x5] =	stream.linear.gather [hbm4b:s13+s10], $0x1000, $0x38;
	[tilespmem:$0x1E000] =	vst v63  }
0x46: {  	_ =	swait.ge [sflag:s20], $0x1000  }
0x47: {  	[sflag:s20] =	ssyncset.done $0x0  }
0x48: {  	s12 =	sadd.s32 s6, s12;
	[sflag:s20] =	ssyncadd.s32 $0xFFFFF000  }
0x49: {  	[tilespmem:s21], [sflag:$0x5] =	stream.linear.gather [hbm4b:s12+s10], $0x1000, $0x38;
	[tilespmem:$0x1E000] =	vst v63  }
0x4a: {  	_ =	swait.ge [sflag:s20], $0x1000  }
0x4b: {  	[sflag:s20] =	ssyncset.done $0x0  }
0x4c: {  	[sflag:s20] =	ssyncadd.s32 $0xFFFFF000  }
0x4d: {  	[tilespmem:s19], [sflag:$0x1] =	stream.indirect.gather [hbm4b:s4+s26], $0x80, s10, s26, $0xb8;
	[tilespmem:$0x1E000] =	vst v63  }
0x4e: {  	_ = 	snop  }
0x4f: {  	[tilespmem:s28], [sflag:$0x2] =	stream.indirect.gather [hbm4b:s4+s26], $0x80, s26, s26, $0xb8;
	[tilespmem:$0x1E000] =	vst v63  }
0x50: {  	_ =	swait.ge [sflag:s29], $0x4000  }
0x51: {  	[sflag:s29] =	ssyncset.done $0x0  }
0x52: {  	s14 =	simm.s32 $0x1000;
	[sflag:s29] =	ssyncadd.s32 $0xFFFFC000  }
0x53: {  	[spmem:s1] =	stream.indirect.scatter.add.f32 [tilespmem:s19], [sflag:$0x3], $0x80, s14, s26, $0xb8;
	[tilespmem:$0x1E000] =	vst v63  }
0x54: {  	_ =	swait.ge [sflag:s30], $0x4000  }
0x55: {  	[sflag:s30] =	ssyncset.done $0x0  }
0x56: {  	s13 =	simm.s32 $0x1080;
	[sflag:s30] =	ssyncadd.s32 $0xFFFFC000  }
0x57: {  	[spmem:s1] =	stream.indirect.scatter.add.f32 [tilespmem:s28], [sflag:$0x4], $0x80, s13, s26, $0xb8;
	[tilespmem:$0x1E000] =	vst v63  }
0x58: {  	_ =	swait.ge [sflag:s31], $0x4000  }
0x59: {  	[sflag:s31] =	ssyncset.done $0x0  }
0x5a: {  	s14 =	simm.s32 $0x100;
	[sflag:s31] =	ssyncadd.s32 $0xFFFFC000  }
0x5b: {  	[tilespmem:s19], [sflag:$0x1] =	stream.indirect.gather [hbm4b:s4+s26], $0x80, s14, s26, $0xb8;
	[tilespmem:$0x1E000] =	vst v63  }
0x5c: {  	_ =	swait.ge [sflag:s0], $0x4000  }
0x5d: {  	[sflag:s0] =	ssyncset.done $0x0  }
0x5e: {  	s12 =	simm.s32 $0x400;
	s13 =	simm.s32 $0x180;
	[sflag:s0] =	ssyncadd.s32 $0xFFFFC000  }
.LBB2_5:
0x5f: {  	[tilespmem:s28], [sflag:$0x2] =	stream.indirect.gather [hbm4b:s4+s26], $0x80, s13, s26, $0xb8;
	[tilespmem:$0x1E000] =	vst v63  }
0x60: {  	s13 =	smov.u32 s12  }
0x61: {  	p1 =	sne.s32 s12, $0x3800;
	s12 =	sadd.s32 $0x400, s12;
	_ =	swait.ge [sflag:s29], $0x4000  }
0x62: {  	s13 =	sshra.s32 s13, $0x2;
	[sflag:s29] =	ssyncset.done $0x0  }
0x63: {  	s14 =	sadd.s32 $0x1000, s13;
	[sflag:s29] =	ssyncadd.s32 $0xFFFFC000  }
0x64: {  	[spmem:s1] =	stream.indirect.scatter.add.f32 [tilespmem:s19], [sflag:$0x3], $0x80, s14, s26, $0xb8;
	[tilespmem:$0x1E000] =	vst v63  }
0x65: {  	_ =	swait.ge [sflag:s30], $0x4000  }
0x66: {  	[sflag:s30] =	ssyncset.done $0x0  }
0x67: {  	s14 =	sadd.s32 $0x1080, s13;
	[sflag:s30] =	ssyncadd.s32 $0xFFFFC000  }
0x68: {  	[spmem:s1] =	stream.indirect.scatter.add.f32 [tilespmem:s28], [sflag:$0x4], $0x80, s14, s26, $0xb8;
	[tilespmem:$0x1E000] =	vst v63  }
0x69: {  	_ =	swait.ge [sflag:s31], $0x4000  }
0x6a: {  	[sflag:s31] =	ssyncset.done $0x0  }
.Ltmp1:
0x6b: {  	s14 =	sadd.s32 $0x100, s13;
	[sflag:s31] =	ssyncadd.s32 $0xFFFFC000;
	(pc) =	sbr.rel @p1 .LBB2_5-.Ltmp1, $4  }
0x6c: {  	[tilespmem:s19], [sflag:$0x1] =	stream.indirect.gather [hbm4b:s4+s26], $0x80, s14, s26, $0xb8;
	[tilespmem:$0x1E000] =	vst v63  }
0x6d: {  	_ =	swait.ge [sflag:s0], $0x4000  }
0x6e: {  	[sflag:s0] =	ssyncset.done $0x0  }
0x6f: {  	s13 =	sadd.s32 $0x180, s13;
	[sflag:s0] =	ssyncadd.s32 $0xFFFFC000  }
0x70: {  	[tilespmem:s28], [sflag:$0x2] =	stream.indirect.gather [hbm4b:s4+s26], $0x80, s13, s26, $0xb8;
	[tilespmem:$0x1E000] =	vst v63  }
0x71: {  	_ =	swait.ge [sflag:s29], $0x4000  }
0x72: {  	[sflag:s29] =	ssyncset.done $0x0  }
0x73: {  	[sflag:s29] =	ssyncadd.s32 $0xFFFFC000  }
0x74: {  	[spmem:s1] =	stream.indirect.scatter.add.f32 [tilespmem:s19], [sflag:$0x3], $0x80, s3, s26, $0xb8;
	[tilespmem:$0x1E000] =	vst v63  }
0x75: {  	_ =	swait.ge [sflag:s31], $0x4000  }
0x76: {  	[sflag:s31] =	ssyncset.done $0x0  }
0x77: {  	[sflag:s31] =	ssyncadd.s32 $0xFFFFC000  }
0x78: {  	p1 =	slt.u32 @!p0 s11, $0x3;
	_ =	swait.ge [sflag:s30], $0x4000  }
0x79: {  	p1 =	por p0, !p1;
	[sflag:s30] =	ssyncset.done $0x0  }
.Ltmp2:
0x7a: {  	[sflag:s30] =	ssyncadd.s32 $0xFFFFC000;
	(pc) =	sbr.rel @!p1 .LBB2_4-.Ltmp2, $4  }
0x7b: {  	[spmem:s1] =	stream.indirect.scatter.add.f32 [tilespmem:s28], [sflag:$0x4], $0x80, s9, s26, $0xb8;
	[tilespmem:$0x1E000] =	vst v63  }
0x7c: {  	_ =	swait.ge [sflag:s0], $0x4000  }
0x7d: {  	[sflag:s0] =	ssyncset.done $0x0  }
0x7e: {  	s11 =	sadd.s32 $0x1, s11;
	[sflag:s0] =	ssyncadd.s32 $0xFFFFC000  }
0x7f: {  	s10 =	stileid.u32  }
0x80: {  	[bflag:$0x0] =	sbarrier.arrive $0xFFFF;
	s10 =	sshll.u32 s10, $0x6  }
0x81: {  	s11 =	sshrl.u32 s8, $0x3;
	s12 =	rddreg [dreg:$0x3];
	s10 =	sor.u32 $0x1C05, s10  }
0x82: {  	[hbm:s12], [sflag:s10] =	dma.local [spmem:s11], $0x800  }
0x83: {  	_ =	swait.ge [sflag:s20], $0x800  }
0x84: {  	[sflag:s20] =	ssyncset.done $0x0  }
0x85: {  	[sflag:s20] =	ssyncadd.s32 $0xFFFFF800  }
0x86: {  	[hbm:s15], [sflag:s10] =	dma.local [spmem:s22], $0x800  }
0x87: {  	_ =	swait.ge [sflag:s20], $0x800  }
0x88: {  	[sflag:s20] =	ssyncset.done $0x0  }
0x89: {  	[sflag:s20] =	ssyncadd.s32 $0xFFFFF800  }
0x8a: {  	[hbm:s16], [sflag:s10] =	dma.local [spmem:s23], $0x800  }
0x8b: {  	_ =	swait.ge [sflag:s20], $0x800  }
0x8c: {  	[sflag:s20] =	ssyncset.done $0x0  }
0x8d: {  	[sflag:s20] =	ssyncadd.s32 $0xFFFFF800  }
0x8e: {  	[hbm:s17], [sflag:s10] =	dma.local [spmem:s24], $0x800  }
0x8f: {  	_ =	swait.ge [sflag:s20], $0x800  }
0x90: {  	[sflag:s20] =	ssyncset.done $0x0  }
0x91: {  	[sflag:s20] =	ssyncadd.s32 $0xFFFFF800  }
0x92: {  	[hbm:s18], [sflag:s10] =	dma.local [spmem:s25], $0x800  }
0x93: {  	_ =	swait.ge [sflag:s20], $0x800  }
0x94: {  	s2 =	sadd.s32 $0x1, s2;
	s14 =	rddreg [dreg:$0x4]  }
0x95: {  	p1 =	sne.s32 s2, s14  }
.Ltmp3:
0x96: {  	_ = 	snop;
	(pc) =	sbr.rel @p1 .LBB2_1-.Ltmp3, $3  }
0x97: {  	_ =	sdelay $0x1  }
0x98: {  	[sflag:s20] =	ssyncset.done $0x0  }
0x99: {  	[sflag:s20] =	ssyncadd.s32 $0xFFFFF800  }
0x9a: {  	_ =	sfence.sel $0x180000  }
0x9b: {  	[bflag:$0x0] =	sbarrier.arrive $0xFFFF  }
0x9c: {  	_ =	strace $0x9000004D  }
0x9d: {  	s0 =	stileid.u32;
	[bflag:$0x2] =	sbarrier.arrive $0xFFFF  }
0x9e: {  	p0 =	sne.s32 s0, $0x0;
	s0 =	rddreg [dreg:$0x2]  }
0x9f: {  	s0 =	sadd.s32 @!p0 $0x100000, s0  }
0xa0: {  	[sflag:s0] =	ssyncadd.tile.s32 @!p0 $0x1;
	_ =	shalt  }
.Lfunc_end2:
_tile_overlayer_lowered:
.L_overlay_start_2:
0xa1: {  	(tag) =	ssettag $0x2  }
0xa2: {  	s0 =	rddreg [dreg:$0x0];
	s2 =	stileid.u32  }
0xa3: {  	s1 =	rddreg [dreg:$0x1];
	p0 =	sne.s32 s2, $0x0  }
0xa4: {  	s3 =	rddreg [dreg:$0x2];
	[bflag:$0x3] =	sbarrier.arrive $0xFFFF;
	s2 =	simm.s32 @!p0 $0x1C05  }
0xa5: {  	[timem:s3], [sflag:s2] =	dma.local @!p0 [hbm:s0], s1  }
0xa6: {  	s0 =	simm.s32 @!p0 $0x5  }
0xa7: {  	_ =	swait.ge @!p0 [sflag:s0], s1  }
0xa8: {  	s1 =	ssub.s32 @!p0 $0x0, s1;
	[sflag:s0] =	ssyncset.done @!p0 $0x0  }
0xa9: {  	[sflag:s0] =	ssyncadd.s32 @!p0 s1  }
0xaa: {  	[bflag:$0x3] =	sbarrier.arrive $0xFFFF  }
0xab: {  	_ =	shalt  }

// kernel: kernel.19.cloned.1.call-start
scs
__scs_entry_jumppad:
0x0: {  	(pc) =	sbr.rel $0x88, $3  }
0x1: {  	(tag) =	ssettag $0x0;
	lr =	simm.s32 $0x1  }
0x2: {  	[smem:$0x3F99] =	sst lr;
	_ =	strace $0xD0000000  }
0x3: {  	_ = 	snop  }
0x4: {  	_ = 	snop  }
0x5: {  	_ = 	snop  }
0x6: {  	_ = 	snop  }
0x7: {  	_ = 	snop  }
__scs_overlays_trampoline_lowered:
0x8: {  	[smem:$0x3FA8] =	sst s0  }
0x9: {  	[smem:$0x3FA9] =	sst s1  }
0xa: {  	[smem:$0x3FAA] =	sst s2  }
0xb: {  	[smem:$0x3FAB] =	sst s3  }
0xc: {  	[smem:$0x3FAC] =	sst s4  }
0xd: {  	[smem:$0x3FAD] =	sst s5  }
0xe: {  	[smem:$0x3FAE] =	sst s6  }
0xf: {  	[smem:$0x3FAF] =	sst s7  }
0x10: {  	[smem:$0x3FB0] =	sst s8  }
0x11: {  	[smem:$0x3FB1] =	sst s9;
	s0 =	simm.s32 @!p0 $0x0  }
0x12: {  	s1 =	sld [smem:$0x3F97];
	s0 =	simm.s32 @p0 $0x1  }
0x13: {  	[smem:$0x3FB2] =	sst s0;
	s0 =	simm.s32 @!p1 $0x0  }
0x14: {  	s2 =	sld [smem:$0x3F96];
	s0 =	simm.s32 @p1 $0x1  }
0x15: {  	[smem:$0x3FB3] =	sst s0;
	s0 =	simm.s32 @!p2 $0x0  }
0x16: {  	s3 =	sld [smem:$0x3FDB];
	s0 =	simm.s32 @p2 $0x1  }
0x17: {  	s4 =	simm.s32 $0x1BF5;
	[smem:$0x3FB5] =	sst s0  }
0x18: {  	s0 =	sld [smem:$0x3F98];
	_ =	swait.ge [sflag:s4], $0x0  }
0x19: {  	s7 =	sld [smem:$0x3F99]  }
0x1a: {  	s8 =	sadd.s32 $0xFFFFE003, lr  }
0x1b: {  	s9 =	sadd.s32 $0xFFFFFEF7, lr;
	s5 =	simm.s32 $0xFFFFFFFF;
	p2 =	slt.u32 s8, $0xFFFFF086  }
0x1c: {  	p1 =	slt.u32 s9, $0xF7A;
	s5 =	simm.s32 @!p2 $0x0  }
0x1d: {  	s5 =	simm.s32 @p1 $0x1;
	p0 =	seq.s32 s7, s2  }
0x1e: {  	s7 =	smul.u32 @!p0 $0xF7A, s2;
	p2 =	seq.s32 @!p0 s5, $0x0  }
0x1f: {  	s9 =	smul.u32 $0xF7A, s1;
	s8 =	simm.s32 @!p0 $0x1BF5;
	p2 =	por !p2, p0  }
0x20: {  	[sflag:s8] =	ssyncset.s32 @!p0 $0xFFFFF086;
	s6 =	sadd.s32 @!p0 s3, s7;
	s7 =	simm.s32 @!p0 $0x108  }
0x21: {  	s3 =	sadd.s32 s3, s9;
	s6 =	sadd.s32 @!p0 $0x88, s6;
	s7 =	simm.s32 @p2 $0x1082  }
0x22: {  	[simem:s7], [sflag:s8] =	dma.local @!p0 [hbm:s6], $0xF7A  }
0x23: {  	s9 =	sor.u32 $0xD0000000, s2;
	s6 =	simm.s32 $0x108;
	_ =	swait.ge @!p0 [sflag:s8], $0x0  }
0x24: {  	s3 =	sadd.s32 $0x88, s3;
	s6 =	simm.s32 @!p1 $0x1082;
	[sflag:s4] =	ssyncset.s32 $0xFFFFF086  }
0x25: {  	[simem:s6], [sflag:s4] =	dma.local [hbm:s3], $0xF7A  }
0x26: {  	[smem:$0x3F99] =	sst s1;
	(tag) =	ssettag s2;
	_ =	strace s9  }
0x27: {  	s1 =	sld [smem:$0x3FA9]  }
0x28: {  	s2 =	sld [smem:$0x3FAA]  }
0x29: {  	s4 =	sld [smem:$0x3FAC]  }
0x2a: {  	p0 =	seq.s32 s5, $0x0;
	s5 =	sld [smem:$0x3FAD]  }
0x2b: {  	s6 =	sld [smem:$0x3FAE]  }
0x2c: {  	s7 =	sld [smem:$0x3FAF]  }
0x2d: {  	s3 =	simm.s32 $0x108;
	s8 =	sld [smem:$0x3FB0]  }
0x2e: {  	s3 =	simm.s32 @!p0 $0x1082;
	s9 =	sld [smem:$0x3FB1]  }
0x2f: {  	lr =	sadd.s32 s0, s3;
	s0 =	sld [smem:$0x3FA8]  }
0x30: {  	s3 =	sld [smem:$0x3FAB]  }
0x31: {  	[smem:$0x3FB4] =	sst s10  }
0x32: {  	s10 =	sld [smem:$0x3FB2];
	_ =	sdelay $0x3  }
0x33: {  	p0 =	seq.s32 s10, $0x1;
	s10 =	sld [smem:$0x3FB4];
	_ =	sdelay $0x3  }
0x34: {  	[smem:$0x3FB4] =	sst s10  }
0x35: {  	s10 =	sld [smem:$0x3FB3];
	_ =	sdelay $0x3  }
0x36: {  	p1 =	seq.s32 s10, $0x1;
	s10 =	sld [smem:$0x3FB4];
	_ =	sdelay $0x3  }
0x37: {  	[smem:$0x3FB4] =	sst s10  }
0x38: {  	s10 =	sld [smem:$0x3FB5]  }
0x39: {  	_ = 	snop;
	(pc) =	sbr.ind lr, $3  }
0x3a: {  	_ = 	snop  }
0x3b: {  	_ = 	snop  }
0x3c: {  	p2 =	seq.s32 s10, $0x1;
	s10 =	sld [smem:$0x3FB4]  }
0x3d: {  	_ =	shalt  }
0x3e: {  	_ =	shalt  }
0x3f: {  	_ =	shalt  }
0x40: {  	_ =	shalt  }
0x41: {  	_ =	shalt  }
0x42: {  	_ =	shalt  }
0x43: {  	_ =	shalt  }
0x44: {  	_ =	shalt  }
0x45: {  	_ =	shalt  }
0x46: {  	_ =	shalt  }
0x47: {  	_ =	shalt  }
0x48: {  	_ =	shalt  }
0x49: {  	_ =	shalt  }
0x4a: {  	_ =	shalt  }
0x4b: {  	_ =	shalt  }
0x4c: {  	_ =	shalt  }
0x4d: {  	_ =	shalt  }
0x4e: {  	_ =	shalt  }
0x4f: {  	_ =	shalt  }
0x50: {  	_ =	shalt  }
0x51: {  	_ =	shalt  }
0x52: {  	_ =	shalt  }
0x53: {  	_ =	shalt  }
0x54: {  	_ =	shalt  }
0x55: {  	_ =	shalt  }
0x56: {  	_ =	shalt  }
0x57: {  	_ =	shalt  }
0x58: {  	_ =	shalt  }
0x59: {  	_ =	shalt  }
0x5a: {  	_ =	shalt  }
0x5b: {  	_ =	shalt  }
0x5c: {  	_ =	shalt  }
0x5d: {  	_ =	shalt  }
0x5e: {  	_ =	shalt  }
0x5f: {  	_ =	shalt  }
0x60: {  	_ =	shalt  }
0x61: {  	_ =	shalt  }
0x62: {  	_ =	shalt  }
0x63: {  	_ =	shalt  }
0x64: {  	_ =	shalt  }
0x65: {  	_ =	shalt  }
0x66: {  	_ =	shalt  }
0x67: {  	_ =	shalt  }
0x68: {  	_ =	shalt  }
0x69: {  	_ =	shalt  }
0x6a: {  	_ =	shalt  }
0x6b: {  	_ =	shalt  }
0x6c: {  	_ =	shalt  }
0x6d: {  	_ =	shalt  }
0x6e: {  	_ =	shalt  }
0x6f: {  	_ =	shalt  }
0x70: {  	_ =	shalt  }
0x71: {  	_ =	shalt  }
0x72: {  	_ =	shalt  }
0x73: {  	_ =	shalt  }
0x74: {  	_ =	shalt  }
0x75: {  	_ =	shalt  }
0x76: {  	_ =	shalt  }
0x77: {  	_ =	shalt  }
0x78: {  	_ =	shalt  }
0x79: {  	_ =	shalt  }
0x7a: {  	_ =	shalt  }
0x7b: {  	_ =	shalt  }
0x7c: {  	_ =	shalt  }
0x7d: {  	_ =	shalt  }
0x7e: {  	_ =	shalt  }
0x7f: {  	_ =	shalt  }
0x80: {  	_ =	shalt  }
0x81: {  	_ =	shalt  }
0x82: {  	_ =	shalt  }
0x83: {  	_ =	shalt  }
0x84: {  	_ =	shalt  }
0x85: {  	_ =	shalt  }
0x86: {  	_ =	shalt  }
0x87: {  	_ =	shalt  }
.Lfunc_end0:
.L_simem_size_0:
called_computation.3_lowered:
.L_overlay_start_0:
0x88: {  	s2 =	sld [smem:$0x3FD9]  }
0x89: {  	s3 =	sld [smem:$0x3FFE];
	_ =	sdelay $0x1  }
0x8a: {  	s1 =	srdreg.scid  }
0x8b: {  	s0 =	sand.u32 $0x1, s1  }
0x8c: {  	s16 =	sshll.u32 s0, $0xA;
	s2 =	sadd.s32 s3, s2  }
0x8d: {  	s2 =	sadd.s32 s2, s16  }
0x8e: {  	[smem:$0x3FC0] =	sst s2  }
0x8f: {  	_ = 	snop  }
0x90: {  	(tm) =	ssettm $0x1  }
0x91: {  	s17 =	sld [smem:$0x3FFB];
	_ =	sdelay $0x3  }
0x92: {  	_ =	strace s17  }
0x93: {  	s2 =	sld [smem:$0x3FFC];
	_ =	sdelay $0x3  }
0x94: {  	_ =	strace s2  }
0x95: {  	s2 =	sld [smem:$0x3FFD];
	_ =	sdelay $0x3  }
0x96: {  	_ =	strace s2  }
0x97: {  	_ =	strace $0x8FFFFFFF  }
0x98: {  	s18 =	sld [smem:$0x3FDB];
	_ =	sdelay $0x1  }
0x99: {  	s19 =	simm.s32 $_scs_section_size  }
0x9a: {  	s4 =	simm.s32 $_size__tile_overlayer_lowered;
	s5 =	simm.s32 $_tile_overlayer_lowered  }
0x9b: {  	s22 =	simm.s32 $0x1BFF;
	s21 =	sshll.u32 s5, $0x1;
	s2 =	sadd.s32 s19, s18  }
0x9c: {  	s6 =	simm.s32 $0x0;
	s20 =	sshll.u32 s4, $0x1;
	s4 =	sadd.s32 s21, s2  }
0x9d: {  	[timem:s6], [sflag:s22] =	dma.local [hbm:s4], s20  }
0x9e: {  	_ =	swait.ge [sflag:s22], s20  }
0x9f: {  	s3 =	ssub.s32 $0x0, s20;
	[sflag:s22] =	ssyncset.done $0x0  }
0xa0: {  	[sflag:s22] =	ssyncadd.s32 s3;
	_ =	sdelay $0x1  }
0xa1: {  	s23 =	simm.s32 $0x1B8B  }
0xa2: {  	_ =	swait.ge [sflag:s23], $0x1  }
0xa3: {  	[sflag:s23] =	ssyncset.done $0x0  }
0xa4: {  	s25 =	simm.s32 $0x1B8E;
	s24 =	sld [smem:$0x3FFE];
	[sflag:s23] =	ssyncadd.s32 $0xFFFFFFFF  }
0xa5: {  	s26 =	simm.s32 $execute0_lowered;
	[smem:$0x3FD2] =	sst s25  }
0xa6: {  	s4 =	sshll.u32 s26, $0x1;
	_ =	strace $0x8000004F;
	[dreg:$0x1] =	wrdreg $0xFFFFFFFF  }
0xa7: {  	s28 =	simm.s32 $_size_execute0_lowered;
	s2 =	sadd.s32 s2, s4;
	[dreg:$0x0] =	wrdreg $0x0  }
0xa8: {  	s4 =	sshll.u32 s28, $0x1;
	[dreg:$0x2] =	wrdreg s2  }
0xa9: {  	[dreg:$0x3] =	wrdreg s4  }
0xaa: {  	[dreg:$0x4] =	wrdreg $0xC0  }
0xab: {  	_ =	task [dreg:s6], $0x5FFFF  }
0xac: {  	[dreg:$0x1] =	wrdreg $0xFFFFFFFF  }
0xad: {  	[dreg:$0x0] =	wrdreg $0x60  }
0xae: {  	[dreg:$0x2] =	wrdreg s24  }
0xaf: {  	[dreg:$0x3] =	wrdreg $0xA0000  }
0xb0: {  	[dreg:$0x4] =	wrdreg $0x9  }
0xb1: {  	_ =	task.clear_ibuf [dreg:s6], $0x5FFFF;
	_ =	strace $0x9000004F  }
0xb2: {  	s29 =	simm.s32 $0x9;
	_ =	strace $0x80000051  }
0xb3: {  	_ =	swait.ge [sflag:s29], $0x1  }
0xb4: {  	[sflag:s29] =	ssyncadd.s32 $0xFFFFFFFF  }
0xb5: {  	_ =	strace $0x90000051  }
0xb6: {  	_ =	sfence  }
0xb7: {  	s30 =	sld [smem:$0x0];
	_ =	sdelay $0x2  }
0xb8: {  	s31 =	sshll.u32 s1, $0xD;
	s1 =	sshrl.u32 s1, $0x2  }
0xb9: {  	s3 =	sand.u32 $0x4000, s31;
	s1 =	sadd.s32 s1, s30  }
0xba: {  	s0 =	sor.u32 s3, s0;
	s1 =	sshll.u32 s1, $0x11  }
0xbb: {  	s0 =	sor.u32 s1, s0  }
0xbc: {  	s0 =	sadd.s32 $0x8F2B, s0  }
0xbd: {  	[sflag:s0] =	ssyncadd.remote.s32 $0x1  }
0xbe: {  	_ =	sfence.sel $0xFFFF  }
0xbf: {  	[dreg:$0x0] =	wrdreg $0xFFFFFFFF;
	(pc) =	sbr.abs _section_cstart, $3  }
0xc0: {  	[dreg:$0x1] =	wrdreg $0xFFFFFFFF  }
0xc1: {  	_ =	task.clear_ibuf [dreg:s6], $0x2FFFF;
	_ =	strace $0x9FFFFFFF  }
0xc2: {  	(tm) =	ssettm $0x7FFFFFFF  }
0xc3: {  	_ =	shalt  }
tec
execute0_lowered:
.L_overlay_start_1:
0x0: {  	(tag) =	ssettag $0x1  }
0x1: {  	s0 =	rddreg [dreg:$0x0]  }
0x2: {  	s1 =	rddreg [dreg:$0x1];
	s2 =	simm.s32 $0x0  }
0x3: {  	s3 =	srdreg.scid;
	s12 =	stileid.u32;
	s28 =	simm.s32 $0x6000  }
0x4: {  	s29 =	simm.s32 $0x1;
	s30 =	simm.s32 $0x2;
	s31 =	simm.s32 $0x3  }
0x5: {  	[smem:$0x7FF] =	sst s2;
	s4 =	sadd.s32 $0x16A00, s0;
	s3 =	sand.u32 $0x1, s3  }
0x6: {  	s5 =	sadd.s32 $0x2A00, s0;
	s8 =	smul.u32 $0x50000, s12;
	s6 =	sadd.s32 $0xCA00, s0  }
0x7: {  	s0 =	sadd.s32 $0x3EA00, s0;
	s11 =	smul.u32 $0x14000, s12;
	s15 =	sshll.u32 s12, $0xC  }
0x8: {  	s12 =	sshll.u32 s12, $0xE;
	_ =	strace $0x80000050;
	s7 =	ssub.s32 $0x2, s3  }
0x9: {  	s10 =	smul.u32 $0x140000, s3;
	p0 =	seq.s32 s3, $0x0;
	s9 =	sshrl.u32 s7, $0x1  }
0xa: {  	s8 =	sshrl.u32 s8, $0x2;
	s17 =	sadd.s32 $0x4000, s11;
	s22 =	sadd.s32 $0x8000, s11  }
0xb: {  	s9 =	ssub.s32 s7, s9;
	s7 =	sor.u32 $0x40000, s15;
	s13 =	sadd.s32 s10, s11  }
0xc: {  	s8 =	sadd.s32 s8, s1;
	s20 =	sadd.s32 s10, s17;
	s23 =	sadd.s32 s10, s22  }
0xd: {  	s7 =	smov.u32 @p0 s12;
	s16 =	sshrl.u32 s13, $0x3;
	s9 =	smax.u32 s9, $0x1  }
0xe: {  	s18 =	sadd.s32 $0x4000, s8;
	s19 =	sadd.s32 $0x8000, s8;
	[dreg:$0x4] =	wrdreg s9  }
0xf: {  	s21 =	sadd.s32 $0xC000, s8;
	s14 =	sadd.s32 $0x10000, s8;
	[dreg:$0x5] =	wrdreg s18  }
0x10: {  	s13 =	sadd.s32 s22, s1;
	p0 =	sne.s32 s3, $0x0;
	[dreg:$0x6] =	wrdreg s19  }
0x11: {  	s3 =	simm.s32 $0x1F00;
	s12 =	sadd.s32 s0, s16;
	[dreg:$0x7] =	wrdreg s21  }
0x12: {  	[dreg:$0x8] =	wrdreg s14;
	s9 =	sadd.s32 s17, s1;
	s18 =	sadd.s32 $0xC000, s11  }
0x13: {  	s11 =	sadd.s32 $0x10000, s11;
	s19 =	simm.s32 $0x2000;
	s21 =	simm.s32 $0x1000  }
0x14: {  	[dreg:$0x3] =	wrdreg s12;
	s12 =	sshrl.u32 s20, $0x3;
	s24 =	sadd.s32 s10, s18  }
0x15: {  	s10 =	sadd.s32 s10, s11;
	s25 =	sadd.s32 s18, s1;
	s26 =	sadd.s32 s11, s1  }
0x16: {  	s20 =	simm.s32 $0x5;
	s22 =	sshrl.u32 s9, $0x3;
	s9 =	simm.s32 $0x1F80  }
0x17: {  	s15 =	sadd.s32 s0, s12;
	s12 =	sshrl.u32 s23, $0x3;
	s10 =	sshrl.u32 s10, $0x3  }
0x18: {  	s23 =	sshrl.u32 s13, $0x3;
	s16 =	sadd.s32 s0, s12;
	s12 =	sshrl.u32 s24, $0x3  }
0x19: {  	s18 =	sadd.s32 s0, s10;
	s24 =	sshrl.u32 s25, $0x3;
	s25 =	sshrl.u32 s26, $0x3  }
0x1a: {  	v0 =	vimm.f32 $0.0e+00;
	s26 =	simm.s32 $0x80;
	s17 =	sadd.s32 s0, s12;
	s0 =	simm.s32 $0x4  }
.LBB2_1:
0x1b: {  	s10 =	simm.s32 $0x0;
	s11 =	simm.s32 $0x200  }
.LBB2_2:
0x1c: {  	p1 =	sne.s32 s11, $0xFE00;
	[tilespmem:s10+$0x2070] =	vst v0  }
0x1d: {  	[tilespmem:s10+$0x2000] =	vst v0  }
0x1e: {  	[tilespmem:s10+$0x2010] =	vst v0  }
.Ltmp0:
0x1f: {  	[tilespmem:s10+$0x2020] =	vst v0;
	(pc) =	sbr.rel @p1 .LBB2_2-.Ltmp0, $4  }
0x20: {  	[tilespmem:s10+$0x2030] =	vst v0  }
0x21: {  	[tilespmem:s10+$0x2040] =	vst v0  }
0x22: {  	[tilespmem:s10+$0x2050] =	vst v0  }
0x23: {  	[tilespmem:s10+$0x2060] =	vst v0;
	s10 =	sshra.s32 s11, $0x2;
	s11 =	sadd.s32 $0x200, s11  }
0x24: {  	[tilespmem:s10+$0x2070] =	vst v0  }
0x25: {  	[tilespmem:s10+$0x2000] =	vst v0  }
0x26: {  	[tilespmem:s10+$0x2010] =	vst v0  }
0x27: {  	[tilespmem:s10+$0x2020] =	vst v0  }
0x28: {  	[tilespmem:s10+$0x2030] =	vst v0  }
0x29: {  	[tilespmem:s10+$0x2040] =	vst v0  }
0x2a: {  	[tilespmem:s10+$0x2050] =	vst v0  }
0x2b: {  	[tilespmem:s10+$0x2060] =	vst v0  }
0x2c: {  	[spmem:s8] =	stream.linear.scatter [tilespmem:s19], [sflag:$0x5], $0x4000, $0x38;
	[tilespmem:$0x1E000] =	vst v63  }
0x2d: {  	_ =	swait.ge [sflag:s20], $0x4000  }
0x2e: {  	[sflag:s20] =	ssyncset.done $0x0  }
0x2f: {  	s11 =	rddreg [dreg:$0x5];
	[sflag:s20] =	ssyncadd.s32 $0xFFFFC000  }
0x30: {  	[spmem:s11] =	stream.linear.scatter [tilespmem:s19], [sflag:$0x5], $0x4000, $0x38;
	[tilespmem:$0x1E000] =	vst v63  }
0x31: {  	_ =	swait.ge [sflag:s20], $0x4000  }
0x32: {  	[sflag:s20] =	ssyncset.done $0x0  }
0x33: {  	s12 =	rddreg [dreg:$0x6];
	[sflag:s20] =	ssyncadd.s32 $0xFFFFC000  }
0x34: {  	[spmem:s12] =	stream.linear.scatter [tilespmem:s19], [sflag:$0x5], $0x4000, $0x38;
	[tilespmem:$0x1E000] =	vst v63  }
0x35: {  	_ =	swait.ge [sflag:s20], $0x4000  }
0x36: {  	[sflag:s20] =	ssyncset.done $0x0  }
0x37: {  	s13 =	rddreg [dreg:$0x7];
	[sflag:s20] =	ssyncadd.s32 $0xFFFFC000  }
0x38: {  	[spmem:s13] =	stream.linear.scatter [tilespmem:s19], [sflag:$0x5], $0x4000, $0x38;
	[tilespmem:$0x1E000] =	vst v63  }
0x39: {  	_ =	swait.ge [sflag:s20], $0x4000  }
0x3a: {  	[sflag:s20] =	ssyncset.done $0x0  }
0x3b: {  	s14 =	rddreg [dreg:$0x8];
	[sflag:s20] =	ssyncadd.s32 $0xFFFFC000  }
0x3c: {  	[spmem:s14] =	stream.linear.scatter [tilespmem:s19], [sflag:$0x5], $0x4000, $0x38;
	[tilespmem:$0x1E000] =	vst v63  }
0x3d: {  	_ =	swait.ge [sflag:s20], $0x4000  }
0x3e: {  	[sflag:s20] =	ssyncset.done $0x0  }
0x3f: {  	[sflag:s20] =	ssyncadd.s32 $0xFFFFC000  }
0x40: {  	s10 =	simm.s32 $0x0;
	s11 =	simm.s32 $0x0;
	[bflag:$0x0] =	sbarrier.arrive $0xFFFF  }
.LBB2_4:
0x41: {  	s12 =	sshll.u32 s11, $0xC  }
0x42: {  	s12 =	sadd.s32 s7, s12  }
0x43: {  	s12 =	sshrl.u32 s12, $0x3  }
0x44: {  	s13 =	sadd.s32 s5, s12  }
0x45: {  	[tilespmem:s10], [sflag:$0x5] =	stream.linear.gather [hbm4b:s13+s10], $0x1000, $0x38;
	[tilespmem:$0x1E000] =	vst v63  }
0x46: {  	_ =	swait.ge [sflag:s20], $0x1000  }
0x47: {  	[sflag:s20] =	ssyncset.done $0x0  }
0x48: {  	s12 =	sadd.s32 s6, s12;
	[sflag:s20] =	ssyncadd.s32 $0xFFFFF000  }
0x49: {  	[tilespmem:s21], [sflag:$0x5] =	stream.linear.gather [hbm4b:s12+s10], $0x1000, $0x38;
	[tilespmem:$0x1E000] =	vst v63  }
0x4a: {  	_ =	swait.ge [sflag:s20], $0x1000  }
0x4b: {  	[sflag:s20] =	ssyncset.done $0x0  }
0x4c: {  	[sflag:s20] =	ssyncadd.s32 $0xFFFFF000  }
0x4d: {  	[tilespmem:s19], [sflag:$0x1] =	stream.indirect.gather [hbm4b:s4+s26], $0x80, s10, s26, $0xb8;
	[tilespmem:$0x1E000] =	vst v63  }
0x4e: {  	_ = 	snop  }
0x4f: {  	[tilespmem:s28], [sflag:$0x2] =	stream.indirect.gather [hbm4b:s4+s26], $0x80, s26, s26, $0xb8;
	[tilespmem:$0x1E000] =	vst v63  }
0x50: {  	_ =	swait.ge [sflag:s29], $0x4000  }
0x51: {  	[sflag:s29] =	ssyncset.done $0x0  }
0x52: {  	s14 =	simm.s32 $0x1000;
	[sflag:s29] =	ssyncadd.s32 $0xFFFFC000  }
0x53: {  	[spmem:s1] =	stream.indirect.scatter.add.f32 [tilespmem:s19], [sflag:$0x3], $0x80, s14, s26, $0xb8;
	[tilespmem:$0x1E000] =	vst v63  }
0x54: {  	_ =	swait.ge [sflag:s30], $0x4000  }
0x55: {  	[sflag:s30] =	ssyncset.done $0x0  }
0x56: {  	s13 =	simm.s32 $0x1080;
	[sflag:s30] =	ssyncadd.s32 $0xFFFFC000  }
0x57: {  	[spmem:s1] =	stream.indirect.scatter.add.f32 [tilespmem:s28], [sflag:$0x4], $0x80, s13, s26, $0xb8;
	[tilespmem:$0x1E000] =	vst v63  }
0x58: {  	_ =	swait.ge [sflag:s31], $0x4000  }
0x59: {  	[sflag:s31] =	ssyncset.done $0x0  }
0x5a: {  	s14 =	simm.s32 $0x100;
	[sflag:s31] =	ssyncadd.s32 $0xFFFFC000  }
0x5b: {  	[tilespmem:s19], [sflag:$0x1] =	stream.indirect.gather [hbm4b:s4+s26], $0x80, s14, s26, $0xb8;
	[tilespmem:$0x1E000] =	vst v63  }
0x5c: {  	_ =	swait.ge [sflag:s0], $0x4000  }
0x5d: {  	[sflag:s0] =	ssyncset.done $0x0  }
0x5e: {  	s12 =	simm.s32 $0x400;
	s13 =	simm.s32 $0x180;
	[sflag:s0] =	ssyncadd.s32 $0xFFFFC000  }
.LBB2_5:
0x5f: {  	[tilespmem:s28], [sflag:$0x2] =	stream.indirect.gather [hbm4b:s4+s26], $0x80, s13, s26, $0xb8;
	[tilespmem:$0x1E000] =	vst v63  }
0x60: {  	s13 =	smov.u32 s12  }
0x61: {  	p1 =	sne.s32 s12, $0x3800;
	s12 =	sadd.s32 $0x400, s12;
	_ =	swait.ge [sflag:s29], $0x4000  }
0x62: {  	s13 =	sshra.s32 s13, $0x2;
	[sflag:s29] =	ssyncset.done $0x0  }
0x63: {  	s14 =	sadd.s32 $0x1000, s13;
	[sflag:s29] =	ssyncadd.s32 $0xFFFFC000  }
0x64: {  	[spmem:s1] =	stream.indirect.scatter.add.f32 [tilespmem:s19], [sflag:$0x3], $0x80, s14, s26, $0xb8;
	[tilespmem:$0x1E000] =	vst v63  }
0x65: {  	_ =	swait.ge [sflag:s30], $0x4000  }
0x66: {  	[sflag:s30] =	ssyncset.done $0x0  }
0x67: {  	s14 =	sadd.s32 $0x1080, s13;
	[sflag:s30] =	ssyncadd.s32 $0xFFFFC000  }
0x68: {  	[spmem:s1] =	stream.indirect.scatter.add.f32 [tilespmem:s28], [sflag:$0x4], $0x80, s14, s26, $0xb8;
	[tilespmem:$0x1E000] =	vst v63  }
0x69: {  	_ =	swait.ge [sflag:s31], $0x4000  }
0x6a: {  	[sflag:s31] =	ssyncset.done $0x0  }
.Ltmp1:
0x6b: {  	s14 =	sadd.s32 $0x100, s13;
	[sflag:s31] =	ssyncadd.s32 $0xFFFFC000;
	(pc) =	sbr.rel @p1 .LBB2_5-.Ltmp1, $4  }
0x6c: {  	[tilespmem:s19], [sflag:$0x1] =	stream.indirect.gather [hbm4b:s4+s26], $0x80, s14, s26, $0xb8;
	[tilespmem:$0x1E000] =	vst v63  }
0x6d: {  	_ =	swait.ge [sflag:s0], $0x4000  }
0x6e: {  	[sflag:s0] =	ssyncset.done $0x0  }
0x6f: {  	s13 =	sadd.s32 $0x180, s13;
	[sflag:s0] =	ssyncadd.s32 $0xFFFFC000  }
0x70: {  	[tilespmem:s28], [sflag:$0x2] =	stream.indirect.gather [hbm4b:s4+s26], $0x80, s13, s26, $0xb8;
	[tilespmem:$0x1E000] =	vst v63  }
0x71: {  	_ =	swait.ge [sflag:s29], $0x4000  }
0x72: {  	[sflag:s29] =	ssyncset.done $0x0  }
0x73: {  	[sflag:s29] =	ssyncadd.s32 $0xFFFFC000  }
0x74: {  	[spmem:s1] =	stream.indirect.scatter.add.f32 [tilespmem:s19], [sflag:$0x3], $0x80, s3, s26, $0xb8;
	[tilespmem:$0x1E000] =	vst v63  }
0x75: {  	_ =	swait.ge [sflag:s31], $0x4000  }
0x76: {  	[sflag:s31] =	ssyncset.done $0x0  }
0x77: {  	[sflag:s31] =	ssyncadd.s32 $0xFFFFC000  }
0x78: {  	p1 =	slt.u32 @!p0 s11, $0x3;
	_ =	swait.ge [sflag:s30], $0x4000  }
0x79: {  	p1 =	por p0, !p1;
	[sflag:s30] =	ssyncset.done $0x0  }
.Ltmp2:
0x7a: {  	[sflag:s30] =	ssyncadd.s32 $0xFFFFC000;
	(pc) =	sbr.rel @!p1 .LBB2_4-.Ltmp2, $4  }
0x7b: {  	[spmem:s1] =	stream.indirect.scatter.add.f32 [tilespmem:s28], [sflag:$0x4], $0x80, s9, s26, $0xb8;
	[tilespmem:$0x1E000] =	vst v63  }
0x7c: {  	_ =	swait.ge [sflag:s0], $0x4000  }
0x7d: {  	[sflag:s0] =	ssyncset.done $0x0  }
0x7e: {  	s11 =	sadd.s32 $0x1, s11;
	[sflag:s0] =	ssyncadd.s32 $0xFFFFC000  }
0x7f: {  	s10 =	stileid.u32  }
0x80: {  	[bflag:$0x0] =	sbarrier.arrive $0xFFFF;
	s10 =	sshll.u32 s10, $0x6  }
0x81: {  	s11 =	sshrl.u32 s8, $0x3;
	s12 =	rddreg [dreg:$0x3];
	s10 =	sor.u32 $0x1C05, s10  }
0x82: {  	[hbm:s12], [sflag:s10] =	dma.local [spmem:s11], $0x800  }
0x83: {  	_ =	swait.ge [sflag:s20], $0x800  }
0x84: {  	[sflag:s20] =	ssyncset.done $0x0  }
0x85: {  	[sflag:s20] =	ssyncadd.s32 $0xFFFFF800  }
0x86: {  	[hbm:s15], [sflag:s10] =	dma.local [spmem:s22], $0x800  }
0x87: {  	_ =	swait.ge [sflag:s20], $0x800  }
0x88: {  	[sflag:s20] =	ssyncset.done $0x0  }
0x89: {  	[sflag:s20] =	ssyncadd.s32 $0xFFFFF800  }
0x8a: {  	[hbm:s16], [sflag:s10] =	dma.local [spmem:s23], $0x800  }
0x8b: {  	_ =	swait.ge [sflag:s20], $0x800  }
0x8c: {  	[sflag:s20] =	ssyncset.done $0x0  }
0x8d: {  	[sflag:s20] =	ssyncadd.s32 $0xFFFFF800  }
0x8e: {  	[hbm:s17], [sflag:s10] =	dma.local [spmem:s24], $0x800  }
0x8f: {  	_ =	swait.ge [sflag:s20], $0x800  }
0x90: {  	[sflag:s20] =	ssyncset.done $0x0  }
0x91: {  	[sflag:s20] =	ssyncadd.s32 $0xFFFFF800  }
0x92: {  	[hbm:s18], [sflag:s10] =	dma.local [spmem:s25], $0x800  }
0x93: {  	_ =	swait.ge [sflag:s20], $0x800  }
0x94: {  	s2 =	sadd.s32 $0x1, s2;
	s14 =	rddreg [dreg:$0x4]  }
0x95: {  	p1 =	sne.s32 s2, s14  }
.Ltmp3:
0x96: {  	_ = 	snop;
	(pc) =	sbr.rel @p1 .LBB2_1-.Ltmp3, $3  }
0x97: {  	_ =	sdelay $0x1  }
0x98: {  	[sflag:s20] =	ssyncset.done $0x0  }
0x99: {  	[sflag:s20] =	ssyncadd.s32 $0xFFFFF800  }
0x9a: {  	_ =	sfence.sel $0x180000  }
0x9b: {  	[bflag:$0x0] =	sbarrier.arrive $0xFFFF  }
0x9c: {  	_ =	strace $0x90000050  }
0x9d: {  	s0 =	stileid.u32;
	[bflag:$0x2] =	sbarrier.arrive $0xFFFF  }
0x9e: {  	p0 =	sne.s32 s0, $0x0;
	s0 =	rddreg [dreg:$0x2]  }
0x9f: {  	s0 =	sadd.s32 @!p0 $0x100000, s0  }
0xa0: {  	[sflag:s0] =	ssyncadd.tile.s32 @!p0 $0x1;
	_ =	shalt  }
.Lfunc_end2:
_tile_overlayer_lowered:
.L_overlay_start_2:
0xa1: {  	(tag) =	ssettag $0x2  }
0xa2: {  	s0 =	rddreg [dreg:$0x0];
	s2 =	stileid.u32  }
0xa3: {  	s1 =	rddreg [dreg:$0x1];
	p0 =	sne.s32 s2, $0x0  }
0xa4: {  	s3 =	rddreg [dreg:$0x2];
	[bflag:$0x3] =	sbarrier.arrive $0xFFFF;
	s2 =	simm.s32 @!p0 $0x1C05  }
0xa5: {  	[timem:s3], [sflag:s2] =	dma.local @!p0 [hbm:s0], s1  }
0xa6: {  	s0 =	simm.s32 @!p0 $0x5  }
0xa7: {  	_ =	swait.ge @!p0 [sflag:s0], s1  }
0xa8: {  	s1 =	ssub.s32 @!p0 $0x0, s1;
	[sflag:s0] =	ssyncset.done @!p0 $0x0  }
0xa9: {  	[sflag:s0] =	ssyncadd.s32 @!p0 s1  }
0xaa: {  	[bflag:$0x3] =	sbarrier.arrive $0xFFFF  }
0xab: {  	_ =	shalt  }

</sc_bundles>
